<compile_context>
chip_gen: v7x
topology: tpu7x:2x2x1
jax: 0.10.2.dev20260603
libtpu: 0.0.44.dev20260713+nightly
codegen_flags: <defaults>
</compile_context>

<pallas_src>
import functools

import jax
import jax.numpy as jnp
from jax import lax
from jax.experimental import pallas as pl
from jax.experimental.pallas import tpu as pltpu
from jax.experimental.pallas import tpu_sc as plsc

_B, _NC, _S, _D = 8, 256, 4096, 1024
_RB = 256
_TROWS = _B * _NC + 8
_BETA_ROW = _B * _NC

_NW = 32
_SLAB = _B * _S // _NW
_GR = 16
_NG = _NC // _GR


def _tc_body(hier_ref, cl_ref, w_ref, b_ref, gamma_ref, beta_ref,
             table_ref, off_ref):
    x = hier_ref[...]
    w = w_ref[...]
    y = lax.dot_general(x.astype(jnp.bfloat16), w.astype(jnp.bfloat16),
                        (((1,), (1,)), ((), ())),
                        preferred_element_type=jnp.float32)
    y = y + b_ref[...]
    mean = jnp.mean(y, axis=1, keepdims=True)
    c = y - mean
    var = jnp.mean(c * c, axis=1, keepdims=True)
    table_ref[pl.ds(0, _B * _NC), :] = (
        (c * lax.rsqrt(var + 1e-5)) * gamma_ref[...] + beta_ref[...])
    table_ref[pl.ds(_B * _NC, 8), :] = jnp.broadcast_to(beta_ref[...], (8, _D))

    cl = cl_ref[...].astype(jnp.float32)
    tri = (lax.broadcasted_iota(jnp.int32, (_NC, _NC), 0)
           <= lax.broadcasted_iota(jnp.int32, (_NC, _NC), 1))
    off = lax.dot_general(cl, tri.astype(jnp.float32),
                          (((1,), (0,)), ((), ())),
                          preferred_element_type=jnp.float32)
    off_ref[...] = off.astype(jnp.int32)


def _tc_stage(hier2, cl, b2, gamma2, beta2, w):
    return pl.pallas_call(
        _tc_body,
        out_shape=[
            jax.ShapeDtypeStruct((_TROWS, _D), jnp.float32),
            jax.ShapeDtypeStruct((_B, _NC), jnp.int32),
        ],
    )(hier2, cl, w, b2, gamma2, beta2)


def _sc_body(table_hbm, off_hbm, out_hbm, off_v, off_sm, beta_buf, ring,
             fsem, ssem):
    wid = lax.axis_index("s") * 2 + lax.axis_index("c")
    b = wid // 4
    t0 = (wid % 4) * _SLAB
    t1 = t0 + _SLAB
    base = b * _S

    pltpu.sync_copy(off_hbm.at[b], off_v)
    pltpu.sync_copy(table_hbm.at[pl.ds(_BETA_ROW, 8)], beta_buf)

    for gv in range(_NG):
        vec = off_v[pl.ds(gv * _GR, _GR)]
        for kk in range(_GR):
            off_sm[gv * _GR + kk] = vec[kk]

    def fetch(g):
        return pltpu.make_async_copy(
            table_hbm.at[pl.ds(b * _NC + g * _GR, _GR)],
            ring.at[pl.ds(g % 4 * _GR, _GR)], fsem)

    def fetch_wait():
        pltpu.make_async_copy(table_hbm.at[pl.ds(0, _GR)],
                              ring.at[pl.ds(0, _GR)], fsem).wait()

    def row_out(src_ref, k, p):
        return pltpu.make_async_copy(
            src_ref.at[pl.ds(k, 1)], out_hbm.at[pl.ds(base + p, 1)], ssem)

    def wait8(_, cc):
        pltpu.make_async_copy(beta_buf, out_hbm.at[pl.ds(0, 8)], ssem).wait()
        return cc

    def wait1(_, cc):
        row_out(ring, 0, 0).wait()
        return cc

    def drain(lo, hi):
        n8 = (hi - lo) // 8
        lax.fori_loop(0, n8, wait8, 0)
        lax.fori_loop(0, hi - lo - n8 * 8, wait1, 0)

    for g0 in range(3):
        fetch(g0).start()

    def group(g, carry):
        prev, issued, i1, i2 = carry
        fetch_wait()
        rbase = g % 4 * _GR

        def chunk(k, c2):
            prev_k, issued_k = c2
            e_c = off_sm[g * _GR + k]
            s = jnp.maximum(prev_k, t0)
            e = jnp.minimum(e_c, t1)
            n = jnp.maximum(e - s, 0)
            n4 = n // 4

            def emit4(i, cc):
                p = s + 4 * i
                for d in range(4):
                    row_out(ring, rbase + k, p + d).start()
                return cc

            def emit1(p, cc):
                row_out(ring, rbase + k, p).start()
                return cc

            lax.fori_loop(0, n4, emit4, 0)
            lax.fori_loop(s + 4 * n4, jnp.maximum(s, e), emit1, 0)
            return e_c, issued_k + n

        prev, issued = lax.fori_loop(0, _GR, chunk, (prev, issued))
        drain(i2, i1)

        @pl.when(g + 3 < _NG)
        def _():
            fetch(g + 3).start()
        return prev, issued, issued, i1

    zero = jnp.int32(0)
    prev, issued, i1, i2 = lax.fori_loop(
        0, _NG, group, (zero, zero, zero, zero))

    s = jnp.clip(prev, t0, t1)
    s8 = jnp.minimum((s + 7) // 8 * 8, t1)
    n8 = (t1 - s8) // 8

    def emit_beta1(p, cc):
        row_out(beta_buf, 0, p).start()
        return cc

    def emit_beta8(i, cc):
        dst = out_hbm.at[pl.ds(pl.multiple_of(base + s8 + 8 * i, 8), 8)]
        pltpu.make_async_copy(beta_buf, dst, ssem).start()
        return cc

    lax.fori_loop(s, s8, emit_beta1, 0)
    lax.fori_loop(0, n8, emit_beta8, 0)
    issued = issued + (t1 - s)
    drain(i2, issued)


@functools.cache
def _sc_expand():
    return pl.kernel(
        _sc_body,
        mesh=plsc.VectorSubcoreMesh(core_axis_name="c", subcore_axis_name="s"),
        out_type=jax.ShapeDtypeStruct((_B * _S, _D), jnp.float32),
        scratch_types=[
            pltpu.VMEM((_NC,), jnp.int32),
            pltpu.SMEM((_NC,), jnp.int32),
            pltpu.VMEM((8, _D), jnp.float32),
            pltpu.VMEM((4 * _GR, _D), jnp.float32),
            pltpu.SemaphoreType.DMA,
            pltpu.SemaphoreType.DMA,
        ],
    )


def kernel(hierarchical_representations, chunk_lengths, W, b, gamma, beta):
    hier2 = hierarchical_representations.reshape(_B * _NC, _D)
    table, off = _tc_stage(hier2, chunk_lengths,
                           b.reshape(1, _D), gamma.reshape(1, _D),
                           beta.reshape(1, _D), W)
    out = _sc_expand()(table, off)
    return out.reshape(_B, _S, _D)

# --- scband reference (transcript-rebuilt; emitter-appended) ---
"""Pipeline reference for scband-de-chunk-layer-63917703299657 (READ-ONLY COPY).

The authoritative reference and input builder live on the scoring server;
editing this copy changes nothing except your own understanding.
"""

import jax, jax.numpy as jnp
import numpy as np

B, NC, S, D = 8, 256, 4096, 1024

def setup_inputs(seed: int = 0):
    key = jax.random.key(seed)
    k1, k2, k3 = jax.random.split(key, 3)
    hierarchical_representations = jax.random.normal(k1, (B, NC, D), dtype=jnp.float32)
    chunk_lengths = jax.random.randint(k2, (B, NC), 0, 32)
    W = jax.random.normal(k3, (D, D), dtype=jnp.float32) * 0.02
    b = jnp.zeros((D,), dtype=jnp.float32)
    gamma = jnp.ones((D,), dtype=jnp.float32)
    beta = jnp.zeros((D,), dtype=jnp.float32)
    return {"hierarchical_representations": hierarchical_representations, "chunk_lengths": chunk_lengths, "W": W, "b": b, "gamma": gamma, "beta": beta}

def reference(hierarchical_representations, chunk_lengths, W, b, gamma, beta):
    # reconstruction_proj applied to every chunk representation
    proj = hierarchical_representations @ W.T + b  # [B, NC, D]
    # cumulative end-offsets of each chunk; zero-length chunks contribute nothing
    offsets = jnp.cumsum(chunk_lengths, axis=1)  # [B, NC]
    t = jnp.arange(S)
    def per_batch(proj_b, off_b):
        # first chunk whose end-offset exceeds position t (skips zero-length chunks,
        # equivalent to torch repeat+cat then truncate to seq_len)
        idx = jnp.searchsorted(off_b, t, side='right')
        out = jnp.take(proj_b, jnp.clip(idx, 0, NC - 1), axis=0)
        # positions beyond total chunk length are zero-padded
        mask = (t < off_b[-1])[:, None]
        return jnp.where(mask, out, 0.0)
    out = jax.vmap(per_batch)(proj, offsets)  # [B, S, D]
    # output LayerNorm
    mean = jnp.mean(out, axis=-1, keepdims=True)
    var = jnp.var(out, axis=-1, keepdims=True)
    normed = (out - mean) / jnp.sqrt(var + 1e-5)
    return normed * gamma + beta

if __name__ == "__main__":
    import jax
    _d = setup_inputs()
    print(jax.jit(kernel)(*tuple(_d.values())))

</pallas_src>

<mosaic_0001>
#map = affine_map<(d0, d1) -> (0, 0)>
module attributes {stable_mosaic.version = 14 : i64} {
  func.func @_sc_body(%arg0: i32, %arg1: i32, %arg2: memref<2056x1024xf32, #tpu.memory_space<hbm>>, %arg3: memref<8x256xi32, #tpu.memory_space<hbm>>, %arg4: memref<32768x1024xf32, #tpu.memory_space<hbm>>, %arg5: memref<256xi32, #tpu.memory_space<vmem>>, %arg6: memref<256xi32, #tpu.memory_space<smem>>, %arg7: memref<8x1024xf32, #tpu.memory_space<vmem>>, %arg8: memref<64x1024xf32, #tpu.memory_space<vmem>>, %arg9: memref<!tpu.dma_semaphore, #tpu.memory_space<semaphore_mem>>, %arg10: memref<!tpu.dma_semaphore, #tpu.memory_space<semaphore_mem>>) attributes {dimension_semantics = [#tpu.dimension_semantics<core_parallel>, #tpu.dimension_semantics<subcore_parallel>], iteration_bounds = array<i64: 2, 16>, scalar_prefetch = 0 : i64, scratch_operands = 6 : i64, tpu.core_type = #tpu.core_type<sc_vector_subcore>, window_params = [{transform_indices = #map}, {transform_indices = #map}, {transform_indices = #map}]} {
    %mul3A = arith.constant 2 : i32
    %mul3A_0 = arith.muli %arg1, %mul3A : i32
    %add3A = arith.addi %mul3A_0, %arg0 : i32
    %jit3A = arith.constant 4 : i32
    %div3A = arith.divsi %add3A, %jit3A : i32
    %sign3A = arith.constant 0 : i32
    %sign3A_1 = arith.cmpi sgt, %add3A, %sign3A : i32
    %sign3A_2 = arith.extui %sign3A_1 : i1 to i32
    %sign3A_3 = arith.constant 0 : i32
    %sign3A_4 = arith.cmpi slt, %add3A, %sign3A_3 : i32
    %sign3A_5 = arith.extui %sign3A_4 : i1 to i32
    %sign3A_6 = arith.subi %sign3A_2, %sign3A_5 : i32
    %sign3A_7 = arith.constant 0 : i32
    %sign3A_8 = arith.cmpi sgt, %jit3A, %sign3A_7 : i32
    %sign3A_9 = arith.extui %sign3A_8 : i1 to i32
    %sign3A_10 = arith.constant 0 : i32
    %sign3A_11 = arith.cmpi slt, %jit3A, %sign3A_10 : i32
    %sign3A_12 = arith.extui %sign3A_11 : i1 to i32
    %sign3A_13 = arith.subi %sign3A_9, %sign3A_12 : i32
    %ne3A = arith.cmpi ne, %sign3A_6, %sign3A_13 : i32
    %rem3A = arith.remsi %add3A, %jit3A : i32
    %ne3A_14 = arith.constant 0 : i32
    %ne3A_15 = arith.cmpi ne, %rem3A, %ne3A_14 : i32
    %and3A = arith.andi %ne3A, %ne3A_15 : i1
    %sub3A = arith.constant 1 : i32
    %sub3A_16 = arith.subi %div3A, %sub3A : i32
    %select_n3A = arith.select %and3A, %sub3A_16, %div3A : i32
    %jit3A_17 = arith.constant 4 : i32
    %eq3A = arith.constant 0 : i32
    %eq3A_18 = arith.cmpi eq, %jit3A_17, %eq3A : i32
    %jit3A_19 = arith.constant 1 : i32
    %select_n3A_20 = arith.select %eq3A_18, %jit3A_19, %jit3A_17 : i32
    %rem3A_21 = arith.remsi %add3A, %select_n3A_20 : i32
    %ne3A_22 = arith.constant 0 : i32
    %ne3A_23 = arith.cmpi ne, %rem3A_21, %ne3A_22 : i32
    %lt3A = arith.constant 0 : i32
    %lt3A_24 = arith.cmpi slt, %rem3A_21, %lt3A : i32
    %lt3A_25 = arith.constant 0 : i32
    %lt3A_26 = arith.cmpi slt, %select_n3A_20, %lt3A_25 : i32
    %ne3A_27 = arith.xori %lt3A_24, %lt3A_26 : i1
    %and3A_28 = arith.andi %ne3A_27, %ne3A_23 : i1
    %add3A_29 = arith.addi %rem3A_21, %select_n3A_20 : i32
    %select_n3A_30 = arith.select %and3A_28, %add3A_29, %rem3A_21 : i32
    %mul3A_31 = arith.constant 1024 : i32
    %mul3A_32 = arith.muli %select_n3A_30, %mul3A_31 : i32
    %add3A_33 = arith.constant 1024 : i32
    %add3A_34 = arith.addi %mul3A_32, %add3A_33 : i32
    %mul3A_35 = arith.constant 4096 : i32
    %mul3A_36 = arith.muli %select_n3A, %mul3A_35 : i32
    "tpu.region"() ({
      %run_scoped3A = tpu.sem_alloc : memref<!tpu.dma_semaphore, #tpu.memory_space<semaphore_mem>>
      %dma_start3A_1534 = arith.constant 0 : i32
      %dma_start3A_1535 = tpu.memref_slice %arg3[%select_n3A, %dma_start3A_1534] : memref<8x256xi32, #tpu.memory_space<hbm>> -> memref<1x256xi32, #tpu.memory_space<hbm>>
      %dma_start3A_1536 = tpu.memref_squeeze %dma_start3A_1535 : memref<1x256xi32, #tpu.memory_space<hbm>> -> memref<256xi32, #tpu.memory_space<hbm>>
      %dma_start3A_1537 = arith.constant 0 : i32
      %dma_start3A_1538 = tpu.memref_slice %arg3[%select_n3A, %dma_start3A_1537] : memref<8x256xi32, #tpu.memory_space<hbm>> -> memref<1x256xi32, #tpu.memory_space<hbm>>
      %dma_start3A_1539 = tpu.memref_squeeze %dma_start3A_1538 : memref<1x256xi32, #tpu.memory_space<hbm>> -> memref<256xi32, #tpu.memory_space<hbm>>
      tpu.enqueue_dma source(%dma_start3A_1539 : memref<256xi32, #tpu.memory_space<hbm>>) target(%arg5 : memref<256xi32, #tpu.memory_space<vmem>>) target_semaphore(%run_scoped3A : memref<!tpu.dma_semaphore, #tpu.memory_space<semaphore_mem>>)
      %dma_wait3A = arith.constant 0 : i32
      %dma_wait3A_1540 = tpu.memref_slice %arg3[%select_n3A, %dma_wait3A] : memref<8x256xi32, #tpu.memory_space<hbm>> -> memref<1x256xi32, #tpu.memory_space<hbm>>
      %dma_wait3A_1541 = tpu.memref_squeeze %dma_wait3A_1540 : memref<1x256xi32, #tpu.memory_space<hbm>> -> memref<256xi32, #tpu.memory_space<hbm>>
      %dma_wait3A_1542 = arith.constant 0 : i32
      %dma_wait3A_1543 = tpu.memref_slice %arg3[%select_n3A, %dma_wait3A_1542] : memref<8x256xi32, #tpu.memory_space<hbm>> -> memref<1x256xi32, #tpu.memory_space<hbm>>
      %dma_wait3A_1544 = tpu.memref_squeeze %dma_wait3A_1543 : memref<1x256xi32, #tpu.memory_space<hbm>> -> memref<256xi32, #tpu.memory_space<hbm>>
      tpu.wait_dma2 semaphore(%run_scoped3A : memref<!tpu.dma_semaphore, #tpu.memory_space<semaphore_mem>>) src(%dma_wait3A_1544 : memref<256xi32, #tpu.memory_space<hbm>>) dst(%arg5 : memref<256xi32, #tpu.memory_space<vmem>>)
      tpu.yield
    }) : () -> ()
    "tpu.region"() ({
      %run_scoped3A = tpu.sem_alloc : memref<!tpu.dma_semaphore, #tpu.memory_space<semaphore_mem>>
      %dma_start3A_1534 = arith.constant 2048 : i32
      %dma_start3A_1535 = arith.constant 0 : i32
      %dma_start3A_1536 = tpu.memref_slice %arg2[%dma_start3A_1534, %dma_start3A_1535] : memref<2056x1024xf32, #tpu.memory_space<hbm>> -> memref<8x1024xf32, #tpu.memory_space<hbm>>
      %dma_start3A_1537 = arith.constant 2048 : i32
      %dma_start3A_1538 = arith.constant 0 : i32
      %dma_start3A_1539 = tpu.memref_slice %arg2[%dma_start3A_1537, %dma_start3A_1538] : memref<2056x1024xf32, #tpu.memory_space<hbm>> -> memref<8x1024xf32, #tpu.memory_space<hbm>>
      tpu.enqueue_dma source(%dma_start3A_1539 : memref<8x1024xf32, #tpu.memory_space<hbm>>) target(%arg7 : memref<8x1024xf32, #tpu.memory_space<vmem>>) target_semaphore(%run_scoped3A : memref<!tpu.dma_semaphore, #tpu.memory_space<semaphore_mem>>)
      %dma_wait3A = arith.constant 2048 : i32
      %dma_wait3A_1540 = arith.constant 0 : i32
      %dma_wait3A_1541 = tpu.memref_slice %arg2[%dma_wait3A, %dma_wait3A_1540] : memref<2056x1024xf32, #tpu.memory_space<hbm>> -> memref<8x1024xf32, #tpu.memory_space<hbm>>
      %dma_wait3A_1542 = arith.constant 2048 : i32
      %dma_wait3A_1543 = arith.constant 0 : i32
      %dma_wait3A_1544 = tpu.memref_slice %arg2[%dma_wait3A_1542, %dma_wait3A_1543] : memref<2056x1024xf32, #tpu.memory_space<hbm>> -> memref<8x1024xf32, #tpu.memory_space<hbm>>
      tpu.wait_dma2 semaphore(%run_scoped3A : memref<!tpu.dma_semaphore, #tpu.memory_space<semaphore_mem>>) src(%dma_wait3A_1544 : memref<8x1024xf32, #tpu.memory_space<hbm>>) dst(%arg7 : memref<8x1024xf32, #tpu.memory_space<vmem>>)
      tpu.yield
    }) : () -> ()
    %get3A = arith.constant 0 : index
    %get3A_37 = tpu.vector_load %arg5[%get3A] {strides = array<i32>} : memref<256xi32, #tpu.memory_space<vmem>>, vector<16xi32>,
    %get3A_38 = vector.shape_cast %get3A_37 : vector<16xi32> to vector<16xi32>
    %slice3A = vector.extract_strided_slice %get3A_38 {offsets = [0], sizes = [1], strides = [1]} : vector<16xi32> to vector<1xi32>
    %squeeze3A = vector.extract %slice3A[0] : i32 from vector<1xi32>
    %swap3A = arith.constant 0 : i32
    %swap3A_39 = arith.index_cast %swap3A : i32 to index
    %swap3A_40 = memref.load %arg6[%swap3A_39] : memref<256xi32, #tpu.memory_space<smem>>
    memref.store %squeeze3A, %arg6[%swap3A_39] : memref<256xi32, #tpu.memory_space<smem>>
    %slice3A_41 = vector.extract_strided_slice %get3A_38 {offsets = [1], sizes = [1], strides = [1]} : vector<16xi32> to vector<1xi32>
    %squeeze3A_42 = vector.extract %slice3A_41[0] : i32 from vector<1xi32>
    %swap3A_43 = arith.constant 1 : i32
    %swap3A_44 = arith.index_cast %swap3A_43 : i32 to index
    %swap3A_45 = memref.load %arg6[%swap3A_44] : memref<256xi32, #tpu.memory_space<smem>>
    memref.store %squeeze3A_42, %arg6[%swap3A_44] : memref<256xi32, #tpu.memory_space<smem>>
    %slice3A_46 = vector.extract_strided_slice %get3A_38 {offsets = [2], sizes = [1], strides = [1]} : vector<16xi32> to vector<1xi32>
    %squeeze3A_47 = vector.extract %slice3A_46[0] : i32 from vector<1xi32>
    %swap3A_48 = arith.constant 2 : i32
    %swap3A_49 = arith.index_cast %swap3A_48 : i32 to index
    %swap3A_50 = memref.load %arg6[%swap3A_49] : memref<256xi32, #tpu.memory_space<smem>>
    memref.store %squeeze3A_47, %arg6[%swap3A_49] : memref<256xi32, #tpu.memory_space<smem>>
    %slice3A_51 = vector.extract_strided_slice %get3A_38 {offsets = [3], sizes = [1], strides = [1]} : vector<16xi32> to vector<1xi32>
    %squeeze3A_52 = vector.extract %slice3A_51[0] : i32 from vector<1xi32>
    %swap3A_53 = arith.constant 3 : i32
    %swap3A_54 = arith.index_cast %swap3A_53 : i32 to index
    %swap3A_55 = memref.load %arg6[%swap3A_54] : memref<256xi32, #tpu.memory_space<smem>>
    memref.store %squeeze3A_52, %arg6[%swap3A_54] : memref<256xi32, #tpu.memory_space<smem>>
    %slice3A_56 = vector.extract_strided_slice %get3A_38 {offsets = [4], sizes = [1], strides = [1]} : vector<16xi32> to vector<1xi32>
    %squeeze3A_57 = vector.extract %slice3A_56[0] : i32 from vector<1xi32>
    %swap3A_58 = arith.constant 4 : i32
    %swap3A_59 = arith.index_cast %swap3A_58 : i32 to index
    %swap3A_60 = memref.load %arg6[%swap3A_59] : memref<256xi32, #tpu.memory_space<smem>>
    memref.store %squeeze3A_57, %arg6[%swap3A_59] : memref<256xi32, #tpu.memory_space<smem>>
    %slice3A_61 = vector.extract_strided_slice %get3A_38 {offsets = [5], sizes = [1], strides = [1]} : vector<16xi32> to vector<1xi32>
    %squeeze3A_62 = vector.extract %slice3A_61[0] : i32 from vector<1xi32>
    %swap3A_63 = arith.constant 5 : i32
    %swap3A_64 = arith.index_cast %swap3A_63 : i32 to index
    %swap3A_65 = memref.load %arg6[%swap3A_64] : memref<256xi32, #tpu.memory_space<smem>>
    memref.store %squeeze3A_62, %arg6[%swap3A_64] : memref<256xi32, #tpu.memory_space<smem>>
    %slice3A_66 = vector.extract_strided_slice %get3A_38 {offsets = [6], sizes = [1], strides = [1]} : vector<16xi32> to vector<1xi32>
    %squeeze3A_67 = vector.extract %slice3A_66[0] : i32 from vector<1xi32>
    %swap3A_68 = arith.constant 6 : i32
    %swap3A_69 = arith.index_cast %swap3A_68 : i32 to index
    %swap3A_70 = memref.load %arg6[%swap3A_69] : memref<256xi32, #tpu.memory_space<smem>>
    memref.store %squeeze3A_67, %arg6[%swap3A_69] : memref<256xi32, #tpu.memory_space<smem>>
    %slice3A_71 = vector.extract_strided_slice %get3A_38 {offsets = [7], sizes = [1], strides = [1]} : vector<16xi32> to vector<1xi32>
    %squeeze3A_72 = vector.extract %slice3A_71[0] : i32 from vector<1xi32>
    %swap3A_73 = arith.constant 7 : i32
    %swap3A_74 = arith.index_cast %swap3A_73 : i32 to index
    %swap3A_75 = memref.load %arg6[%swap3A_74] : memref<256xi32, #tpu.memory_space<smem>>
    memref.store %squeeze3A_72, %arg6[%swap3A_74] : memref<256xi32, #tpu.memory_space<smem>>
    %slice3A_76 = vector.extract_strided_slice %get3A_38 {offsets = [8], sizes = [1], strides = [1]} : vector<16xi32> to vector<1xi32>
    %squeeze3A_77 = vector.extract %slice3A_76[0] : i32 from vector<1xi32>
    %swap3A_78 = arith.constant 8 : i32
    %swap3A_79 = arith.index_cast %swap3A_78 : i32 to index
    %swap3A_80 = memref.load %arg6[%swap3A_79] : memref<256xi32, #tpu.memory_space<smem>>
    memref.store %squeeze3A_77, %arg6[%swap3A_79] : memref<256xi32, #tpu.memory_space<smem>>
    %slice3A_81 = vector.extract_strided_slice %get3A_38 {offsets = [9], sizes = [1], strides = [1]} : vector<16xi32> to vector<1xi32>
    %squeeze3A_82 = vector.extract %slice3A_81[0] : i32 from vector<1xi32>
    %swap3A_83 = arith.constant 9 : i32
    %swap3A_84 = arith.index_cast %swap3A_83 : i32 to index
    %swap3A_85 = memref.load %arg6[%swap3A_84] : memref<256xi32, #tpu.memory_space<smem>>
    memref.store %squeeze3A_82, %arg6[%swap3A_84] : memref<256xi32, #tpu.memory_space<smem>>
    %slice3A_86 = vector.extract_strided_slice %get3A_38 {offsets = [10], sizes = [1], strides = [1]} : vector<16xi32> to vector<1xi32>
    %squeeze3A_87 = vector.extract %slice3A_86[0] : i32 from vector<1xi32>
    %swap3A_88 = arith.constant 10 : i32
    %swap3A_89 = arith.index_cast %swap3A_88 : i32 to index
    %swap3A_90 = memref.load %arg6[%swap3A_89] : memref<256xi32, #tpu.memory_space<smem>>
    memref.store %squeeze3A_87, %arg6[%swap3A_89] : memref<256xi32, #tpu.memory_space<smem>>
    %slice3A_91 = vector.extract_strided_slice %get3A_38 {offsets = [11], sizes = [1], strides = [1]} : vector<16xi32> to vector<1xi32>
    %squeeze3A_92 = vector.extract %slice3A_91[0] : i32 from vector<1xi32>
    %swap3A_93 = arith.constant 11 : i32
    %swap3A_94 = arith.index_cast %swap3A_93 : i32 to index
    %swap3A_95 = memref.load %arg6[%swap3A_94] : memref<256xi32, #tpu.memory_space<smem>>
    memref.store %squeeze3A_92, %arg6[%swap3A_94] : memref<256xi32, #tpu.memory_space<smem>>
    %slice3A_96 = vector.extract_strided_slice %get3A_38 {offsets = [12], sizes = [1], strides = [1]} : vector<16xi32> to vector<1xi32>
    %squeeze3A_97 = vector.extract %slice3A_96[0] : i32 from vector<1xi32>
    %swap3A_98 = arith.constant 12 : i32
    %swap3A_99 = arith.index_cast %swap3A_98 : i32 to index
    %swap3A_100 = memref.load %arg6[%swap3A_99] : memref<256xi32, #tpu.memory_space<smem>>
    memref.store %squeeze3A_97, %arg6[%swap3A_99] : memref<256xi32, #tpu.memory_space<smem>>
    %slice3A_101 = vector.extract_strided_slice %get3A_38 {offsets = [13], sizes = [1], strides = [1]} : vector<16xi32> to vector<1xi32>
    %squeeze3A_102 = vector.extract %slice3A_101[0] : i32 from vector<1xi32>
    %swap3A_103 = arith.constant 13 : i32
    %swap3A_104 = arith.index_cast %swap3A_103 : i32 to index
    %swap3A_105 = memref.load %arg6[%swap3A_104] : memref<256xi32, #tpu.memory_space<smem>>
    memref.store %squeeze3A_102, %arg6[%swap3A_104] : memref<256xi32, #tpu.memory_space<smem>>
    %slice3A_106 = vector.extract_strided_slice %get3A_38 {offsets = [14], sizes = [1], strides = [1]} : vector<16xi32> to vector<1xi32>
    %squeeze3A_107 = vector.extract %slice3A_106[0] : i32 from vector<1xi32>
    %swap3A_108 = arith.constant 14 : i32
    %swap3A_109 = arith.index_cast %swap3A_108 : i32 to index
    %swap3A_110 = memref.load %arg6[%swap3A_109] : memref<256xi32, #tpu.memory_space<smem>>
    memref.store %squeeze3A_107, %arg6[%swap3A_109] : memref<256xi32, #tpu.memory_space<smem>>
    %slice3A_111 = vector.extract_strided_slice %get3A_38 {offsets = [15], sizes = [1], strides = [1]} : vector<16xi32> to vector<1xi32>
    %squeeze3A_112 = vector.extract %slice3A_111[0] : i32 from vector<1xi32>
    %swap3A_113 = arith.constant 15 : i32
    %swap3A_114 = arith.index_cast %swap3A_113 : i32 to index
    %swap3A_115 = memref.load %arg6[%swap3A_114] : memref<256xi32, #tpu.memory_space<smem>>
    memref.store %squeeze3A_112, %arg6[%swap3A_114] : memref<256xi32, #tpu.memory_space<smem>>
    %get3A_116 = arith.constant 16 : index
    %get3A_117 = tpu.vector_load %arg5[%get3A_116] {strides = array<i32>} : memref<256xi32, #tpu.memory_space<vmem>>, vector<16xi32>,
    %get3A_118 = vector.shape_cast %get3A_117 : vector<16xi32> to vector<16xi32>
    %slice3A_119 = vector.extract_strided_slice %get3A_118 {offsets = [0], sizes = [1], strides = [1]} : vector<16xi32> to vector<1xi32>
    %squeeze3A_120 = vector.extract %slice3A_119[0] : i32 from vector<1xi32>
    %swap3A_121 = arith.constant 16 : i32
    %swap3A_122 = arith.index_cast %swap3A_121 : i32 to index
    %swap3A_123 = memref.load %arg6[%swap3A_122] : memref<256xi32, #tpu.memory_space<smem>>
    memref.store %squeeze3A_120, %arg6[%swap3A_122] : memref<256xi32, #tpu.memory_space<smem>>
    %slice3A_124 = vector.extract_strided_slice %get3A_118 {offsets = [1], sizes = [1], strides = [1]} : vector<16xi32> to vector<1xi32>
    %squeeze3A_125 = vector.extract %slice3A_124[0] : i32 from vector<1xi32>
    %swap3A_126 = arith.constant 17 : i32
    %swap3A_127 = arith.index_cast %swap3A_126 : i32 to index
    %swap3A_128 = memref.load %arg6[%swap3A_127] : memref<256xi32, #tpu.memory_space<smem>>
    memref.store %squeeze3A_125, %arg6[%swap3A_127] : memref<256xi32, #tpu.memory_space<smem>>
    %slice3A_129 = vector.extract_strided_slice %get3A_118 {offsets = [2], sizes = [1], strides = [1]} : vector<16xi32> to vector<1xi32>
    %squeeze3A_130 = vector.extract %slice3A_129[0] : i32 from vector<1xi32>
    %swap3A_131 = arith.constant 18 : i32
    %swap3A_132 = arith.index_cast %swap3A_131 : i32 to index
    %swap3A_133 = memref.load %arg6[%swap3A_132] : memref<256xi32, #tpu.memory_space<smem>>
    memref.store %squeeze3A_130, %arg6[%swap3A_132] : memref<256xi32, #tpu.memory_space<smem>>
    %slice3A_134 = vector.extract_strided_slice %get3A_118 {offsets = [3], sizes = [1], strides = [1]} : vector<16xi32> to vector<1xi32>
    %squeeze3A_135 = vector.extract %slice3A_134[0] : i32 from vector<1xi32>
    %swap3A_136 = arith.constant 19 : i32
    %swap3A_137 = arith.index_cast %swap3A_136 : i32 to index
    %swap3A_138 = memref.load %arg6[%swap3A_137] : memref<256xi32, #tpu.memory_space<smem>>
    memref.store %squeeze3A_135, %arg6[%swap3A_137] : memref<256xi32, #tpu.memory_space<smem>>
    %slice3A_139 = vector.extract_strided_slice %get3A_118 {offsets = [4], sizes = [1], strides = [1]} : vector<16xi32> to vector<1xi32>
    %squeeze3A_140 = vector.extract %slice3A_139[0] : i32 from vector<1xi32>
    %swap3A_141 = arith.constant 20 : i32
    %swap3A_142 = arith.index_cast %swap3A_141 : i32 to index
    %swap3A_143 = memref.load %arg6[%swap3A_142] : memref<256xi32, #tpu.memory_space<smem>>
    memref.store %squeeze3A_140, %arg6[%swap3A_142] : memref<256xi32, #tpu.memory_space<smem>>
    %slice3A_144 = vector.extract_strided_slice %get3A_118 {offsets = [5], sizes = [1], strides = [1]} : vector<16xi32> to vector<1xi32>
    %squeeze3A_145 = vector.extract %slice3A_144[0] : i32 from vector<1xi32>
    %swap3A_146 = arith.constant 21 : i32
    %swap3A_147 = arith.index_cast %swap3A_146 : i32 to index
    %swap3A_148 = memref.load %arg6[%swap3A_147] : memref<256xi32, #tpu.memory_space<smem>>
    memref.store %squeeze3A_145, %arg6[%swap3A_147] : memref<256xi32, #tpu.memory_space<smem>>
    %slice3A_149 = vector.extract_strided_slice %get3A_118 {offsets = [6], sizes = [1], strides = [1]} : vector<16xi32> to vector<1xi32>
    %squeeze3A_150 = vector.extract %slice3A_149[0] : i32 from vector<1xi32>
    %swap3A_151 = arith.constant 22 : i32
    %swap3A_152 = arith.index_cast %swap3A_151 : i32 to index
    %swap3A_153 = memref.load %arg6[%swap3A_152] : memref<256xi32, #tpu.memory_space<smem>>
    memref.store %squeeze3A_150, %arg6[%swap3A_152] : memref<256xi32, #tpu.memory_space<smem>>
    %slice3A_154 = vector.extract_strided_slice %get3A_118 {offsets = [7], sizes = [1], strides = [1]} : vector<16xi32> to vector<1xi32>
    %squeeze3A_155 = vector.extract %slice3A_154[0] : i32 from vector<1xi32>
    %swap3A_156 = arith.constant 23 : i32
    %swap3A_157 = arith.index_cast %swap3A_156 : i32 to index
    %swap3A_158 = memref.load %arg6[%swap3A_157] : memref<256xi32, #tpu.memory_space<smem>>
    memref.store %squeeze3A_155, %arg6[%swap3A_157] : memref<256xi32, #tpu.memory_space<smem>>
    %slice3A_159 = vector.extract_strided_slice %get3A_118 {offsets = [8], sizes = [1], strides = [1]} : vector<16xi32> to vector<1xi32>
    %squeeze3A_160 = vector.extract %slice3A_159[0] : i32 from vector<1xi32>
    %swap3A_161 = arith.constant 24 : i32
    %swap3A_162 = arith.index_cast %swap3A_161 : i32 to index
    %swap3A_163 = memref.load %arg6[%swap3A_162] : memref<256xi32, #tpu.memory_space<smem>>
    memref.store %squeeze3A_160, %arg6[%swap3A_162] : memref<256xi32, #tpu.memory_space<smem>>
    %slice3A_164 = vector.extract_strided_slice %get3A_118 {offsets = [9], sizes = [1], strides = [1]} : vector<16xi32> to vector<1xi32>
    %squeeze3A_165 = vector.extract %slice3A_164[0] : i32 from vector<1xi32>
    %swap3A_166 = arith.constant 25 : i32
    %swap3A_167 = arith.index_cast %swap3A_166 : i32 to index
    %swap3A_168 = memref.load %arg6[%swap3A_167] : memref<256xi32, #tpu.memory_space<smem>>
    memref.store %squeeze3A_165, %arg6[%swap3A_167] : memref<256xi32, #tpu.memory_space<smem>>
    %slice3A_169 = vector.extract_strided_slice %get3A_118 {offsets = [10], sizes = [1], strides = [1]} : vector<16xi32> to vector<1xi32>
    %squeeze3A_170 = vector.extract %slice3A_169[0] : i32 from vector<1xi32>
    %swap3A_171 = arith.constant 26 : i32
    %swap3A_172 = arith.index_cast %swap3A_171 : i32 to index
    %swap3A_173 = memref.load %arg6[%swap3A_172] : memref<256xi32, #tpu.memory_space<smem>>
    memref.store %squeeze3A_170, %arg6[%swap3A_172] : memref<256xi32, #tpu.memory_space<smem>>
    %slice3A_174 = vector.extract_strided_slice %get3A_118 {offsets = [11], sizes = [1], strides = [1]} : vector<16xi32> to vector<1xi32>
    %squeeze3A_175 = vector.extract %slice3A_174[0] : i32 from vector<1xi32>
    %swap3A_176 = arith.constant 27 : i32
    %swap3A_177 = arith.index_cast %swap3A_176 : i32 to index
    %swap3A_178 = memref.load %arg6[%swap3A_177] : memref<256xi32, #tpu.memory_space<smem>>
    memref.store %squeeze3A_175, %arg6[%swap3A_177] : memref<256xi32, #tpu.memory_space<smem>>
    %slice3A_179 = vector.extract_strided_slice %get3A_118 {offsets = [12], sizes = [1], strides = [1]} : vector<16xi32> to vector<1xi32>
    %squeeze3A_180 = vector.extract %slice3A_179[0] : i32 from vector<1xi32>
    %swap3A_181 = arith.constant 28 : i32
    %swap3A_182 = arith.index_cast %swap3A_181 : i32 to index
    %swap3A_183 = memref.load %arg6[%swap3A_182] : memref<256xi32, #tpu.memory_space<smem>>
    memref.store %squeeze3A_180, %arg6[%swap3A_182] : memref<256xi32, #tpu.memory_space<smem>>
    %slice3A_184 = vector.extract_strided_slice %get3A_118 {offsets = [13], sizes = [1], strides = [1]} : vector<16xi32> to vector<1xi32>
    %squeeze3A_185 = vector.extract %slice3A_184[0] : i32 from vector<1xi32>
    %swap3A_186 = arith.constant 29 : i32
    %swap3A_187 = arith.index_cast %swap3A_186 : i32 to index
    %swap3A_188 = memref.load %arg6[%swap3A_187] : memref<256xi32, #tpu.memory_space<smem>>
    memref.store %squeeze3A_185, %arg6[%swap3A_187] : memref<256xi32, #tpu.memory_space<smem>>
    %slice3A_189 = vector.extract_strided_slice %get3A_118 {offsets = [14], sizes = [1], strides = [1]} : vector<16xi32> to vector<1xi32>
    %squeeze3A_190 = vector.extract %slice3A_189[0] : i32 from vector<1xi32>
    %swap3A_191 = arith.constant 30 : i32
    %swap3A_192 = arith.index_cast %swap3A_191 : i32 to index
    %swap3A_193 = memref.load %arg6[%swap3A_192] : memref<256xi32, #tpu.memory_space<smem>>
    memref.store %squeeze3A_190, %arg6[%swap3A_192] : memref<256xi32, #tpu.memory_space<smem>>
    %slice3A_194 = vector.extract_strided_slice %get3A_118 {offsets = [15], sizes = [1], strides = [1]} : vector<16xi32> to vector<1xi32>
    %squeeze3A_195 = vector.extract %slice3A_194[0] : i32 from vector<1xi32>
    %swap3A_196 = arith.constant 31 : i32
    %swap3A_197 = arith.index_cast %swap3A_196 : i32 to index
    %swap3A_198 = memref.load %arg6[%swap3A_197] : memref<256xi32, #tpu.memory_space<smem>>
    memref.store %squeeze3A_195, %arg6[%swap3A_197] : memref<256xi32, #tpu.memory_space<smem>>
    %get3A_199 = arith.constant 32 : index
    %get3A_200 = tpu.vector_load %arg5[%get3A_199] {strides = array<i32>} : memref<256xi32, #tpu.memory_space<vmem>>, vector<16xi32>,
    %get3A_201 = vector.shape_cast %get3A_200 : vector<16xi32> to vector<16xi32>
    %slice3A_202 = vector.extract_strided_slice %get3A_201 {offsets = [0], sizes = [1], strides = [1]} : vector<16xi32> to vector<1xi32>
    %squeeze3A_203 = vector.extract %slice3A_202[0] : i32 from vector<1xi32>
    %swap3A_204 = arith.constant 32 : i32
    %swap3A_205 = arith.index_cast %swap3A_204 : i32 to index
    %swap3A_206 = memref.load %arg6[%swap3A_205] : memref<256xi32, #tpu.memory_space<smem>>
    memref.store %squeeze3A_203, %arg6[%swap3A_205] : memref<256xi32, #tpu.memory_space<smem>>
    %slice3A_207 = vector.extract_strided_slice %get3A_201 {offsets = [1], sizes = [1], strides = [1]} : vector<16xi32> to vector<1xi32>
    %squeeze3A_208 = vector.extract %slice3A_207[0] : i32 from vector<1xi32>
    %swap3A_209 = arith.constant 33 : i32
    %swap3A_210 = arith.index_cast %swap3A_209 : i32 to index
    %swap3A_211 = memref.load %arg6[%swap3A_210] : memref<256xi32, #tpu.memory_space<smem>>
    memref.store %squeeze3A_208, %arg6[%swap3A_210] : memref<256xi32, #tpu.memory_space<smem>>
    %slice3A_212 = vector.extract_strided_slice %get3A_201 {offsets = [2], sizes = [1], strides = [1]} : vector<16xi32> to vector<1xi32>
    %squeeze3A_213 = vector.extract %slice3A_212[0] : i32 from vector<1xi32>
    %swap3A_214 = arith.constant 34 : i32
    %swap3A_215 = arith.index_cast %swap3A_214 : i32 to index
    %swap3A_216 = memref.load %arg6[%swap3A_215] : memref<256xi32, #tpu.memory_space<smem>>
    memref.store %squeeze3A_213, %arg6[%swap3A_215] : memref<256xi32, #tpu.memory_space<smem>>
    %slice3A_217 = vector.extract_strided_slice %get3A_201 {offsets = [3], sizes = [1], strides = [1]} : vector<16xi32> to vector<1xi32>
    %squeeze3A_218 = vector.extract %slice3A_217[0] : i32 from vector<1xi32>
    %swap3A_219 = arith.constant 35 : i32
    %swap3A_220 = arith.index_cast %swap3A_219 : i32 to index
    %swap3A_221 = memref.load %arg6[%swap3A_220] : memref<256xi32, #tpu.memory_space<smem>>
    memref.store %squeeze3A_218, %arg6[%swap3A_220] : memref<256xi32, #tpu.memory_space<smem>>
    %slice3A_222 = vector.extract_strided_slice %get3A_201 {offsets = [4], sizes = [1], strides = [1]} : vector<16xi32> to vector<1xi32>
    %squeeze3A_223 = vector.extract %slice3A_222[0] : i32 from vector<1xi32>
    %swap3A_224 = arith.constant 36 : i32
    %swap3A_225 = arith.index_cast %swap3A_224 : i32 to index
    %swap3A_226 = memref.load %arg6[%swap3A_225] : memref<256xi32, #tpu.memory_space<smem>>
    memref.store %squeeze3A_223, %arg6[%swap3A_225] : memref<256xi32, #tpu.memory_space<smem>>
    %slice3A_227 = vector.extract_strided_slice %get3A_201 {offsets = [5], sizes = [1], strides = [1]} : vector<16xi32> to vector<1xi32>
    %squeeze3A_228 = vector.extract %slice3A_227[0] : i32 from vector<1xi32>
    %swap3A_229 = arith.constant 37 : i32
    %swap3A_230 = arith.index_cast %swap3A_229 : i32 to index
    %swap3A_231 = memref.load %arg6[%swap3A_230] : memref<256xi32, #tpu.memory_space<smem>>
    memref.store %squeeze3A_228, %arg6[%swap3A_230] : memref<256xi32, #tpu.memory_space<smem>>
    %slice3A_232 = vector.extract_strided_slice %get3A_201 {offsets = [6], sizes = [1], strides = [1]} : vector<16xi32> to vector<1xi32>
    %squeeze3A_233 = vector.extract %slice3A_232[0] : i32 from vector<1xi32>
    %swap3A_234 = arith.constant 38 : i32
    %swap3A_235 = arith.index_cast %swap3A_234 : i32 to index
    %swap3A_236 = memref.load %arg6[%swap3A_235] : memref<256xi32, #tpu.memory_space<smem>>
    memref.store %squeeze3A_233, %arg6[%swap3A_235] : memref<256xi32, #tpu.memory_space<smem>>
    %slice3A_237 = vector.extract_strided_slice %get3A_201 {offsets = [7], sizes = [1], strides = [1]} : vector<16xi32> to vector<1xi32>
    %squeeze3A_238 = vector.extract %slice3A_237[0] : i32 from vector<1xi32>
    %swap3A_239 = arith.constant 39 : i32
    %swap3A_240 = arith.index_cast %swap3A_239 : i32 to index
    %swap3A_241 = memref.load %arg6[%swap3A_240] : memref<256xi32, #tpu.memory_space<smem>>
    memref.store %squeeze3A_238, %arg6[%swap3A_240] : memref<256xi32, #tpu.memory_space<smem>>
    %slice3A_242 = vector.extract_strided_slice %get3A_201 {offsets = [8], sizes = [1], strides = [1]} : vector<16xi32> to vector<1xi32>
    %squeeze3A_243 = vector.extract %slice3A_242[0] : i32 from vector<1xi32>
    %swap3A_244 = arith.constant 40 : i32
    %swap3A_245 = arith.index_cast %swap3A_244 : i32 to index
    %swap3A_246 = memref.load %arg6[%swap3A_245] : memref<256xi32, #tpu.memory_space<smem>>
    memref.store %squeeze3A_243, %arg6[%swap3A_245] : memref<256xi32, #tpu.memory_space<smem>>
    %slice3A_247 = vector.extract_strided_slice %get3A_201 {offsets = [9], sizes = [1], strides = [1]} : vector<16xi32> to vector<1xi32>
    %squeeze3A_248 = vector.extract %slice3A_247[0] : i32 from vector<1xi32>
    %swap3A_249 = arith.constant 41 : i32
    %swap3A_250 = arith.index_cast %swap3A_249 : i32 to index
    %swap3A_251 = memref.load %arg6[%swap3A_250] : memref<256xi32, #tpu.memory_space<smem>>
    memref.store %squeeze3A_248, %arg6[%swap3A_250] : memref<256xi32, #tpu.memory_space<smem>>
    %slice3A_252 = vector.extract_strided_slice %get3A_201 {offsets = [10], sizes = [1], strides = [1]} : vector<16xi32> to vector<1xi32>
    %squeeze3A_253 = vector.extract %slice3A_252[0] : i32 from vector<1xi32>
    %swap3A_254 = arith.constant 42 : i32
    %swap3A_255 = arith.index_cast %swap3A_254 : i32 to index
    %swap3A_256 = memref.load %arg6[%swap3A_255] : memref<256xi32, #tpu.memory_space<smem>>
    memref.store %squeeze3A_253, %arg6[%swap3A_255] : memref<256xi32, #tpu.memory_space<smem>>
    %slice3A_257 = vector.extract_strided_slice %get3A_201 {offsets = [11], sizes = [1], strides = [1]} : vector<16xi32> to vector<1xi32>
    %squeeze3A_258 = vector.extract %slice3A_257[0] : i32 from vector<1xi32>
    %swap3A_259 = arith.constant 43 : i32
    %swap3A_260 = arith.index_cast %swap3A_259 : i32 to index
    %swap3A_261 = memref.load %arg6[%swap3A_260] : memref<256xi32, #tpu.memory_space<smem>>
    memref.store %squeeze3A_258, %arg6[%swap3A_260] : memref<256xi32, #tpu.memory_space<smem>>
    %slice3A_262 = vector.extract_strided_slice %get3A_201 {offsets = [12], sizes = [1], strides = [1]} : vector<16xi32> to vector<1xi32>
    %squeeze3A_263 = vector.extract %slice3A_262[0] : i32 from vector<1xi32>
    %swap3A_264 = arith.constant 44 : i32
    %swap3A_265 = arith.index_cast %swap3A_264 : i32 to index
    %swap3A_266 = memref.load %arg6[%swap3A_265] : memref<256xi32, #tpu.memory_space<smem>>
    memref.store %squeeze3A_263, %arg6[%swap3A_265] : memref<256xi32, #tpu.memory_space<smem>>
    %slice3A_267 = vector.extract_strided_slice %get3A_201 {offsets = [13], sizes = [1], strides = [1]} : vector<16xi32> to vector<1xi32>
    %squeeze3A_268 = vector.extract %slice3A_267[0] : i32 from vector<1xi32>
    %swap3A_269 = arith.constant 45 : i32
    %swap3A_270 = arith.index_cast %swap3A_269 : i32 to index
    %swap3A_271 = memref.load %arg6[%swap3A_270] : memref<256xi32, #tpu.memory_space<smem>>
    memref.store %squeeze3A_268, %arg6[%swap3A_270] : memref<256xi32, #tpu.memory_space<smem>>
    %slice3A_272 = vector.extract_strided_slice %get3A_201 {offsets = [14], sizes = [1], strides = [1]} : vector<16xi32> to vector<1xi32>
    %squeeze3A_273 = vector.extract %slice3A_272[0] : i32 from vector<1xi32>
    %swap3A_274 = arith.constant 46 : i32
    %swap3A_275 = arith.index_cast %swap3A_274 : i32 to index
    %swap3A_276 = memref.load %arg6[%swap3A_275] : memref<256xi32, #tpu.memory_space<smem>>
    memref.store %squeeze3A_273, %arg6[%swap3A_275] : memref<256xi32, #tpu.memory_space<smem>>
    %slice3A_277 = vector.extract_strided_slice %get3A_201 {offsets = [15], sizes = [1], strides = [1]} : vector<16xi32> to vector<1xi32>
    %squeeze3A_278 = vector.extract %slice3A_277[0] : i32 from vector<1xi32>
    %swap3A_279 = arith.constant 47 : i32
    %swap3A_280 = arith.index_cast %swap3A_279 : i32 to index
    %swap3A_281 = memref.load %arg6[%swap3A_280] : memref<256xi32, #tpu.memory_space<smem>>
    memref.store %squeeze3A_278, %arg6[%swap3A_280] : memref<256xi32, #tpu.memory_space<smem>>
    %get3A_282 = arith.constant 48 : index
    %get3A_283 = tpu.vector_load %arg5[%get3A_282] {strides = array<i32>} : memref<256xi32, #tpu.memory_space<vmem>>, vector<16xi32>,
    %get3A_284 = vector.shape_cast %get3A_283 : vector<16xi32> to vector<16xi32>
    %slice3A_285 = vector.extract_strided_slice %get3A_284 {offsets = [0], sizes = [1], strides = [1]} : vector<16xi32> to vector<1xi32>
    %squeeze3A_286 = vector.extract %slice3A_285[0] : i32 from vector<1xi32>
    %swap3A_287 = arith.constant 48 : i32
    %swap3A_288 = arith.index_cast %swap3A_287 : i32 to index
    %swap3A_289 = memref.load %arg6[%swap3A_288] : memref<256xi32, #tpu.memory_space<smem>>
    memref.store %squeeze3A_286, %arg6[%swap3A_288] : memref<256xi32, #tpu.memory_space<smem>>
    %slice3A_290 = vector.extract_strided_slice %get3A_284 {offsets = [1], sizes = [1], strides = [1]} : vector<16xi32> to vector<1xi32>
    %squeeze3A_291 = vector.extract %slice3A_290[0] : i32 from vector<1xi32>
    %swap3A_292 = arith.constant 49 : i32
    %swap3A_293 = arith.index_cast %swap3A_292 : i32 to index
    %swap3A_294 = memref.load %arg6[%swap3A_293] : memref<256xi32, #tpu.memory_space<smem>>
    memref.store %squeeze3A_291, %arg6[%swap3A_293] : memref<256xi32, #tpu.memory_space<smem>>
    %slice3A_295 = vector.extract_strided_slice %get3A_284 {offsets = [2], sizes = [1], strides = [1]} : vector<16xi32> to vector<1xi32>
    %squeeze3A_296 = vector.extract %slice3A_295[0] : i32 from vector<1xi32>
    %swap3A_297 = arith.constant 50 : i32
    %swap3A_298 = arith.index_cast %swap3A_297 : i32 to index
    %swap3A_299 = memref.load %arg6[%swap3A_298] : memref<256xi32, #tpu.memory_space<smem>>
    memref.store %squeeze3A_296, %arg6[%swap3A_298] : memref<256xi32, #tpu.memory_space<smem>>
    %slice3A_300 = vector.extract_strided_slice %get3A_284 {offsets = [3], sizes = [1], strides = [1]} : vector<16xi32> to vector<1xi32>
    %squeeze3A_301 = vector.extract %slice3A_300[0] : i32 from vector<1xi32>
    %swap3A_302 = arith.constant 51 : i32
    %swap3A_303 = arith.index_cast %swap3A_302 : i32 to index
    %swap3A_304 = memref.load %arg6[%swap3A_303] : memref<256xi32, #tpu.memory_space<smem>>
    memref.store %squeeze3A_301, %arg6[%swap3A_303] : memref<256xi32, #tpu.memory_space<smem>>
    %slice3A_305 = vector.extract_strided_slice %get3A_284 {offsets = [4], sizes = [1], strides = [1]} : vector<16xi32> to vector<1xi32>
    %squeeze3A_306 = vector.extract %slice3A_305[0] : i32 from vector<1xi32>
    %swap3A_307 = arith.constant 52 : i32
    %swap3A_308 = arith.index_cast %swap3A_307 : i32 to index
    %swap3A_309 = memref.load %arg6[%swap3A_308] : memref<256xi32, #tpu.memory_space<smem>>
    memref.store %squeeze3A_306, %arg6[%swap3A_308] : memref<256xi32, #tpu.memory_space<smem>>
    %slice3A_310 = vector.extract_strided_slice %get3A_284 {offsets = [5], sizes = [1], strides = [1]} : vector<16xi32> to vector<1xi32>
    %squeeze3A_311 = vector.extract %slice3A_310[0] : i32 from vector<1xi32>
    %swap3A_312 = arith.constant 53 : i32
    %swap3A_313 = arith.index_cast %swap3A_312 : i32 to index
    %swap3A_314 = memref.load %arg6[%swap3A_313] : memref<256xi32, #tpu.memory_space<smem>>
    memref.store %squeeze3A_311, %arg6[%swap3A_313] : memref<256xi32, #tpu.memory_space<smem>>
    %slice3A_315 = vector.extract_strided_slice %get3A_284 {offsets = [6], sizes = [1], strides = [1]} : vector<16xi32> to vector<1xi32>
    %squeeze3A_316 = vector.extract %slice3A_315[0] : i32 from vector<1xi32>
    %swap3A_317 = arith.constant 54 : i32
    %swap3A_318 = arith.index_cast %swap3A_317 : i32 to index
    %swap3A_319 = memref.load %arg6[%swap3A_318] : memref<256xi32, #tpu.memory_space<smem>>
    memref.store %squeeze3A_316, %arg6[%swap3A_318] : memref<256xi32, #tpu.memory_space<smem>>
    %slice3A_320 = vector.extract_strided_slice %get3A_284 {offsets = [7], sizes = [1], strides = [1]} : vector<16xi32> to vector<1xi32>
    %squeeze3A_321 = vector.extract %slice3A_320[0] : i32 from vector<1xi32>
    %swap3A_322 = arith.constant 55 : i32
    %swap3A_323 = arith.index_cast %swap3A_322 : i32 to index
    %swap3A_324 = memref.load %arg6[%swap3A_323] : memref<256xi32, #tpu.memory_space<smem>>
    memref.store %squeeze3A_321, %arg6[%swap3A_323] : memref<256xi32, #tpu.memory_space<smem>>
    %slice3A_325 = vector.extract_strided_slice %get3A_284 {offsets = [8], sizes = [1], strides = [1]} : vector<16xi32> to vector<1xi32>
    %squeeze3A_326 = vector.extract %slice3A_325[0] : i32 from vector<1xi32>
    %swap3A_327 = arith.constant 56 : i32
    %swap3A_328 = arith.index_cast %swap3A_327 : i32 to index
    %swap3A_329 = memref.load %arg6[%swap3A_328] : memref<256xi32, #tpu.memory_space<smem>>
    memref.store %squeeze3A_326, %arg6[%swap3A_328] : memref<256xi32, #tpu.memory_space<smem>>
    %slice3A_330 = vector.extract_strided_slice %get3A_284 {offsets = [9], sizes = [1], strides = [1]} : vector<16xi32> to vector<1xi32>
    %squeeze3A_331 = vector.extract %slice3A_330[0] : i32 from vector<1xi32>
    %swap3A_332 = arith.constant 57 : i32
    %swap3A_333 = arith.index_cast %swap3A_332 : i32 to index
    %swap3A_334 = memref.load %arg6[%swap3A_333] : memref<256xi32, #tpu.memory_space<smem>>
    memref.store %squeeze3A_331, %arg6[%swap3A_333] : memref<256xi32, #tpu.memory_space<smem>>
    %slice3A_335 = vector.extract_strided_slice %get3A_284 {offsets = [10], sizes = [1], strides = [1]} : vector<16xi32> to vector<1xi32>
    %squeeze3A_336 = vector.extract %slice3A_335[0] : i32 from vector<1xi32>
    %swap3A_337 = arith.constant 58 : i32
    %swap3A_338 = arith.index_cast %swap3A_337 : i32 to index
    %swap3A_339 = memref.load %arg6[%swap3A_338] : memref<256xi32, #tpu.memory_space<smem>>
    memref.store %squeeze3A_336, %arg6[%swap3A_338] : memref<256xi32, #tpu.memory_space<smem>>
    %slice3A_340 = vector.extract_strided_slice %get3A_284 {offsets = [11], sizes = [1], strides = [1]} : vector<16xi32> to vector<1xi32>
    %squeeze3A_341 = vector.extract %slice3A_340[0] : i32 from vector<1xi32>
    %swap3A_342 = arith.constant 59 : i32
    %swap3A_343 = arith.index_cast %swap3A_342 : i32 to index
    %swap3A_344 = memref.load %arg6[%swap3A_343] : memref<256xi32, #tpu.memory_space<smem>>
    memref.store %squeeze3A_341, %arg6[%swap3A_343] : memref<256xi32, #tpu.memory_space<smem>>
    %slice3A_345 = vector.extract_strided_slice %get3A_284 {offsets = [12], sizes = [1], strides = [1]} : vector<16xi32> to vector<1xi32>
    %squeeze3A_346 = vector.extract %slice3A_345[0] : i32 from vector<1xi32>
    %swap3A_347 = arith.constant 60 : i32
    %swap3A_348 = arith.index_cast %swap3A_347 : i32 to index
    %swap3A_349 = memref.load %arg6[%swap3A_348] : memref<256xi32, #tpu.memory_space<smem>>
    memref.store %squeeze3A_346, %arg6[%swap3A_348] : memref<256xi32, #tpu.memory_space<smem>>
    %slice3A_350 = vector.extract_strided_slice %get3A_284 {offsets = [13], sizes = [1], strides = [1]} : vector<16xi32> to vector<1xi32>
    %squeeze3A_351 = vector.extract %slice3A_350[0] : i32 from vector<1xi32>
    %swap3A_352 = arith.constant 61 : i32
    %swap3A_353 = arith.index_cast %swap3A_352 : i32 to index
    %swap3A_354 = memref.load %arg6[%swap3A_353] : memref<256xi32, #tpu.memory_space<smem>>
    memref.store %squeeze3A_351, %arg6[%swap3A_353] : memref<256xi32, #tpu.memory_space<smem>>
    %slice3A_355 = vector.extract_strided_slice %get3A_284 {offsets = [14], sizes = [1], strides = [1]} : vector<16xi32> to vector<1xi32>
    %squeeze3A_356 = vector.extract %slice3A_355[0] : i32 from vector<1xi32>
    %swap3A_357 = arith.constant 62 : i32
    %swap3A_358 = arith.index_cast %swap3A_357 : i32 to index
    %swap3A_359 = memref.load %arg6[%swap3A_358] : memref<256xi32, #tpu.memory_space<smem>>
    memref.store %squeeze3A_356, %arg6[%swap3A_358] : memref<256xi32, #tpu.memory_space<smem>>
    %slice3A_360 = vector.extract_strided_slice %get3A_284 {offsets = [15], sizes = [1], strides = [1]} : vector<16xi32> to vector<1xi32>
    %squeeze3A_361 = vector.extract %slice3A_360[0] : i32 from vector<1xi32>
    %swap3A_362 = arith.constant 63 : i32
    %swap3A_363 = arith.index_cast %swap3A_362 : i32 to index
    %swap3A_364 = memref.load %arg6[%swap3A_363] : memref<256xi32, #tpu.memory_space<smem>>
    memref.store %squeeze3A_361, %arg6[%swap3A_363] : memref<256xi32, #tpu.memory_space<smem>>
    %get3A_365 = arith.constant 64 : index
    %get3A_366 = tpu.vector_load %arg5[%get3A_365] {strides = array<i32>} : memref<256xi32, #tpu.memory_space<vmem>>, vector<16xi32>,
    %get3A_367 = vector.shape_cast %get3A_366 : vector<16xi32> to vector<16xi32>
    %slice3A_368 = vector.extract_strided_slice %get3A_367 {offsets = [0], sizes = [1], strides = [1]} : vector<16xi32> to vector<1xi32>
    %squeeze3A_369 = vector.extract %slice3A_368[0] : i32 from vector<1xi32>
    %swap3A_370 = arith.constant 64 : i32
    %swap3A_371 = arith.index_cast %swap3A_370 : i32 to index
    %swap3A_372 = memref.load %arg6[%swap3A_371] : memref<256xi32, #tpu.memory_space<smem>>
    memref.store %squeeze3A_369, %arg6[%swap3A_371] : memref<256xi32, #tpu.memory_space<smem>>
    %slice3A_373 = vector.extract_strided_slice %get3A_367 {offsets = [1], sizes = [1], strides = [1]} : vector<16xi32> to vector<1xi32>
    %squeeze3A_374 = vector.extract %slice3A_373[0] : i32 from vector<1xi32>
    %swap3A_375 = arith.constant 65 : i32
    %swap3A_376 = arith.index_cast %swap3A_375 : i32 to index
    %swap3A_377 = memref.load %arg6[%swap3A_376] : memref<256xi32, #tpu.memory_space<smem>>
    memref.store %squeeze3A_374, %arg6[%swap3A_376] : memref<256xi32, #tpu.memory_space<smem>>
    %slice3A_378 = vector.extract_strided_slice %get3A_367 {offsets = [2], sizes = [1], strides = [1]} : vector<16xi32> to vector<1xi32>
    %squeeze3A_379 = vector.extract %slice3A_378[0] : i32 from vector<1xi32>
    %swap3A_380 = arith.constant 66 : i32
    %swap3A_381 = arith.index_cast %swap3A_380 : i32 to index
    %swap3A_382 = memref.load %arg6[%swap3A_381] : memref<256xi32, #tpu.memory_space<smem>>
    memref.store %squeeze3A_379, %arg6[%swap3A_381] : memref<256xi32, #tpu.memory_space<smem>>
    %slice3A_383 = vector.extract_strided_slice %get3A_367 {offsets = [3], sizes = [1], strides = [1]} : vector<16xi32> to vector<1xi32>
    %squeeze3A_384 = vector.extract %slice3A_383[0] : i32 from vector<1xi32>
    %swap3A_385 = arith.constant 67 : i32
    %swap3A_386 = arith.index_cast %swap3A_385 : i32 to index
    %swap3A_387 = memref.load %arg6[%swap3A_386] : memref<256xi32, #tpu.memory_space<smem>>
    memref.store %squeeze3A_384, %arg6[%swap3A_386] : memref<256xi32, #tpu.memory_space<smem>>
    %slice3A_388 = vector.extract_strided_slice %get3A_367 {offsets = [4], sizes = [1], strides = [1]} : vector<16xi32> to vector<1xi32>
    %squeeze3A_389 = vector.extract %slice3A_388[0] : i32 from vector<1xi32>
    %swap3A_390 = arith.constant 68 : i32
    %swap3A_391 = arith.index_cast %swap3A_390 : i32 to index
    %swap3A_392 = memref.load %arg6[%swap3A_391] : memref<256xi32, #tpu.memory_space<smem>>
    memref.store %squeeze3A_389, %arg6[%swap3A_391] : memref<256xi32, #tpu.memory_space<smem>>
    %slice3A_393 = vector.extract_strided_slice %get3A_367 {offsets = [5], sizes = [1], strides = [1]} : vector<16xi32> to vector<1xi32>
    %squeeze3A_394 = vector.extract %slice3A_393[0] : i32 from vector<1xi32>
    %swap3A_395 = arith.constant 69 : i32
    %swap3A_396 = arith.index_cast %swap3A_395 : i32 to index
    %swap3A_397 = memref.load %arg6[%swap3A_396] : memref<256xi32, #tpu.memory_space<smem>>
    memref.store %squeeze3A_394, %arg6[%swap3A_396] : memref<256xi32, #tpu.memory_space<smem>>
    %slice3A_398 = vector.extract_strided_slice %get3A_367 {offsets = [6], sizes = [1], strides = [1]} : vector<16xi32> to vector<1xi32>
    %squeeze3A_399 = vector.extract %slice3A_398[0] : i32 from vector<1xi32>
    %swap3A_400 = arith.constant 70 : i32
    %swap3A_401 = arith.index_cast %swap3A_400 : i32 to index
    %swap3A_402 = memref.load %arg6[%swap3A_401] : memref<256xi32, #tpu.memory_space<smem>>
    memref.store %squeeze3A_399, %arg6[%swap3A_401] : memref<256xi32, #tpu.memory_space<smem>>
    %slice3A_403 = vector.extract_strided_slice %get3A_367 {offsets = [7], sizes = [1], strides = [1]} : vector<16xi32> to vector<1xi32>
    %squeeze3A_404 = vector.extract %slice3A_403[0] : i32 from vector<1xi32>
    %swap3A_405 = arith.constant 71 : i32
    %swap3A_406 = arith.index_cast %swap3A_405 : i32 to index
    %swap3A_407 = memref.load %arg6[%swap3A_406] : memref<256xi32, #tpu.memory_space<smem>>
    memref.store %squeeze3A_404, %arg6[%swap3A_406] : memref<256xi32, #tpu.memory_space<smem>>
    %slice3A_408 = vector.extract_strided_slice %get3A_367 {offsets = [8], sizes = [1], strides = [1]} : vector<16xi32> to vector<1xi32>
    %squeeze3A_409 = vector.extract %slice3A_408[0] : i32 from vector<1xi32>
    %swap3A_410 = arith.constant 72 : i32
    %swap3A_411 = arith.index_cast %swap3A_410 : i32 to index
    %swap3A_412 = memref.load %arg6[%swap3A_411] : memref<256xi32, #tpu.memory_space<smem>>
    memref.store %squeeze3A_409, %arg6[%swap3A_411] : memref<256xi32, #tpu.memory_space<smem>>
    %slice3A_413 = vector.extract_strided_slice %get3A_367 {offsets = [9], sizes = [1], strides = [1]} : vector<16xi32> to vector<1xi32>
    %squeeze3A_414 = vector.extract %slice3A_413[0] : i32 from vector<1xi32>
    %swap3A_415 = arith.constant 73 : i32
    %swap3A_416 = arith.index_cast %swap3A_415 : i32 to index
    %swap3A_417 = memref.load %arg6[%swap3A_416] : memref<256xi32, #tpu.memory_space<smem>>
    memref.store %squeeze3A_414, %arg6[%swap3A_416] : memref<256xi32, #tpu.memory_space<smem>>
    %slice3A_418 = vector.extract_strided_slice %get3A_367 {offsets = [10], sizes = [1], strides = [1]} : vector<16xi32> to vector<1xi32>
    %squeeze3A_419 = vector.extract %slice3A_418[0] : i32 from vector<1xi32>
    %swap3A_420 = arith.constant 74 : i32
    %swap3A_421 = arith.index_cast %swap3A_420 : i32 to index
    %swap3A_422 = memref.load %arg6[%swap3A_421] : memref<256xi32, #tpu.memory_space<smem>>
    memref.store %squeeze3A_419, %arg6[%swap3A_421] : memref<256xi32, #tpu.memory_space<smem>>
    %slice3A_423 = vector.extract_strided_slice %get3A_367 {offsets = [11], sizes = [1], strides = [1]} : vector<16xi32> to vector<1xi32>
    %squeeze3A_424 = vector.extract %slice3A_423[0] : i32 from vector<1xi32>
    %swap3A_425 = arith.constant 75 : i32
    %swap3A_426 = arith.index_cast %swap3A_425 : i32 to index
    %swap3A_427 = memref.load %arg6[%swap3A_426] : memref<256xi32, #tpu.memory_space<smem>>
    memref.store %squeeze3A_424, %arg6[%swap3A_426] : memref<256xi32, #tpu.memory_space<smem>>
    %slice3A_428 = vector.extract_strided_slice %get3A_367 {offsets = [12], sizes = [1], strides = [1]} : vector<16xi32> to vector<1xi32>
    %squeeze3A_429 = vector.extract %slice3A_428[0] : i32 from vector<1xi32>
    %swap3A_430 = arith.constant 76 : i32
    %swap3A_431 = arith.index_cast %swap3A_430 : i32 to index
    %swap3A_432 = memref.load %arg6[%swap3A_431] : memref<256xi32, #tpu.memory_space<smem>>
    memref.store %squeeze3A_429, %arg6[%swap3A_431] : memref<256xi32, #tpu.memory_space<smem>>
    %slice3A_433 = vector.extract_strided_slice %get3A_367 {offsets = [13], sizes = [1], strides = [1]} : vector<16xi32> to vector<1xi32>
    %squeeze3A_434 = vector.extract %slice3A_433[0] : i32 from vector<1xi32>
    %swap3A_435 = arith.constant 77 : i32
    %swap3A_436 = arith.index_cast %swap3A_435 : i32 to index
    %swap3A_437 = memref.load %arg6[%swap3A_436] : memref<256xi32, #tpu.memory_space<smem>>
    memref.store %squeeze3A_434, %arg6[%swap3A_436] : memref<256xi32, #tpu.memory_space<smem>>
    %slice3A_438 = vector.extract_strided_slice %get3A_367 {offsets = [14], sizes = [1], strides = [1]} : vector<16xi32> to vector<1xi32>
    %squeeze3A_439 = vector.extract %slice3A_438[0] : i32 from vector<1xi32>
    %swap3A_440 = arith.constant 78 : i32
    %swap3A_441 = arith.index_cast %swap3A_440 : i32 to index
    %swap3A_442 = memref.load %arg6[%swap3A_441] : memref<256xi32, #tpu.memory_space<smem>>
    memref.store %squeeze3A_439, %arg6[%swap3A_441] : memref<256xi32, #tpu.memory_space<smem>>
    %slice3A_443 = vector.extract_strided_slice %get3A_367 {offsets = [15], sizes = [1], strides = [1]} : vector<16xi32> to vector<1xi32>
    %squeeze3A_444 = vector.extract %slice3A_443[0] : i32 from vector<1xi32>
    %swap3A_445 = arith.constant 79 : i32
    %swap3A_446 = arith.index_cast %swap3A_445 : i32 to index
    %swap3A_447 = memref.load %arg6[%swap3A_446] : memref<256xi32, #tpu.memory_space<smem>>
    memref.store %squeeze3A_444, %arg6[%swap3A_446] : memref<256xi32, #tpu.memory_space<smem>>
    %get3A_448 = arith.constant 80 : index
    %get3A_449 = tpu.vector_load %arg5[%get3A_448] {strides = array<i32>} : memref<256xi32, #tpu.memory_space<vmem>>, vector<16xi32>,
    %get3A_450 = vector.shape_cast %get3A_449 : vector<16xi32> to vector<16xi32>
    %slice3A_451 = vector.extract_strided_slice %get3A_450 {offsets = [0], sizes = [1], strides = [1]} : vector<16xi32> to vector<1xi32>
    %squeeze3A_452 = vector.extract %slice3A_451[0] : i32 from vector<1xi32>
    %swap3A_453 = arith.constant 80 : i32
    %swap3A_454 = arith.index_cast %swap3A_453 : i32 to index
    %swap3A_455 = memref.load %arg6[%swap3A_454] : memref<256xi32, #tpu.memory_space<smem>>
    memref.store %squeeze3A_452, %arg6[%swap3A_454] : memref<256xi32, #tpu.memory_space<smem>>
    %slice3A_456 = vector.extract_strided_slice %get3A_450 {offsets = [1], sizes = [1], strides = [1]} : vector<16xi32> to vector<1xi32>
    %squeeze3A_457 = vector.extract %slice3A_456[0] : i32 from vector<1xi32>
    %swap3A_458 = arith.constant 81 : i32
    %swap3A_459 = arith.index_cast %swap3A_458 : i32 to index
    %swap3A_460 = memref.load %arg6[%swap3A_459] : memref<256xi32, #tpu.memory_space<smem>>
    memref.store %squeeze3A_457, %arg6[%swap3A_459] : memref<256xi32, #tpu.memory_space<smem>>
    %slice3A_461 = vector.extract_strided_slice %get3A_450 {offsets = [2], sizes = [1], strides = [1]} : vector<16xi32> to vector<1xi32>
    %squeeze3A_462 = vector.extract %slice3A_461[0] : i32 from vector<1xi32>
    %swap3A_463 = arith.constant 82 : i32
    %swap3A_464 = arith.index_cast %swap3A_463 : i32 to index
    %swap3A_465 = memref.load %arg6[%swap3A_464] : memref<256xi32, #tpu.memory_space<smem>>
    memref.store %squeeze3A_462, %arg6[%swap3A_464] : memref<256xi32, #tpu.memory_space<smem>>
    %slice3A_466 = vector.extract_strided_slice %get3A_450 {offsets = [3], sizes = [1], strides = [1]} : vector<16xi32> to vector<1xi32>
    %squeeze3A_467 = vector.extract %slice3A_466[0] : i32 from vector<1xi32>
    %swap3A_468 = arith.constant 83 : i32
    %swap3A_469 = arith.index_cast %swap3A_468 : i32 to index
    %swap3A_470 = memref.load %arg6[%swap3A_469] : memref<256xi32, #tpu.memory_space<smem>>
    memref.store %squeeze3A_467, %arg6[%swap3A_469] : memref<256xi32, #tpu.memory_space<smem>>
    %slice3A_471 = vector.extract_strided_slice %get3A_450 {offsets = [4], sizes = [1], strides = [1]} : vector<16xi32> to vector<1xi32>
    %squeeze3A_472 = vector.extract %slice3A_471[0] : i32 from vector<1xi32>
    %swap3A_473 = arith.constant 84 : i32
    %swap3A_474 = arith.index_cast %swap3A_473 : i32 to index
    %swap3A_475 = memref.load %arg6[%swap3A_474] : memref<256xi32, #tpu.memory_space<smem>>
    memref.store %squeeze3A_472, %arg6[%swap3A_474] : memref<256xi32, #tpu.memory_space<smem>>
    %slice3A_476 = vector.extract_strided_slice %get3A_450 {offsets = [5], sizes = [1], strides = [1]} : vector<16xi32> to vector<1xi32>
    %squeeze3A_477 = vector.extract %slice3A_476[0] : i32 from vector<1xi32>
    %swap3A_478 = arith.constant 85 : i32
    %swap3A_479 = arith.index_cast %swap3A_478 : i32 to index
    %swap3A_480 = memref.load %arg6[%swap3A_479] : memref<256xi32, #tpu.memory_space<smem>>
    memref.store %squeeze3A_477, %arg6[%swap3A_479] : memref<256xi32, #tpu.memory_space<smem>>
    %slice3A_481 = vector.extract_strided_slice %get3A_450 {offsets = [6], sizes = [1], strides = [1]} : vector<16xi32> to vector<1xi32>
    %squeeze3A_482 = vector.extract %slice3A_481[0] : i32 from vector<1xi32>
    %swap3A_483 = arith.constant 86 : i32
    %swap3A_484 = arith.index_cast %swap3A_483 : i32 to index
    %swap3A_485 = memref.load %arg6[%swap3A_484] : memref<256xi32, #tpu.memory_space<smem>>
    memref.store %squeeze3A_482, %arg6[%swap3A_484] : memref<256xi32, #tpu.memory_space<smem>>
    %slice3A_486 = vector.extract_strided_slice %get3A_450 {offsets = [7], sizes = [1], strides = [1]} : vector<16xi32> to vector<1xi32>
    %squeeze3A_487 = vector.extract %slice3A_486[0] : i32 from vector<1xi32>
    %swap3A_488 = arith.constant 87 : i32
    %swap3A_489 = arith.index_cast %swap3A_488 : i32 to index
    %swap3A_490 = memref.load %arg6[%swap3A_489] : memref<256xi32, #tpu.memory_space<smem>>
    memref.store %squeeze3A_487, %arg6[%swap3A_489] : memref<256xi32, #tpu.memory_space<smem>>
    %slice3A_491 = vector.extract_strided_slice %get3A_450 {offsets = [8], sizes = [1], strides = [1]} : vector<16xi32> to vector<1xi32>
    %squeeze3A_492 = vector.extract %slice3A_491[0] : i32 from vector<1xi32>
    %swap3A_493 = arith.constant 88 : i32
    %swap3A_494 = arith.index_cast %swap3A_493 : i32 to index
    %swap3A_495 = memref.load %arg6[%swap3A_494] : memref<256xi32, #tpu.memory_space<smem>>
    memref.store %squeeze3A_492, %arg6[%swap3A_494] : memref<256xi32, #tpu.memory_space<smem>>
    %slice3A_496 = vector.extract_strided_slice %get3A_450 {offsets = [9], sizes = [1], strides = [1]} : vector<16xi32> to vector<1xi32>
    %squeeze3A_497 = vector.extract %slice3A_496[0] : i32 from vector<1xi32>
    %swap3A_498 = arith.constant 89 : i32
    %swap3A_499 = arith.index_cast %swap3A_498 : i32 to index
    %swap3A_500 = memref.load %arg6[%swap3A_499] : memref<256xi32, #tpu.memory_space<smem>>
    memref.store %squeeze3A_497, %arg6[%swap3A_499] : memref<256xi32, #tpu.memory_space<smem>>
    %slice3A_501 = vector.extract_strided_slice %get3A_450 {offsets = [10], sizes = [1], strides = [1]} : vector<16xi32> to vector<1xi32>
    %squeeze3A_502 = vector.extract %slice3A_501[0] : i32 from vector<1xi32>
    %swap3A_503 = arith.constant 90 : i32
    %swap3A_504 = arith.index_cast %swap3A_503 : i32 to index
    %swap3A_505 = memref.load %arg6[%swap3A_504] : memref<256xi32, #tpu.memory_space<smem>>
    memref.store %squeeze3A_502, %arg6[%swap3A_504] : memref<256xi32, #tpu.memory_space<smem>>
    %slice3A_506 = vector.extract_strided_slice %get3A_450 {offsets = [11], sizes = [1], strides = [1]} : vector<16xi32> to vector<1xi32>
    %squeeze3A_507 = vector.extract %slice3A_506[0] : i32 from vector<1xi32>
    %swap3A_508 = arith.constant 91 : i32
    %swap3A_509 = arith.index_cast %swap3A_508 : i32 to index
    %swap3A_510 = memref.load %arg6[%swap3A_509] : memref<256xi32, #tpu.memory_space<smem>>
    memref.store %squeeze3A_507, %arg6[%swap3A_509] : memref<256xi32, #tpu.memory_space<smem>>
    %slice3A_511 = vector.extract_strided_slice %get3A_450 {offsets = [12], sizes = [1], strides = [1]} : vector<16xi32> to vector<1xi32>
    %squeeze3A_512 = vector.extract %slice3A_511[0] : i32 from vector<1xi32>
    %swap3A_513 = arith.constant 92 : i32
    %swap3A_514 = arith.index_cast %swap3A_513 : i32 to index
    %swap3A_515 = memref.load %arg6[%swap3A_514] : memref<256xi32, #tpu.memory_space<smem>>
    memref.store %squeeze3A_512, %arg6[%swap3A_514] : memref<256xi32, #tpu.memory_space<smem>>
    %slice3A_516 = vector.extract_strided_slice %get3A_450 {offsets = [13], sizes = [1], strides = [1]} : vector<16xi32> to vector<1xi32>
    %squeeze3A_517 = vector.extract %slice3A_516[0] : i32 from vector<1xi32>
    %swap3A_518 = arith.constant 93 : i32
    %swap3A_519 = arith.index_cast %swap3A_518 : i32 to index
    %swap3A_520 = memref.load %arg6[%swap3A_519] : memref<256xi32, #tpu.memory_space<smem>>
    memref.store %squeeze3A_517, %arg6[%swap3A_519] : memref<256xi32, #tpu.memory_space<smem>>
    %slice3A_521 = vector.extract_strided_slice %get3A_450 {offsets = [14], sizes = [1], strides = [1]} : vector<16xi32> to vector<1xi32>
    %squeeze3A_522 = vector.extract %slice3A_521[0] : i32 from vector<1xi32>
    %swap3A_523 = arith.constant 94 : i32
    %swap3A_524 = arith.index_cast %swap3A_523 : i32 to index
    %swap3A_525 = memref.load %arg6[%swap3A_524] : memref<256xi32, #tpu.memory_space<smem>>
    memref.store %squeeze3A_522, %arg6[%swap3A_524] : memref<256xi32, #tpu.memory_space<smem>>
    %slice3A_526 = vector.extract_strided_slice %get3A_450 {offsets = [15], sizes = [1], strides = [1]} : vector<16xi32> to vector<1xi32>
    %squeeze3A_527 = vector.extract %slice3A_526[0] : i32 from vector<1xi32>
    %swap3A_528 = arith.constant 95 : i32
    %swap3A_529 = arith.index_cast %swap3A_528 : i32 to index
    %swap3A_530 = memref.load %arg6[%swap3A_529] : memref<256xi32, #tpu.memory_space<smem>>
    memref.store %squeeze3A_527, %arg6[%swap3A_529] : memref<256xi32, #tpu.memory_space<smem>>
    %get3A_531 = arith.constant 96 : index
    %get3A_532 = tpu.vector_load %arg5[%get3A_531] {strides = array<i32>} : memref<256xi32, #tpu.memory_space<vmem>>, vector<16xi32>,
    %get3A_533 = vector.shape_cast %get3A_532 : vector<16xi32> to vector<16xi32>
    %slice3A_534 = vector.extract_strided_slice %get3A_533 {offsets = [0], sizes = [1], strides = [1]} : vector<16xi32> to vector<1xi32>
    %squeeze3A_535 = vector.extract %slice3A_534[0] : i32 from vector<1xi32>
    %swap3A_536 = arith.constant 96 : i32
    %swap3A_537 = arith.index_cast %swap3A_536 : i32 to index
    %swap3A_538 = memref.load %arg6[%swap3A_537] : memref<256xi32, #tpu.memory_space<smem>>
    memref.store %squeeze3A_535, %arg6[%swap3A_537] : memref<256xi32, #tpu.memory_space<smem>>
    %slice3A_539 = vector.extract_strided_slice %get3A_533 {offsets = [1], sizes = [1], strides = [1]} : vector<16xi32> to vector<1xi32>
    %squeeze3A_540 = vector.extract %slice3A_539[0] : i32 from vector<1xi32>
    %swap3A_541 = arith.constant 97 : i32
    %swap3A_542 = arith.index_cast %swap3A_541 : i32 to index
    %swap3A_543 = memref.load %arg6[%swap3A_542] : memref<256xi32, #tpu.memory_space<smem>>
    memref.store %squeeze3A_540, %arg6[%swap3A_542] : memref<256xi32, #tpu.memory_space<smem>>
    %slice3A_544 = vector.extract_strided_slice %get3A_533 {offsets = [2], sizes = [1], strides = [1]} : vector<16xi32> to vector<1xi32>
    %squeeze3A_545 = vector.extract %slice3A_544[0] : i32 from vector<1xi32>
    %swap3A_546 = arith.constant 98 : i32
    %swap3A_547 = arith.index_cast %swap3A_546 : i32 to index
    %swap3A_548 = memref.load %arg6[%swap3A_547] : memref<256xi32, #tpu.memory_space<smem>>
    memref.store %squeeze3A_545, %arg6[%swap3A_547] : memref<256xi32, #tpu.memory_space<smem>>
    %slice3A_549 = vector.extract_strided_slice %get3A_533 {offsets = [3], sizes = [1], strides = [1]} : vector<16xi32> to vector<1xi32>
    %squeeze3A_550 = vector.extract %slice3A_549[0] : i32 from vector<1xi32>
    %swap3A_551 = arith.constant 99 : i32
    %swap3A_552 = arith.index_cast %swap3A_551 : i32 to index
    %swap3A_553 = memref.load %arg6[%swap3A_552] : memref<256xi32, #tpu.memory_space<smem>>
    memref.store %squeeze3A_550, %arg6[%swap3A_552] : memref<256xi32, #tpu.memory_space<smem>>
    %slice3A_554 = vector.extract_strided_slice %get3A_533 {offsets = [4], sizes = [1], strides = [1]} : vector<16xi32> to vector<1xi32>
    %squeeze3A_555 = vector.extract %slice3A_554[0] : i32 from vector<1xi32>
    %swap3A_556 = arith.constant 100 : i32
    %swap3A_557 = arith.index_cast %swap3A_556 : i32 to index
    %swap3A_558 = memref.load %arg6[%swap3A_557] : memref<256xi32, #tpu.memory_space<smem>>
    memref.store %squeeze3A_555, %arg6[%swap3A_557] : memref<256xi32, #tpu.memory_space<smem>>
    %slice3A_559 = vector.extract_strided_slice %get3A_533 {offsets = [5], sizes = [1], strides = [1]} : vector<16xi32> to vector<1xi32>
    %squeeze3A_560 = vector.extract %slice3A_559[0] : i32 from vector<1xi32>
    %swap3A_561 = arith.constant 101 : i32
    %swap3A_562 = arith.index_cast %swap3A_561 : i32 to index
    %swap3A_563 = memref.load %arg6[%swap3A_562] : memref<256xi32, #tpu.memory_space<smem>>
    memref.store %squeeze3A_560, %arg6[%swap3A_562] : memref<256xi32, #tpu.memory_space<smem>>
    %slice3A_564 = vector.extract_strided_slice %get3A_533 {offsets = [6], sizes = [1], strides = [1]} : vector<16xi32> to vector<1xi32>
    %squeeze3A_565 = vector.extract %slice3A_564[0] : i32 from vector<1xi32>
    %swap3A_566 = arith.constant 102 : i32
    %swap3A_567 = arith.index_cast %swap3A_566 : i32 to index
    %swap3A_568 = memref.load %arg6[%swap3A_567] : memref<256xi32, #tpu.memory_space<smem>>
    memref.store %squeeze3A_565, %arg6[%swap3A_567] : memref<256xi32, #tpu.memory_space<smem>>
    %slice3A_569 = vector.extract_strided_slice %get3A_533 {offsets = [7], sizes = [1], strides = [1]} : vector<16xi32> to vector<1xi32>
    %squeeze3A_570 = vector.extract %slice3A_569[0] : i32 from vector<1xi32>
    %swap3A_571 = arith.constant 103 : i32
    %swap3A_572 = arith.index_cast %swap3A_571 : i32 to index
    %swap3A_573 = memref.load %arg6[%swap3A_572] : memref<256xi32, #tpu.memory_space<smem>>
    memref.store %squeeze3A_570, %arg6[%swap3A_572] : memref<256xi32, #tpu.memory_space<smem>>
    %slice3A_574 = vector.extract_strided_slice %get3A_533 {offsets = [8], sizes = [1], strides = [1]} : vector<16xi32> to vector<1xi32>
    %squeeze3A_575 = vector.extract %slice3A_574[0] : i32 from vector<1xi32>
    %swap3A_576 = arith.constant 104 : i32
    %swap3A_577 = arith.index_cast %swap3A_576 : i32 to index
    %swap3A_578 = memref.load %arg6[%swap3A_577] : memref<256xi32, #tpu.memory_space<smem>>
    memref.store %squeeze3A_575, %arg6[%swap3A_577] : memref<256xi32, #tpu.memory_space<smem>>
    %slice3A_579 = vector.extract_strided_slice %get3A_533 {offsets = [9], sizes = [1], strides = [1]} : vector<16xi32> to vector<1xi32>
    %squeeze3A_580 = vector.extract %slice3A_579[0] : i32 from vector<1xi32>
    %swap3A_581 = arith.constant 105 : i32
    %swap3A_582 = arith.index_cast %swap3A_581 : i32 to index
    %swap3A_583 = memref.load %arg6[%swap3A_582] : memref<256xi32, #tpu.memory_space<smem>>
    memref.store %squeeze3A_580, %arg6[%swap3A_582] : memref<256xi32, #tpu.memory_space<smem>>
    %slice3A_584 = vector.extract_strided_slice %get3A_533 {offsets = [10], sizes = [1], strides = [1]} : vector<16xi32> to vector<1xi32>
    %squeeze3A_585 = vector.extract %slice3A_584[0] : i32 from vector<1xi32>
    %swap3A_586 = arith.constant 106 : i32
    %swap3A_587 = arith.index_cast %swap3A_586 : i32 to index
    %swap3A_588 = memref.load %arg6[%swap3A_587] : memref<256xi32, #tpu.memory_space<smem>>
    memref.store %squeeze3A_585, %arg6[%swap3A_587] : memref<256xi32, #tpu.memory_space<smem>>
    %slice3A_589 = vector.extract_strided_slice %get3A_533 {offsets = [11], sizes = [1], strides = [1]} : vector<16xi32> to vector<1xi32>
    %squeeze3A_590 = vector.extract %slice3A_589[0] : i32 from vector<1xi32>
    %swap3A_591 = arith.constant 107 : i32
    %swap3A_592 = arith.index_cast %swap3A_591 : i32 to index
    %swap3A_593 = memref.load %arg6[%swap3A_592] : memref<256xi32, #tpu.memory_space<smem>>
    memref.store %squeeze3A_590, %arg6[%swap3A_592] : memref<256xi32, #tpu.memory_space<smem>>
    %slice3A_594 = vector.extract_strided_slice %get3A_533 {offsets = [12], sizes = [1], strides = [1]} : vector<16xi32> to vector<1xi32>
    %squeeze3A_595 = vector.extract %slice3A_594[0] : i32 from vector<1xi32>
    %swap3A_596 = arith.constant 108 : i32
    %swap3A_597 = arith.index_cast %swap3A_596 : i32 to index
    %swap3A_598 = memref.load %arg6[%swap3A_597] : memref<256xi32, #tpu.memory_space<smem>>
    memref.store %squeeze3A_595, %arg6[%swap3A_597] : memref<256xi32, #tpu.memory_space<smem>>
    %slice3A_599 = vector.extract_strided_slice %get3A_533 {offsets = [13], sizes = [1], strides = [1]} : vector<16xi32> to vector<1xi32>
    %squeeze3A_600 = vector.extract %slice3A_599[0] : i32 from vector<1xi32>
    %swap3A_601 = arith.constant 109 : i32
    %swap3A_602 = arith.index_cast %swap3A_601 : i32 to index
    %swap3A_603 = memref.load %arg6[%swap3A_602] : memref<256xi32, #tpu.memory_space<smem>>
    memref.store %squeeze3A_600, %arg6[%swap3A_602] : memref<256xi32, #tpu.memory_space<smem>>
    %slice3A_604 = vector.extract_strided_slice %get3A_533 {offsets = [14], sizes = [1], strides = [1]} : vector<16xi32> to vector<1xi32>
    %squeeze3A_605 = vector.extract %slice3A_604[0] : i32 from vector<1xi32>
    %swap3A_606 = arith.constant 110 : i32
    %swap3A_607 = arith.index_cast %swap3A_606 : i32 to index
    %swap3A_608 = memref.load %arg6[%swap3A_607] : memref<256xi32, #tpu.memory_space<smem>>
    memref.store %squeeze3A_605, %arg6[%swap3A_607] : memref<256xi32, #tpu.memory_space<smem>>
    %slice3A_609 = vector.extract_strided_slice %get3A_533 {offsets = [15], sizes = [1], strides = [1]} : vector<16xi32> to vector<1xi32>
    %squeeze3A_610 = vector.extract %slice3A_609[0] : i32 from vector<1xi32>
    %swap3A_611 = arith.constant 111 : i32
    %swap3A_612 = arith.index_cast %swap3A_611 : i32 to index
    %swap3A_613 = memref.load %arg6[%swap3A_612] : memref<256xi32, #tpu.memory_space<smem>>
    memref.store %squeeze3A_610, %arg6[%swap3A_612] : memref<256xi32, #tpu.memory_space<smem>>
    %get3A_614 = arith.constant 112 : index
    %get3A_615 = tpu.vector_load %arg5[%get3A_614] {strides = array<i32>} : memref<256xi32, #tpu.memory_space<vmem>>, vector<16xi32>,
    %get3A_616 = vector.shape_cast %get3A_615 : vector<16xi32> to vector<16xi32>
    %slice3A_617 = vector.extract_strided_slice %get3A_616 {offsets = [0], sizes = [1], strides = [1]} : vector<16xi32> to vector<1xi32>
    %squeeze3A_618 = vector.extract %slice3A_617[0] : i32 from vector<1xi32>
    %swap3A_619 = arith.constant 112 : i32
    %swap3A_620 = arith.index_cast %swap3A_619 : i32 to index
    %swap3A_621 = memref.load %arg6[%swap3A_620] : memref<256xi32, #tpu.memory_space<smem>>
    memref.store %squeeze3A_618, %arg6[%swap3A_620] : memref<256xi32, #tpu.memory_space<smem>>
    %slice3A_622 = vector.extract_strided_slice %get3A_616 {offsets = [1], sizes = [1], strides = [1]} : vector<16xi32> to vector<1xi32>
    %squeeze3A_623 = vector.extract %slice3A_622[0] : i32 from vector<1xi32>
    %swap3A_624 = arith.constant 113 : i32
    %swap3A_625 = arith.index_cast %swap3A_624 : i32 to index
    %swap3A_626 = memref.load %arg6[%swap3A_625] : memref<256xi32, #tpu.memory_space<smem>>
    memref.store %squeeze3A_623, %arg6[%swap3A_625] : memref<256xi32, #tpu.memory_space<smem>>
    %slice3A_627 = vector.extract_strided_slice %get3A_616 {offsets = [2], sizes = [1], strides = [1]} : vector<16xi32> to vector<1xi32>
    %squeeze3A_628 = vector.extract %slice3A_627[0] : i32 from vector<1xi32>
    %swap3A_629 = arith.constant 114 : i32
    %swap3A_630 = arith.index_cast %swap3A_629 : i32 to index
    %swap3A_631 = memref.load %arg6[%swap3A_630] : memref<256xi32, #tpu.memory_space<smem>>
    memref.store %squeeze3A_628, %arg6[%swap3A_630] : memref<256xi32, #tpu.memory_space<smem>>
    %slice3A_632 = vector.extract_strided_slice %get3A_616 {offsets = [3], sizes = [1], strides = [1]} : vector<16xi32> to vector<1xi32>
    %squeeze3A_633 = vector.extract %slice3A_632[0] : i32 from vector<1xi32>
    %swap3A_634 = arith.constant 115 : i32
    %swap3A_635 = arith.index_cast %swap3A_634 : i32 to index
    %swap3A_636 = memref.load %arg6[%swap3A_635] : memref<256xi32, #tpu.memory_space<smem>>
    memref.store %squeeze3A_633, %arg6[%swap3A_635] : memref<256xi32, #tpu.memory_space<smem>>
    %slice3A_637 = vector.extract_strided_slice %get3A_616 {offsets = [4], sizes = [1], strides = [1]} : vector<16xi32> to vector<1xi32>
    %squeeze3A_638 = vector.extract %slice3A_637[0] : i32 from vector<1xi32>
    %swap3A_639 = arith.constant 116 : i32
    %swap3A_640 = arith.index_cast %swap3A_639 : i32 to index
    %swap3A_641 = memref.load %arg6[%swap3A_640] : memref<256xi32, #tpu.memory_space<smem>>
    memref.store %squeeze3A_638, %arg6[%swap3A_640] : memref<256xi32, #tpu.memory_space<smem>>
    %slice3A_642 = vector.extract_strided_slice %get3A_616 {offsets = [5], sizes = [1], strides = [1]} : vector<16xi32> to vector<1xi32>
    %squeeze3A_643 = vector.extract %slice3A_642[0] : i32 from vector<1xi32>
    %swap3A_644 = arith.constant 117 : i32
    %swap3A_645 = arith.index_cast %swap3A_644 : i32 to index
    %swap3A_646 = memref.load %arg6[%swap3A_645] : memref<256xi32, #tpu.memory_space<smem>>
    memref.store %squeeze3A_643, %arg6[%swap3A_645] : memref<256xi32, #tpu.memory_space<smem>>
    %slice3A_647 = vector.extract_strided_slice %get3A_616 {offsets = [6], sizes = [1], strides = [1]} : vector<16xi32> to vector<1xi32>
    %squeeze3A_648 = vector.extract %slice3A_647[0] : i32 from vector<1xi32>
    %swap3A_649 = arith.constant 118 : i32
    %swap3A_650 = arith.index_cast %swap3A_649 : i32 to index
    %swap3A_651 = memref.load %arg6[%swap3A_650] : memref<256xi32, #tpu.memory_space<smem>>
    memref.store %squeeze3A_648, %arg6[%swap3A_650] : memref<256xi32, #tpu.memory_space<smem>>
    %slice3A_652 = vector.extract_strided_slice %get3A_616 {offsets = [7], sizes = [1], strides = [1]} : vector<16xi32> to vector<1xi32>
    %squeeze3A_653 = vector.extract %slice3A_652[0] : i32 from vector<1xi32>
    %swap3A_654 = arith.constant 119 : i32
    %swap3A_655 = arith.index_cast %swap3A_654 : i32 to index
    %swap3A_656 = memref.load %arg6[%swap3A_655] : memref<256xi32, #tpu.memory_space<smem>>
    memref.store %squeeze3A_653, %arg6[%swap3A_655] : memref<256xi32, #tpu.memory_space<smem>>
    %slice3A_657 = vector.extract_strided_slice %get3A_616 {offsets = [8], sizes = [1], strides = [1]} : vector<16xi32> to vector<1xi32>
    %squeeze3A_658 = vector.extract %slice3A_657[0] : i32 from vector<1xi32>
    %swap3A_659 = arith.constant 120 : i32
    %swap3A_660 = arith.index_cast %swap3A_659 : i32 to index
    %swap3A_661 = memref.load %arg6[%swap3A_660] : memref<256xi32, #tpu.memory_space<smem>>
    memref.store %squeeze3A_658, %arg6[%swap3A_660] : memref<256xi32, #tpu.memory_space<smem>>
    %slice3A_662 = vector.extract_strided_slice %get3A_616 {offsets = [9], sizes = [1], strides = [1]} : vector<16xi32> to vector<1xi32>
    %squeeze3A_663 = vector.extract %slice3A_662[0] : i32 from vector<1xi32>
    %swap3A_664 = arith.constant 121 : i32
    %swap3A_665 = arith.index_cast %swap3A_664 : i32 to index
    %swap3A_666 = memref.load %arg6[%swap3A_665] : memref<256xi32, #tpu.memory_space<smem>>
    memref.store %squeeze3A_663, %arg6[%swap3A_665] : memref<256xi32, #tpu.memory_space<smem>>
    %slice3A_667 = vector.extract_strided_slice %get3A_616 {offsets = [10], sizes = [1], strides = [1]} : vector<16xi32> to vector<1xi32>
    %squeeze3A_668 = vector.extract %slice3A_667[0] : i32 from vector<1xi32>
    %swap3A_669 = arith.constant 122 : i32
    %swap3A_670 = arith.index_cast %swap3A_669 : i32 to index
    %swap3A_671 = memref.load %arg6[%swap3A_670] : memref<256xi32, #tpu.memory_space<smem>>
    memref.store %squeeze3A_668, %arg6[%swap3A_670] : memref<256xi32, #tpu.memory_space<smem>>
    %slice3A_672 = vector.extract_strided_slice %get3A_616 {offsets = [11], sizes = [1], strides = [1]} : vector<16xi32> to vector<1xi32>
    %squeeze3A_673 = vector.extract %slice3A_672[0] : i32 from vector<1xi32>
    %swap3A_674 = arith.constant 123 : i32
    %swap3A_675 = arith.index_cast %swap3A_674 : i32 to index
    %swap3A_676 = memref.load %arg6[%swap3A_675] : memref<256xi32, #tpu.memory_space<smem>>
    memref.store %squeeze3A_673, %arg6[%swap3A_675] : memref<256xi32, #tpu.memory_space<smem>>
    %slice3A_677 = vector.extract_strided_slice %get3A_616 {offsets = [12], sizes = [1], strides = [1]} : vector<16xi32> to vector<1xi32>
    %squeeze3A_678 = vector.extract %slice3A_677[0] : i32 from vector<1xi32>
    %swap3A_679 = arith.constant 124 : i32
    %swap3A_680 = arith.index_cast %swap3A_679 : i32 to index
    %swap3A_681 = memref.load %arg6[%swap3A_680] : memref<256xi32, #tpu.memory_space<smem>>
    memref.store %squeeze3A_678, %arg6[%swap3A_680] : memref<256xi32, #tpu.memory_space<smem>>
    %slice3A_682 = vector.extract_strided_slice %get3A_616 {offsets = [13], sizes = [1], strides = [1]} : vector<16xi32> to vector<1xi32>
    %squeeze3A_683 = vector.extract %slice3A_682[0] : i32 from vector<1xi32>
    %swap3A_684 = arith.constant 125 : i32
    %swap3A_685 = arith.index_cast %swap3A_684 : i32 to index
    %swap3A_686 = memref.load %arg6[%swap3A_685] : memref<256xi32, #tpu.memory_space<smem>>
    memref.store %squeeze3A_683, %arg6[%swap3A_685] : memref<256xi32, #tpu.memory_space<smem>>
    %slice3A_687 = vector.extract_strided_slice %get3A_616 {offsets = [14], sizes = [1], strides = [1]} : vector<16xi32> to vector<1xi32>
    %squeeze3A_688 = vector.extract %slice3A_687[0] : i32 from vector<1xi32>
    %swap3A_689 = arith.constant 126 : i32
    %swap3A_690 = arith.index_cast %swap3A_689 : i32 to index
    %swap3A_691 = memref.load %arg6[%swap3A_690] : memref<256xi32, #tpu.memory_space<smem>>
    memref.store %squeeze3A_688, %arg6[%swap3A_690] : memref<256xi32, #tpu.memory_space<smem>>
    %slice3A_692 = vector.extract_strided_slice %get3A_616 {offsets = [15], sizes = [1], strides = [1]} : vector<16xi32> to vector<1xi32>
    %squeeze3A_693 = vector.extract %slice3A_692[0] : i32 from vector<1xi32>
    %swap3A_694 = arith.constant 127 : i32
    %swap3A_695 = arith.index_cast %swap3A_694 : i32 to index
    %swap3A_696 = memref.load %arg6[%swap3A_695] : memref<256xi32, #tpu.memory_space<smem>>
    memref.store %squeeze3A_693, %arg6[%swap3A_695] : memref<256xi32, #tpu.memory_space<smem>>
    %get3A_697 = arith.constant 128 : index
    %get3A_698 = tpu.vector_load %arg5[%get3A_697] {strides = array<i32>} : memref<256xi32, #tpu.memory_space<vmem>>, vector<16xi32>,
    %get3A_699 = vector.shape_cast %get3A_698 : vector<16xi32> to vector<16xi32>
    %slice3A_700 = vector.extract_strided_slice %get3A_699 {offsets = [0], sizes = [1], strides = [1]} : vector<16xi32> to vector<1xi32>
    %squeeze3A_701 = vector.extract %slice3A_700[0] : i32 from vector<1xi32>
    %swap3A_702 = arith.constant 128 : i32
    %swap3A_703 = arith.index_cast %swap3A_702 : i32 to index
    %swap3A_704 = memref.load %arg6[%swap3A_703] : memref<256xi32, #tpu.memory_space<smem>>
    memref.store %squeeze3A_701, %arg6[%swap3A_703] : memref<256xi32, #tpu.memory_space<smem>>
    %slice3A_705 = vector.extract_strided_slice %get3A_699 {offsets = [1], sizes = [1], strides = [1]} : vector<16xi32> to vector<1xi32>
    %squeeze3A_706 = vector.extract %slice3A_705[0] : i32 from vector<1xi32>
    %swap3A_707 = arith.constant 129 : i32
    %swap3A_708 = arith.index_cast %swap3A_707 : i32 to index
    %swap3A_709 = memref.load %arg6[%swap3A_708] : memref<256xi32, #tpu.memory_space<smem>>
    memref.store %squeeze3A_706, %arg6[%swap3A_708] : memref<256xi32, #tpu.memory_space<smem>>
    %slice3A_710 = vector.extract_strided_slice %get3A_699 {offsets = [2], sizes = [1], strides = [1]} : vector<16xi32> to vector<1xi32>
    %squeeze3A_711 = vector.extract %slice3A_710[0] : i32 from vector<1xi32>
    %swap3A_712 = arith.constant 130 : i32
    %swap3A_713 = arith.index_cast %swap3A_712 : i32 to index
    %swap3A_714 = memref.load %arg6[%swap3A_713] : memref<256xi32, #tpu.memory_space<smem>>
    memref.store %squeeze3A_711, %arg6[%swap3A_713] : memref<256xi32, #tpu.memory_space<smem>>
    %slice3A_715 = vector.extract_strided_slice %get3A_699 {offsets = [3], sizes = [1], strides = [1]} : vector<16xi32> to vector<1xi32>
    %squeeze3A_716 = vector.extract %slice3A_715[0] : i32 from vector<1xi32>
    %swap3A_717 = arith.constant 131 : i32
    %swap3A_718 = arith.index_cast %swap3A_717 : i32 to index
    %swap3A_719 = memref.load %arg6[%swap3A_718] : memref<256xi32, #tpu.memory_space<smem>>
    memref.store %squeeze3A_716, %arg6[%swap3A_718] : memref<256xi32, #tpu.memory_space<smem>>
    %slice3A_720 = vector.extract_strided_slice %get3A_699 {offsets = [4], sizes = [1], strides = [1]} : vector<16xi32> to vector<1xi32>
    %squeeze3A_721 = vector.extract %slice3A_720[0] : i32 from vector<1xi32>
    %swap3A_722 = arith.constant 132 : i32
    %swap3A_723 = arith.index_cast %swap3A_722 : i32 to index
    %swap3A_724 = memref.load %arg6[%swap3A_723] : memref<256xi32, #tpu.memory_space<smem>>
    memref.store %squeeze3A_721, %arg6[%swap3A_723] : memref<256xi32, #tpu.memory_space<smem>>
    %slice3A_725 = vector.extract_strided_slice %get3A_699 {offsets = [5], sizes = [1], strides = [1]} : vector<16xi32> to vector<1xi32>
    %squeeze3A_726 = vector.extract %slice3A_725[0] : i32 from vector<1xi32>
    %swap3A_727 = arith.constant 133 : i32
    %swap3A_728 = arith.index_cast %swap3A_727 : i32 to index
    %swap3A_729 = memref.load %arg6[%swap3A_728] : memref<256xi32, #tpu.memory_space<smem>>
    memref.store %squeeze3A_726, %arg6[%swap3A_728] : memref<256xi32, #tpu.memory_space<smem>>
    %slice3A_730 = vector.extract_strided_slice %get3A_699 {offsets = [6], sizes = [1], strides = [1]} : vector<16xi32> to vector<1xi32>
    %squeeze3A_731 = vector.extract %slice3A_730[0] : i32 from vector<1xi32>
    %swap3A_732 = arith.constant 134 : i32
    %swap3A_733 = arith.index_cast %swap3A_732 : i32 to index
    %swap3A_734 = memref.load %arg6[%swap3A_733] : memref<256xi32, #tpu.memory_space<smem>>
    memref.store %squeeze3A_731, %arg6[%swap3A_733] : memref<256xi32, #tpu.memory_space<smem>>
    %slice3A_735 = vector.extract_strided_slice %get3A_699 {offsets = [7], sizes = [1], strides = [1]} : vector<16xi32> to vector<1xi32>
    %squeeze3A_736 = vector.extract %slice3A_735[0] : i32 from vector<1xi32>
    %swap3A_737 = arith.constant 135 : i32
    %swap3A_738 = arith.index_cast %swap3A_737 : i32 to index
    %swap3A_739 = memref.load %arg6[%swap3A_738] : memref<256xi32, #tpu.memory_space<smem>>
    memref.store %squeeze3A_736, %arg6[%swap3A_738] : memref<256xi32, #tpu.memory_space<smem>>
    %slice3A_740 = vector.extract_strided_slice %get3A_699 {offsets = [8], sizes = [1], strides = [1]} : vector<16xi32> to vector<1xi32>
    %squeeze3A_741 = vector.extract %slice3A_740[0] : i32 from vector<1xi32>
    %swap3A_742 = arith.constant 136 : i32
    %swap3A_743 = arith.index_cast %swap3A_742 : i32 to index
    %swap3A_744 = memref.load %arg6[%swap3A_743] : memref<256xi32, #tpu.memory_space<smem>>
    memref.store %squeeze3A_741, %arg6[%swap3A_743] : memref<256xi32, #tpu.memory_space<smem>>
    %slice3A_745 = vector.extract_strided_slice %get3A_699 {offsets = [9], sizes = [1], strides = [1]} : vector<16xi32> to vector<1xi32>
    %squeeze3A_746 = vector.extract %slice3A_745[0] : i32 from vector<1xi32>
    %swap3A_747 = arith.constant 137 : i32
    %swap3A_748 = arith.index_cast %swap3A_747 : i32 to index
    %swap3A_749 = memref.load %arg6[%swap3A_748] : memref<256xi32, #tpu.memory_space<smem>>
    memref.store %squeeze3A_746, %arg6[%swap3A_748] : memref<256xi32, #tpu.memory_space<smem>>
    %slice3A_750 = vector.extract_strided_slice %get3A_699 {offsets = [10], sizes = [1], strides = [1]} : vector<16xi32> to vector<1xi32>
    %squeeze3A_751 = vector.extract %slice3A_750[0] : i32 from vector<1xi32>
    %swap3A_752 = arith.constant 138 : i32
    %swap3A_753 = arith.index_cast %swap3A_752 : i32 to index
    %swap3A_754 = memref.load %arg6[%swap3A_753] : memref<256xi32, #tpu.memory_space<smem>>
    memref.store %squeeze3A_751, %arg6[%swap3A_753] : memref<256xi32, #tpu.memory_space<smem>>
    %slice3A_755 = vector.extract_strided_slice %get3A_699 {offsets = [11], sizes = [1], strides = [1]} : vector<16xi32> to vector<1xi32>
    %squeeze3A_756 = vector.extract %slice3A_755[0] : i32 from vector<1xi32>
    %swap3A_757 = arith.constant 139 : i32
    %swap3A_758 = arith.index_cast %swap3A_757 : i32 to index
    %swap3A_759 = memref.load %arg6[%swap3A_758] : memref<256xi32, #tpu.memory_space<smem>>
    memref.store %squeeze3A_756, %arg6[%swap3A_758] : memref<256xi32, #tpu.memory_space<smem>>
    %slice3A_760 = vector.extract_strided_slice %get3A_699 {offsets = [12], sizes = [1], strides = [1]} : vector<16xi32> to vector<1xi32>
    %squeeze3A_761 = vector.extract %slice3A_760[0] : i32 from vector<1xi32>
    %swap3A_762 = arith.constant 140 : i32
    %swap3A_763 = arith.index_cast %swap3A_762 : i32 to index
    %swap3A_764 = memref.load %arg6[%swap3A_763] : memref<256xi32, #tpu.memory_space<smem>>
    memref.store %squeeze3A_761, %arg6[%swap3A_763] : memref<256xi32, #tpu.memory_space<smem>>
    %slice3A_765 = vector.extract_strided_slice %get3A_699 {offsets = [13], sizes = [1], strides = [1]} : vector<16xi32> to vector<1xi32>
    %squeeze3A_766 = vector.extract %slice3A_765[0] : i32 from vector<1xi32>
    %swap3A_767 = arith.constant 141 : i32
    %swap3A_768 = arith.index_cast %swap3A_767 : i32 to index
    %swap3A_769 = memref.load %arg6[%swap3A_768] : memref<256xi32, #tpu.memory_space<smem>>
    memref.store %squeeze3A_766, %arg6[%swap3A_768] : memref<256xi32, #tpu.memory_space<smem>>
    %slice3A_770 = vector.extract_strided_slice %get3A_699 {offsets = [14], sizes = [1], strides = [1]} : vector<16xi32> to vector<1xi32>
    %squeeze3A_771 = vector.extract %slice3A_770[0] : i32 from vector<1xi32>
    %swap3A_772 = arith.constant 142 : i32
    %swap3A_773 = arith.index_cast %swap3A_772 : i32 to index
    %swap3A_774 = memref.load %arg6[%swap3A_773] : memref<256xi32, #tpu.memory_space<smem>>
    memref.store %squeeze3A_771, %arg6[%swap3A_773] : memref<256xi32, #tpu.memory_space<smem>>
    %slice3A_775 = vector.extract_strided_slice %get3A_699 {offsets = [15], sizes = [1], strides = [1]} : vector<16xi32> to vector<1xi32>
    %squeeze3A_776 = vector.extract %slice3A_775[0] : i32 from vector<1xi32>
    %swap3A_777 = arith.constant 143 : i32
    %swap3A_778 = arith.index_cast %swap3A_777 : i32 to index
    %swap3A_779 = memref.load %arg6[%swap3A_778] : memref<256xi32, #tpu.memory_space<smem>>
    memref.store %squeeze3A_776, %arg6[%swap3A_778] : memref<256xi32, #tpu.memory_space<smem>>
    %get3A_780 = arith.constant 144 : index
    %get3A_781 = tpu.vector_load %arg5[%get3A_780] {strides = array<i32>} : memref<256xi32, #tpu.memory_space<vmem>>, vector<16xi32>,
    %get3A_782 = vector.shape_cast %get3A_781 : vector<16xi32> to vector<16xi32>
    %slice3A_783 = vector.extract_strided_slice %get3A_782 {offsets = [0], sizes = [1], strides = [1]} : vector<16xi32> to vector<1xi32>
    %squeeze3A_784 = vector.extract %slice3A_783[0] : i32 from vector<1xi32>
    %swap3A_785 = arith.constant 144 : i32
    %swap3A_786 = arith.index_cast %swap3A_785 : i32 to index
    %swap3A_787 = memref.load %arg6[%swap3A_786] : memref<256xi32, #tpu.memory_space<smem>>
    memref.store %squeeze3A_784, %arg6[%swap3A_786] : memref<256xi32, #tpu.memory_space<smem>>
    %slice3A_788 = vector.extract_strided_slice %get3A_782 {offsets = [1], sizes = [1], strides = [1]} : vector<16xi32> to vector<1xi32>
    %squeeze3A_789 = vector.extract %slice3A_788[0] : i32 from vector<1xi32>
    %swap3A_790 = arith.constant 145 : i32
    %swap3A_791 = arith.index_cast %swap3A_790 : i32 to index
    %swap3A_792 = memref.load %arg6[%swap3A_791] : memref<256xi32, #tpu.memory_space<smem>>
    memref.store %squeeze3A_789, %arg6[%swap3A_791] : memref<256xi32, #tpu.memory_space<smem>>
    %slice3A_793 = vector.extract_strided_slice %get3A_782 {offsets = [2], sizes = [1], strides = [1]} : vector<16xi32> to vector<1xi32>
    %squeeze3A_794 = vector.extract %slice3A_793[0] : i32 from vector<1xi32>
    %swap3A_795 = arith.constant 146 : i32
    %swap3A_796 = arith.index_cast %swap3A_795 : i32 to index
    %swap3A_797 = memref.load %arg6[%swap3A_796] : memref<256xi32, #tpu.memory_space<smem>>
    memref.store %squeeze3A_794, %arg6[%swap3A_796] : memref<256xi32, #tpu.memory_space<smem>>
    %slice3A_798 = vector.extract_strided_slice %get3A_782 {offsets = [3], sizes = [1], strides = [1]} : vector<16xi32> to vector<1xi32>
    %squeeze3A_799 = vector.extract %slice3A_798[0] : i32 from vector<1xi32>
    %swap3A_800 = arith.constant 147 : i32
    %swap3A_801 = arith.index_cast %swap3A_800 : i32 to index
    %swap3A_802 = memref.load %arg6[%swap3A_801] : memref<256xi32, #tpu.memory_space<smem>>
    memref.store %squeeze3A_799, %arg6[%swap3A_801] : memref<256xi32, #tpu.memory_space<smem>>
    %slice3A_803 = vector.extract_strided_slice %get3A_782 {offsets = [4], sizes = [1], strides = [1]} : vector<16xi32> to vector<1xi32>
    %squeeze3A_804 = vector.extract %slice3A_803[0] : i32 from vector<1xi32>
    %swap3A_805 = arith.constant 148 : i32
    %swap3A_806 = arith.index_cast %swap3A_805 : i32 to index
    %swap3A_807 = memref.load %arg6[%swap3A_806] : memref<256xi32, #tpu.memory_space<smem>>
    memref.store %squeeze3A_804, %arg6[%swap3A_806] : memref<256xi32, #tpu.memory_space<smem>>
    %slice3A_808 = vector.extract_strided_slice %get3A_782 {offsets = [5], sizes = [1], strides = [1]} : vector<16xi32> to vector<1xi32>
    %squeeze3A_809 = vector.extract %slice3A_808[0] : i32 from vector<1xi32>
    %swap3A_810 = arith.constant 149 : i32
    %swap3A_811 = arith.index_cast %swap3A_810 : i32 to index
    %swap3A_812 = memref.load %arg6[%swap3A_811] : memref<256xi32, #tpu.memory_space<smem>>
    memref.store %squeeze3A_809, %arg6[%swap3A_811] : memref<256xi32, #tpu.memory_space<smem>>
    %slice3A_813 = vector.extract_strided_slice %get3A_782 {offsets = [6], sizes = [1], strides = [1]} : vector<16xi32> to vector<1xi32>
    %squeeze3A_814 = vector.extract %slice3A_813[0] : i32 from vector<1xi32>
    %swap3A_815 = arith.constant 150 : i32
    %swap3A_816 = arith.index_cast %swap3A_815 : i32 to index
    %swap3A_817 = memref.load %arg6[%swap3A_816] : memref<256xi32, #tpu.memory_space<smem>>
    memref.store %squeeze3A_814, %arg6[%swap3A_816] : memref<256xi32, #tpu.memory_space<smem>>
    %slice3A_818 = vector.extract_strided_slice %get3A_782 {offsets = [7], sizes = [1], strides = [1]} : vector<16xi32> to vector<1xi32>
    %squeeze3A_819 = vector.extract %slice3A_818[0] : i32 from vector<1xi32>
    %swap3A_820 = arith.constant 151 : i32
    %swap3A_821 = arith.index_cast %swap3A_820 : i32 to index
    %swap3A_822 = memref.load %arg6[%swap3A_821] : memref<256xi32, #tpu.memory_space<smem>>
    memref.store %squeeze3A_819, %arg6[%swap3A_821] : memref<256xi32, #tpu.memory_space<smem>>
    %slice3A_823 = vector.extract_strided_slice %get3A_782 {offsets = [8], sizes = [1], strides = [1]} : vector<16xi32> to vector<1xi32>
    %squeeze3A_824 = vector.extract %slice3A_823[0] : i32 from vector<1xi32>
    %swap3A_825 = arith.constant 152 : i32
    %swap3A_826 = arith.index_cast %swap3A_825 : i32 to index
    %swap3A_827 = memref.load %arg6[%swap3A_826] : memref<256xi32, #tpu.memory_space<smem>>
    memref.store %squeeze3A_824, %arg6[%swap3A_826] : memref<256xi32, #tpu.memory_space<smem>>
    %slice3A_828 = vector.extract_strided_slice %get3A_782 {offsets = [9], sizes = [1], strides = [1]} : vector<16xi32> to vector<1xi32>
    %squeeze3A_829 = vector.extract %slice3A_828[0] : i32 from vector<1xi32>
    %swap3A_830 = arith.constant 153 : i32
    %swap3A_831 = arith.index_cast %swap3A_830 : i32 to index
    %swap3A_832 = memref.load %arg6[%swap3A_831] : memref<256xi32, #tpu.memory_space<smem>>
    memref.store %squeeze3A_829, %arg6[%swap3A_831] : memref<256xi32, #tpu.memory_space<smem>>
    %slice3A_833 = vector.extract_strided_slice %get3A_782 {offsets = [10], sizes = [1], strides = [1]} : vector<16xi32> to vector<1xi32>
    %squeeze3A_834 = vector.extract %slice3A_833[0] : i32 from vector<1xi32>
    %swap3A_835 = arith.constant 154 : i32
    %swap3A_836 = arith.index_cast %swap3A_835 : i32 to index
    %swap3A_837 = memref.load %arg6[%swap3A_836] : memref<256xi32, #tpu.memory_space<smem>>
    memref.store %squeeze3A_834, %arg6[%swap3A_836] : memref<256xi32, #tpu.memory_space<smem>>
    %slice3A_838 = vector.extract_strided_slice %get3A_782 {offsets = [11], sizes = [1], strides = [1]} : vector<16xi32> to vector<1xi32>
    %squeeze3A_839 = vector.extract %slice3A_838[0] : i32 from vector<1xi32>
    %swap3A_840 = arith.constant 155 : i32
    %swap3A_841 = arith.index_cast %swap3A_840 : i32 to index
    %swap3A_842 = memref.load %arg6[%swap3A_841] : memref<256xi32, #tpu.memory_space<smem>>
    memref.store %squeeze3A_839, %arg6[%swap3A_841] : memref<256xi32, #tpu.memory_space<smem>>
    %slice3A_843 = vector.extract_strided_slice %get3A_782 {offsets = [12], sizes = [1], strides = [1]} : vector<16xi32> to vector<1xi32>
    %squeeze3A_844 = vector.extract %slice3A_843[0] : i32 from vector<1xi32>
    %swap3A_845 = arith.constant 156 : i32
    %swap3A_846 = arith.index_cast %swap3A_845 : i32 to index
    %swap3A_847 = memref.load %arg6[%swap3A_846] : memref<256xi32, #tpu.memory_space<smem>>
    memref.store %squeeze3A_844, %arg6[%swap3A_846] : memref<256xi32, #tpu.memory_space<smem>>
    %slice3A_848 = vector.extract_strided_slice %get3A_782 {offsets = [13], sizes = [1], strides = [1]} : vector<16xi32> to vector<1xi32>
    %squeeze3A_849 = vector.extract %slice3A_848[0] : i32 from vector<1xi32>
    %swap3A_850 = arith.constant 157 : i32
    %swap3A_851 = arith.index_cast %swap3A_850 : i32 to index
    %swap3A_852 = memref.load %arg6[%swap3A_851] : memref<256xi32, #tpu.memory_space<smem>>
    memref.store %squeeze3A_849, %arg6[%swap3A_851] : memref<256xi32, #tpu.memory_space<smem>>
    %slice3A_853 = vector.extract_strided_slice %get3A_782 {offsets = [14], sizes = [1], strides = [1]} : vector<16xi32> to vector<1xi32>
    %squeeze3A_854 = vector.extract %slice3A_853[0] : i32 from vector<1xi32>
    %swap3A_855 = arith.constant 158 : i32
    %swap3A_856 = arith.index_cast %swap3A_855 : i32 to index
    %swap3A_857 = memref.load %arg6[%swap3A_856] : memref<256xi32, #tpu.memory_space<smem>>
    memref.store %squeeze3A_854, %arg6[%swap3A_856] : memref<256xi32, #tpu.memory_space<smem>>
    %slice3A_858 = vector.extract_strided_slice %get3A_782 {offsets = [15], sizes = [1], strides = [1]} : vector<16xi32> to vector<1xi32>
    %squeeze3A_859 = vector.extract %slice3A_858[0] : i32 from vector<1xi32>
    %swap3A_860 = arith.constant 159 : i32
    %swap3A_861 = arith.index_cast %swap3A_860 : i32 to index
    %swap3A_862 = memref.load %arg6[%swap3A_861] : memref<256xi32, #tpu.memory_space<smem>>
    memref.store %squeeze3A_859, %arg6[%swap3A_861] : memref<256xi32, #tpu.memory_space<smem>>
    %get3A_863 = arith.constant 160 : index
    %get3A_864 = tpu.vector_load %arg5[%get3A_863] {strides = array<i32>} : memref<256xi32, #tpu.memory_space<vmem>>, vector<16xi32>,
    %get3A_865 = vector.shape_cast %get3A_864 : vector<16xi32> to vector<16xi32>
    %slice3A_866 = vector.extract_strided_slice %get3A_865 {offsets = [0], sizes = [1], strides = [1]} : vector<16xi32> to vector<1xi32>
    %squeeze3A_867 = vector.extract %slice3A_866[0] : i32 from vector<1xi32>
    %swap3A_868 = arith.constant 160 : i32
    %swap3A_869 = arith.index_cast %swap3A_868 : i32 to index
    %swap3A_870 = memref.load %arg6[%swap3A_869] : memref<256xi32, #tpu.memory_space<smem>>
    memref.store %squeeze3A_867, %arg6[%swap3A_869] : memref<256xi32, #tpu.memory_space<smem>>
    %slice3A_871 = vector.extract_strided_slice %get3A_865 {offsets = [1], sizes = [1], strides = [1]} : vector<16xi32> to vector<1xi32>
    %squeeze3A_872 = vector.extract %slice3A_871[0] : i32 from vector<1xi32>
    %swap3A_873 = arith.constant 161 : i32
    %swap3A_874 = arith.index_cast %swap3A_873 : i32 to index
    %swap3A_875 = memref.load %arg6[%swap3A_874] : memref<256xi32, #tpu.memory_space<smem>>
    memref.store %squeeze3A_872, %arg6[%swap3A_874] : memref<256xi32, #tpu.memory_space<smem>>
    %slice3A_876 = vector.extract_strided_slice %get3A_865 {offsets = [2], sizes = [1], strides = [1]} : vector<16xi32> to vector<1xi32>
    %squeeze3A_877 = vector.extract %slice3A_876[0] : i32 from vector<1xi32>
    %swap3A_878 = arith.constant 162 : i32
    %swap3A_879 = arith.index_cast %swap3A_878 : i32 to index
    %swap3A_880 = memref.load %arg6[%swap3A_879] : memref<256xi32, #tpu.memory_space<smem>>
    memref.store %squeeze3A_877, %arg6[%swap3A_879] : memref<256xi32, #tpu.memory_space<smem>>
    %slice3A_881 = vector.extract_strided_slice %get3A_865 {offsets = [3], sizes = [1], strides = [1]} : vector<16xi32> to vector<1xi32>
    %squeeze3A_882 = vector.extract %slice3A_881[0] : i32 from vector<1xi32>
    %swap3A_883 = arith.constant 163 : i32
    %swap3A_884 = arith.index_cast %swap3A_883 : i32 to index
    %swap3A_885 = memref.load %arg6[%swap3A_884] : memref<256xi32, #tpu.memory_space<smem>>
    memref.store %squeeze3A_882, %arg6[%swap3A_884] : memref<256xi32, #tpu.memory_space<smem>>
    %slice3A_886 = vector.extract_strided_slice %get3A_865 {offsets = [4], sizes = [1], strides = [1]} : vector<16xi32> to vector<1xi32>
    %squeeze3A_887 = vector.extract %slice3A_886[0] : i32 from vector<1xi32>
    %swap3A_888 = arith.constant 164 : i32
    %swap3A_889 = arith.index_cast %swap3A_888 : i32 to index
    %swap3A_890 = memref.load %arg6[%swap3A_889] : memref<256xi32, #tpu.memory_space<smem>>
    memref.store %squeeze3A_887, %arg6[%swap3A_889] : memref<256xi32, #tpu.memory_space<smem>>
    %slice3A_891 = vector.extract_strided_slice %get3A_865 {offsets = [5], sizes = [1], strides = [1]} : vector<16xi32> to vector<1xi32>
    %squeeze3A_892 = vector.extract %slice3A_891[0] : i32 from vector<1xi32>
    %swap3A_893 = arith.constant 165 : i32
    %swap3A_894 = arith.index_cast %swap3A_893 : i32 to index
    %swap3A_895 = memref.load %arg6[%swap3A_894] : memref<256xi32, #tpu.memory_space<smem>>
    memref.store %squeeze3A_892, %arg6[%swap3A_894] : memref<256xi32, #tpu.memory_space<smem>>
    %slice3A_896 = vector.extract_strided_slice %get3A_865 {offsets = [6], sizes = [1], strides = [1]} : vector<16xi32> to vector<1xi32>
    %squeeze3A_897 = vector.extract %slice3A_896[0] : i32 from vector<1xi32>
    %swap3A_898 = arith.constant 166 : i32
    %swap3A_899 = arith.index_cast %swap3A_898 : i32 to index
    %swap3A_900 = memref.load %arg6[%swap3A_899] : memref<256xi32, #tpu.memory_space<smem>>
    memref.store %squeeze3A_897, %arg6[%swap3A_899] : memref<256xi32, #tpu.memory_space<smem>>
    %slice3A_901 = vector.extract_strided_slice %get3A_865 {offsets = [7], sizes = [1], strides = [1]} : vector<16xi32> to vector<1xi32>
    %squeeze3A_902 = vector.extract %slice3A_901[0] : i32 from vector<1xi32>
    %swap3A_903 = arith.constant 167 : i32
    %swap3A_904 = arith.index_cast %swap3A_903 : i32 to index
    %swap3A_905 = memref.load %arg6[%swap3A_904] : memref<256xi32, #tpu.memory_space<smem>>
    memref.store %squeeze3A_902, %arg6[%swap3A_904] : memref<256xi32, #tpu.memory_space<smem>>
    %slice3A_906 = vector.extract_strided_slice %get3A_865 {offsets = [8], sizes = [1], strides = [1]} : vector<16xi32> to vector<1xi32>
    %squeeze3A_907 = vector.extract %slice3A_906[0] : i32 from vector<1xi32>
    %swap3A_908 = arith.constant 168 : i32
    %swap3A_909 = arith.index_cast %swap3A_908 : i32 to index
    %swap3A_910 = memref.load %arg6[%swap3A_909] : memref<256xi32, #tpu.memory_space<smem>>
    memref.store %squeeze3A_907, %arg6[%swap3A_909] : memref<256xi32, #tpu.memory_space<smem>>
    %slice3A_911 = vector.extract_strided_slice %get3A_865 {offsets = [9], sizes = [1], strides = [1]} : vector<16xi32> to vector<1xi32>
    %squeeze3A_912 = vector.extract %slice3A_911[0] : i32 from vector<1xi32>
    %swap3A_913 = arith.constant 169 : i32
    %swap3A_914 = arith.index_cast %swap3A_913 : i32 to index
    %swap3A_915 = memref.load %arg6[%swap3A_914] : memref<256xi32, #tpu.memory_space<smem>>
    memref.store %squeeze3A_912, %arg6[%swap3A_914] : memref<256xi32, #tpu.memory_space<smem>>
    %slice3A_916 = vector.extract_strided_slice %get3A_865 {offsets = [10], sizes = [1], strides = [1]} : vector<16xi32> to vector<1xi32>
    %squeeze3A_917 = vector.extract %slice3A_916[0] : i32 from vector<1xi32>
    %swap3A_918 = arith.constant 170 : i32
    %swap3A_919 = arith.index_cast %swap3A_918 : i32 to index
    %swap3A_920 = memref.load %arg6[%swap3A_919] : memref<256xi32, #tpu.memory_space<smem>>
    memref.store %squeeze3A_917, %arg6[%swap3A_919] : memref<256xi32, #tpu.memory_space<smem>>
    %slice3A_921 = vector.extract_strided_slice %get3A_865 {offsets = [11], sizes = [1], strides = [1]} : vector<16xi32> to vector<1xi32>
    %squeeze3A_922 = vector.extract %slice3A_921[0] : i32 from vector<1xi32>
    %swap3A_923 = arith.constant 171 : i32
    %swap3A_924 = arith.index_cast %swap3A_923 : i32 to index
    %swap3A_925 = memref.load %arg6[%swap3A_924] : memref<256xi32, #tpu.memory_space<smem>>
    memref.store %squeeze3A_922, %arg6[%swap3A_924] : memref<256xi32, #tpu.memory_space<smem>>
    %slice3A_926 = vector.extract_strided_slice %get3A_865 {offsets = [12], sizes = [1], strides = [1]} : vector<16xi32> to vector<1xi32>
    %squeeze3A_927 = vector.extract %slice3A_926[0] : i32 from vector<1xi32>
    %swap3A_928 = arith.constant 172 : i32
    %swap3A_929 = arith.index_cast %swap3A_928 : i32 to index
    %swap3A_930 = memref.load %arg6[%swap3A_929] : memref<256xi32, #tpu.memory_space<smem>>
    memref.store %squeeze3A_927, %arg6[%swap3A_929] : memref<256xi32, #tpu.memory_space<smem>>
    %slice3A_931 = vector.extract_strided_slice %get3A_865 {offsets = [13], sizes = [1], strides = [1]} : vector<16xi32> to vector<1xi32>
    %squeeze3A_932 = vector.extract %slice3A_931[0] : i32 from vector<1xi32>
    %swap3A_933 = arith.constant 173 : i32
    %swap3A_934 = arith.index_cast %swap3A_933 : i32 to index
    %swap3A_935 = memref.load %arg6[%swap3A_934] : memref<256xi32, #tpu.memory_space<smem>>
    memref.store %squeeze3A_932, %arg6[%swap3A_934] : memref<256xi32, #tpu.memory_space<smem>>
    %slice3A_936 = vector.extract_strided_slice %get3A_865 {offsets = [14], sizes = [1], strides = [1]} : vector<16xi32> to vector<1xi32>
    %squeeze3A_937 = vector.extract %slice3A_936[0] : i32 from vector<1xi32>
    %swap3A_938 = arith.constant 174 : i32
    %swap3A_939 = arith.index_cast %swap3A_938 : i32 to index
    %swap3A_940 = memref.load %arg6[%swap3A_939] : memref<256xi32, #tpu.memory_space<smem>>
    memref.store %squeeze3A_937, %arg6[%swap3A_939] : memref<256xi32, #tpu.memory_space<smem>>
    %slice3A_941 = vector.extract_strided_slice %get3A_865 {offsets = [15], sizes = [1], strides = [1]} : vector<16xi32> to vector<1xi32>
    %squeeze3A_942 = vector.extract %slice3A_941[0] : i32 from vector<1xi32>
    %swap3A_943 = arith.constant 175 : i32
    %swap3A_944 = arith.index_cast %swap3A_943 : i32 to index
    %swap3A_945 = memref.load %arg6[%swap3A_944] : memref<256xi32, #tpu.memory_space<smem>>
    memref.store %squeeze3A_942, %arg6[%swap3A_944] : memref<256xi32, #tpu.memory_space<smem>>
    %get3A_946 = arith.constant 176 : index
    %get3A_947 = tpu.vector_load %arg5[%get3A_946] {strides = array<i32>} : memref<256xi32, #tpu.memory_space<vmem>>, vector<16xi32>,
    %get3A_948 = vector.shape_cast %get3A_947 : vector<16xi32> to vector<16xi32>
    %slice3A_949 = vector.extract_strided_slice %get3A_948 {offsets = [0], sizes = [1], strides = [1]} : vector<16xi32> to vector<1xi32>
    %squeeze3A_950 = vector.extract %slice3A_949[0] : i32 from vector<1xi32>
    %swap3A_951 = arith.constant 176 : i32
    %swap3A_952 = arith.index_cast %swap3A_951 : i32 to index
    %swap3A_953 = memref.load %arg6[%swap3A_952] : memref<256xi32, #tpu.memory_space<smem>>
    memref.store %squeeze3A_950, %arg6[%swap3A_952] : memref<256xi32, #tpu.memory_space<smem>>
    %slice3A_954 = vector.extract_strided_slice %get3A_948 {offsets = [1], sizes = [1], strides = [1]} : vector<16xi32> to vector<1xi32>
    %squeeze3A_955 = vector.extract %slice3A_954[0] : i32 from vector<1xi32>
    %swap3A_956 = arith.constant 177 : i32
    %swap3A_957 = arith.index_cast %swap3A_956 : i32 to index
    %swap3A_958 = memref.load %arg6[%swap3A_957] : memref<256xi32, #tpu.memory_space<smem>>
    memref.store %squeeze3A_955, %arg6[%swap3A_957] : memref<256xi32, #tpu.memory_space<smem>>
    %slice3A_959 = vector.extract_strided_slice %get3A_948 {offsets = [2], sizes = [1], strides = [1]} : vector<16xi32> to vector<1xi32>
    %squeeze3A_960 = vector.extract %slice3A_959[0] : i32 from vector<1xi32>
    %swap3A_961 = arith.constant 178 : i32
    %swap3A_962 = arith.index_cast %swap3A_961 : i32 to index
    %swap3A_963 = memref.load %arg6[%swap3A_962] : memref<256xi32, #tpu.memory_space<smem>>
    memref.store %squeeze3A_960, %arg6[%swap3A_962] : memref<256xi32, #tpu.memory_space<smem>>
    %slice3A_964 = vector.extract_strided_slice %get3A_948 {offsets = [3], sizes = [1], strides = [1]} : vector<16xi32> to vector<1xi32>
    %squeeze3A_965 = vector.extract %slice3A_964[0] : i32 from vector<1xi32>
    %swap3A_966 = arith.constant 179 : i32
    %swap3A_967 = arith.index_cast %swap3A_966 : i32 to index
    %swap3A_968 = memref.load %arg6[%swap3A_967] : memref<256xi32, #tpu.memory_space<smem>>
    memref.store %squeeze3A_965, %arg6[%swap3A_967] : memref<256xi32, #tpu.memory_space<smem>>
    %slice3A_969 = vector.extract_strided_slice %get3A_948 {offsets = [4], sizes = [1], strides = [1]} : vector<16xi32> to vector<1xi32>
    %squeeze3A_970 = vector.extract %slice3A_969[0] : i32 from vector<1xi32>
    %swap3A_971 = arith.constant 180 : i32
    %swap3A_972 = arith.index_cast %swap3A_971 : i32 to index
    %swap3A_973 = memref.load %arg6[%swap3A_972] : memref<256xi32, #tpu.memory_space<smem>>
    memref.store %squeeze3A_970, %arg6[%swap3A_972] : memref<256xi32, #tpu.memory_space<smem>>
    %slice3A_974 = vector.extract_strided_slice %get3A_948 {offsets = [5], sizes = [1], strides = [1]} : vector<16xi32> to vector<1xi32>
    %squeeze3A_975 = vector.extract %slice3A_974[0] : i32 from vector<1xi32>
    %swap3A_976 = arith.constant 181 : i32
    %swap3A_977 = arith.index_cast %swap3A_976 : i32 to index
    %swap3A_978 = memref.load %arg6[%swap3A_977] : memref<256xi32, #tpu.memory_space<smem>>
    memref.store %squeeze3A_975, %arg6[%swap3A_977] : memref<256xi32, #tpu.memory_space<smem>>
    %slice3A_979 = vector.extract_strided_slice %get3A_948 {offsets = [6], sizes = [1], strides = [1]} : vector<16xi32> to vector<1xi32>
    %squeeze3A_980 = vector.extract %slice3A_979[0] : i32 from vector<1xi32>
    %swap3A_981 = arith.constant 182 : i32
    %swap3A_982 = arith.index_cast %swap3A_981 : i32 to index
    %swap3A_983 = memref.load %arg6[%swap3A_982] : memref<256xi32, #tpu.memory_space<smem>>
    memref.store %squeeze3A_980, %arg6[%swap3A_982] : memref<256xi32, #tpu.memory_space<smem>>
    %slice3A_984 = vector.extract_strided_slice %get3A_948 {offsets = [7], sizes = [1], strides = [1]} : vector<16xi32> to vector<1xi32>
    %squeeze3A_985 = vector.extract %slice3A_984[0] : i32 from vector<1xi32>
    %swap3A_986 = arith.constant 183 : i32
    %swap3A_987 = arith.index_cast %swap3A_986 : i32 to index
    %swap3A_988 = memref.load %arg6[%swap3A_987] : memref<256xi32, #tpu.memory_space<smem>>
    memref.store %squeeze3A_985, %arg6[%swap3A_987] : memref<256xi32, #tpu.memory_space<smem>>
    %slice3A_989 = vector.extract_strided_slice %get3A_948 {offsets = [8], sizes = [1], strides = [1]} : vector<16xi32> to vector<1xi32>
    %squeeze3A_990 = vector.extract %slice3A_989[0] : i32 from vector<1xi32>
    %swap3A_991 = arith.constant 184 : i32
    %swap3A_992 = arith.index_cast %swap3A_991 : i32 to index
    %swap3A_993 = memref.load %arg6[%swap3A_992] : memref<256xi32, #tpu.memory_space<smem>>
    memref.store %squeeze3A_990, %arg6[%swap3A_992] : memref<256xi32, #tpu.memory_space<smem>>
    %slice3A_994 = vector.extract_strided_slice %get3A_948 {offsets = [9], sizes = [1], strides = [1]} : vector<16xi32> to vector<1xi32>
    %squeeze3A_995 = vector.extract %slice3A_994[0] : i32 from vector<1xi32>
    %swap3A_996 = arith.constant 185 : i32
    %swap3A_997 = arith.index_cast %swap3A_996 : i32 to index
    %swap3A_998 = memref.load %arg6[%swap3A_997] : memref<256xi32, #tpu.memory_space<smem>>
    memref.store %squeeze3A_995, %arg6[%swap3A_997] : memref<256xi32, #tpu.memory_space<smem>>
    %slice3A_999 = vector.extract_strided_slice %get3A_948 {offsets = [10], sizes = [1], strides = [1]} : vector<16xi32> to vector<1xi32>
    %squeeze3A_1000 = vector.extract %slice3A_999[0] : i32 from vector<1xi32>
    %swap3A_1001 = arith.constant 186 : i32
    %swap3A_1002 = arith.index_cast %swap3A_1001 : i32 to index
    %swap3A_1003 = memref.load %arg6[%swap3A_1002] : memref<256xi32, #tpu.memory_space<smem>>
    memref.store %squeeze3A_1000, %arg6[%swap3A_1002] : memref<256xi32, #tpu.memory_space<smem>>
    %slice3A_1004 = vector.extract_strided_slice %get3A_948 {offsets = [11], sizes = [1], strides = [1]} : vector<16xi32> to vector<1xi32>
    %squeeze3A_1005 = vector.extract %slice3A_1004[0] : i32 from vector<1xi32>
    %swap3A_1006 = arith.constant 187 : i32
    %swap3A_1007 = arith.index_cast %swap3A_1006 : i32 to index
    %swap3A_1008 = memref.load %arg6[%swap3A_1007] : memref<256xi32, #tpu.memory_space<smem>>
    memref.store %squeeze3A_1005, %arg6[%swap3A_1007] : memref<256xi32, #tpu.memory_space<smem>>
    %slice3A_1009 = vector.extract_strided_slice %get3A_948 {offsets = [12], sizes = [1], strides = [1]} : vector<16xi32> to vector<1xi32>
    %squeeze3A_1010 = vector.extract %slice3A_1009[0] : i32 from vector<1xi32>
    %swap3A_1011 = arith.constant 188 : i32
    %swap3A_1012 = arith.index_cast %swap3A_1011 : i32 to index
    %swap3A_1013 = memref.load %arg6[%swap3A_1012] : memref<256xi32, #tpu.memory_space<smem>>
    memref.store %squeeze3A_1010, %arg6[%swap3A_1012] : memref<256xi32, #tpu.memory_space<smem>>
    %slice3A_1014 = vector.extract_strided_slice %get3A_948 {offsets = [13], sizes = [1], strides = [1]} : vector<16xi32> to vector<1xi32>
    %squeeze3A_1015 = vector.extract %slice3A_1014[0] : i32 from vector<1xi32>
    %swap3A_1016 = arith.constant 189 : i32
    %swap3A_1017 = arith.index_cast %swap3A_1016 : i32 to index
    %swap3A_1018 = memref.load %arg6[%swap3A_1017] : memref<256xi32, #tpu.memory_space<smem>>
    memref.store %squeeze3A_1015, %arg6[%swap3A_1017] : memref<256xi32, #tpu.memory_space<smem>>
    %slice3A_1019 = vector.extract_strided_slice %get3A_948 {offsets = [14], sizes = [1], strides = [1]} : vector<16xi32> to vector<1xi32>
    %squeeze3A_1020 = vector.extract %slice3A_1019[0] : i32 from vector<1xi32>
    %swap3A_1021 = arith.constant 190 : i32
    %swap3A_1022 = arith.index_cast %swap3A_1021 : i32 to index
    %swap3A_1023 = memref.load %arg6[%swap3A_1022] : memref<256xi32, #tpu.memory_space<smem>>
    memref.store %squeeze3A_1020, %arg6[%swap3A_1022] : memref<256xi32, #tpu.memory_space<smem>>
    %slice3A_1024 = vector.extract_strided_slice %get3A_948 {offsets = [15], sizes = [1], strides = [1]} : vector<16xi32> to vector<1xi32>
    %squeeze3A_1025 = vector.extract %slice3A_1024[0] : i32 from vector<1xi32>
    %swap3A_1026 = arith.constant 191 : i32
    %swap3A_1027 = arith.index_cast %swap3A_1026 : i32 to index
    %swap3A_1028 = memref.load %arg6[%swap3A_1027] : memref<256xi32, #tpu.memory_space<smem>>
    memref.store %squeeze3A_1025, %arg6[%swap3A_1027] : memref<256xi32, #tpu.memory_space<smem>>
    %get3A_1029 = arith.constant 192 : index
    %get3A_1030 = tpu.vector_load %arg5[%get3A_1029] {strides = array<i32>} : memref<256xi32, #tpu.memory_space<vmem>>, vector<16xi32>,
    %get3A_1031 = vector.shape_cast %get3A_1030 : vector<16xi32> to vector<16xi32>
    %slice3A_1032 = vector.extract_strided_slice %get3A_1031 {offsets = [0], sizes = [1], strides = [1]} : vector<16xi32> to vector<1xi32>
    %squeeze3A_1033 = vector.extract %slice3A_1032[0] : i32 from vector<1xi32>
    %swap3A_1034 = arith.constant 192 : i32
    %swap3A_1035 = arith.index_cast %swap3A_1034 : i32 to index
    %swap3A_1036 = memref.load %arg6[%swap3A_1035] : memref<256xi32, #tpu.memory_space<smem>>
    memref.store %squeeze3A_1033, %arg6[%swap3A_1035] : memref<256xi32, #tpu.memory_space<smem>>
    %slice3A_1037 = vector.extract_strided_slice %get3A_1031 {offsets = [1], sizes = [1], strides = [1]} : vector<16xi32> to vector<1xi32>
    %squeeze3A_1038 = vector.extract %slice3A_1037[0] : i32 from vector<1xi32>
    %swap3A_1039 = arith.constant 193 : i32
    %swap3A_1040 = arith.index_cast %swap3A_1039 : i32 to index
    %swap3A_1041 = memref.load %arg6[%swap3A_1040] : memref<256xi32, #tpu.memory_space<smem>>
    memref.store %squeeze3A_1038, %arg6[%swap3A_1040] : memref<256xi32, #tpu.memory_space<smem>>
    %slice3A_1042 = vector.extract_strided_slice %get3A_1031 {offsets = [2], sizes = [1], strides = [1]} : vector<16xi32> to vector<1xi32>
    %squeeze3A_1043 = vector.extract %slice3A_1042[0] : i32 from vector<1xi32>
    %swap3A_1044 = arith.constant 194 : i32
    %swap3A_1045 = arith.index_cast %swap3A_1044 : i32 to index
    %swap3A_1046 = memref.load %arg6[%swap3A_1045] : memref<256xi32, #tpu.memory_space<smem>>
    memref.store %squeeze3A_1043, %arg6[%swap3A_1045] : memref<256xi32, #tpu.memory_space<smem>>
    %slice3A_1047 = vector.extract_strided_slice %get3A_1031 {offsets = [3], sizes = [1], strides = [1]} : vector<16xi32> to vector<1xi32>
    %squeeze3A_1048 = vector.extract %slice3A_1047[0] : i32 from vector<1xi32>
    %swap3A_1049 = arith.constant 195 : i32
    %swap3A_1050 = arith.index_cast %swap3A_1049 : i32 to index
    %swap3A_1051 = memref.load %arg6[%swap3A_1050] : memref<256xi32, #tpu.memory_space<smem>>
    memref.store %squeeze3A_1048, %arg6[%swap3A_1050] : memref<256xi32, #tpu.memory_space<smem>>
    %slice3A_1052 = vector.extract_strided_slice %get3A_1031 {offsets = [4], sizes = [1], strides = [1]} : vector<16xi32> to vector<1xi32>
    %squeeze3A_1053 = vector.extract %slice3A_1052[0] : i32 from vector<1xi32>
    %swap3A_1054 = arith.constant 196 : i32
    %swap3A_1055 = arith.index_cast %swap3A_1054 : i32 to index
    %swap3A_1056 = memref.load %arg6[%swap3A_1055] : memref<256xi32, #tpu.memory_space<smem>>
    memref.store %squeeze3A_1053, %arg6[%swap3A_1055] : memref<256xi32, #tpu.memory_space<smem>>
    %slice3A_1057 = vector.extract_strided_slice %get3A_1031 {offsets = [5], sizes = [1], strides = [1]} : vector<16xi32> to vector<1xi32>
    %squeeze3A_1058 = vector.extract %slice3A_1057[0] : i32 from vector<1xi32>
    %swap3A_1059 = arith.constant 197 : i32
    %swap3A_1060 = arith.index_cast %swap3A_1059 : i32 to index
    %swap3A_1061 = memref.load %arg6[%swap3A_1060] : memref<256xi32, #tpu.memory_space<smem>>
    memref.store %squeeze3A_1058, %arg6[%swap3A_1060] : memref<256xi32, #tpu.memory_space<smem>>
    %slice3A_1062 = vector.extract_strided_slice %get3A_1031 {offsets = [6], sizes = [1], strides = [1]} : vector<16xi32> to vector<1xi32>
    %squeeze3A_1063 = vector.extract %slice3A_1062[0] : i32 from vector<1xi32>
    %swap3A_1064 = arith.constant 198 : i32
    %swap3A_1065 = arith.index_cast %swap3A_1064 : i32 to index
    %swap3A_1066 = memref.load %arg6[%swap3A_1065] : memref<256xi32, #tpu.memory_space<smem>>
    memref.store %squeeze3A_1063, %arg6[%swap3A_1065] : memref<256xi32, #tpu.memory_space<smem>>
    %slice3A_1067 = vector.extract_strided_slice %get3A_1031 {offsets = [7], sizes = [1], strides = [1]} : vector<16xi32> to vector<1xi32>
    %squeeze3A_1068 = vector.extract %slice3A_1067[0] : i32 from vector<1xi32>
    %swap3A_1069 = arith.constant 199 : i32
    %swap3A_1070 = arith.index_cast %swap3A_1069 : i32 to index
    %swap3A_1071 = memref.load %arg6[%swap3A_1070] : memref<256xi32, #tpu.memory_space<smem>>
    memref.store %squeeze3A_1068, %arg6[%swap3A_1070] : memref<256xi32, #tpu.memory_space<smem>>
    %slice3A_1072 = vector.extract_strided_slice %get3A_1031 {offsets = [8], sizes = [1], strides = [1]} : vector<16xi32> to vector<1xi32>
    %squeeze3A_1073 = vector.extract %slice3A_1072[0] : i32 from vector<1xi32>
    %swap3A_1074 = arith.constant 200 : i32
    %swap3A_1075 = arith.index_cast %swap3A_1074 : i32 to index
    %swap3A_1076 = memref.load %arg6[%swap3A_1075] : memref<256xi32, #tpu.memory_space<smem>>
    memref.store %squeeze3A_1073, %arg6[%swap3A_1075] : memref<256xi32, #tpu.memory_space<smem>>
    %slice3A_1077 = vector.extract_strided_slice %get3A_1031 {offsets = [9], sizes = [1], strides = [1]} : vector<16xi32> to vector<1xi32>
    %squeeze3A_1078 = vector.extract %slice3A_1077[0] : i32 from vector<1xi32>
    %swap3A_1079 = arith.constant 201 : i32
    %swap3A_1080 = arith.index_cast %swap3A_1079 : i32 to index
    %swap3A_1081 = memref.load %arg6[%swap3A_1080] : memref<256xi32, #tpu.memory_space<smem>>
    memref.store %squeeze3A_1078, %arg6[%swap3A_1080] : memref<256xi32, #tpu.memory_space<smem>>
    %slice3A_1082 = vector.extract_strided_slice %get3A_1031 {offsets = [10], sizes = [1], strides = [1]} : vector<16xi32> to vector<1xi32>
    %squeeze3A_1083 = vector.extract %slice3A_1082[0] : i32 from vector<1xi32>
    %swap3A_1084 = arith.constant 202 : i32
    %swap3A_1085 = arith.index_cast %swap3A_1084 : i32 to index
    %swap3A_1086 = memref.load %arg6[%swap3A_1085] : memref<256xi32, #tpu.memory_space<smem>>
    memref.store %squeeze3A_1083, %arg6[%swap3A_1085] : memref<256xi32, #tpu.memory_space<smem>>
    %slice3A_1087 = vector.extract_strided_slice %get3A_1031 {offsets = [11], sizes = [1], strides = [1]} : vector<16xi32> to vector<1xi32>
    %squeeze3A_1088 = vector.extract %slice3A_1087[0] : i32 from vector<1xi32>
    %swap3A_1089 = arith.constant 203 : i32
    %swap3A_1090 = arith.index_cast %swap3A_1089 : i32 to index
    %swap3A_1091 = memref.load %arg6[%swap3A_1090] : memref<256xi32, #tpu.memory_space<smem>>
    memref.store %squeeze3A_1088, %arg6[%swap3A_1090] : memref<256xi32, #tpu.memory_space<smem>>
    %slice3A_1092 = vector.extract_strided_slice %get3A_1031 {offsets = [12], sizes = [1], strides = [1]} : vector<16xi32> to vector<1xi32>
    %squeeze3A_1093 = vector.extract %slice3A_1092[0] : i32 from vector<1xi32>
    %swap3A_1094 = arith.constant 204 : i32
    %swap3A_1095 = arith.index_cast %swap3A_1094 : i32 to index
    %swap3A_1096 = memref.load %arg6[%swap3A_1095] : memref<256xi32, #tpu.memory_space<smem>>
    memref.store %squeeze3A_1093, %arg6[%swap3A_1095] : memref<256xi32, #tpu.memory_space<smem>>
    %slice3A_1097 = vector.extract_strided_slice %get3A_1031 {offsets = [13], sizes = [1], strides = [1]} : vector<16xi32> to vector<1xi32>
    %squeeze3A_1098 = vector.extract %slice3A_1097[0] : i32 from vector<1xi32>
    %swap3A_1099 = arith.constant 205 : i32
    %swap3A_1100 = arith.index_cast %swap3A_1099 : i32 to index
    %swap3A_1101 = memref.load %arg6[%swap3A_1100] : memref<256xi32, #tpu.memory_space<smem>>
    memref.store %squeeze3A_1098, %arg6[%swap3A_1100] : memref<256xi32, #tpu.memory_space<smem>>
    %slice3A_1102 = vector.extract_strided_slice %get3A_1031 {offsets = [14], sizes = [1], strides = [1]} : vector<16xi32> to vector<1xi32>
    %squeeze3A_1103 = vector.extract %slice3A_1102[0] : i32 from vector<1xi32>
    %swap3A_1104 = arith.constant 206 : i32
    %swap3A_1105 = arith.index_cast %swap3A_1104 : i32 to index
    %swap3A_1106 = memref.load %arg6[%swap3A_1105] : memref<256xi32, #tpu.memory_space<smem>>
    memref.store %squeeze3A_1103, %arg6[%swap3A_1105] : memref<256xi32, #tpu.memory_space<smem>>
    %slice3A_1107 = vector.extract_strided_slice %get3A_1031 {offsets = [15], sizes = [1], strides = [1]} : vector<16xi32> to vector<1xi32>
    %squeeze3A_1108 = vector.extract %slice3A_1107[0] : i32 from vector<1xi32>
    %swap3A_1109 = arith.constant 207 : i32
    %swap3A_1110 = arith.index_cast %swap3A_1109 : i32 to index
    %swap3A_1111 = memref.load %arg6[%swap3A_1110] : memref<256xi32, #tpu.memory_space<smem>>
    memref.store %squeeze3A_1108, %arg6[%swap3A_1110] : memref<256xi32, #tpu.memory_space<smem>>
    %get3A_1112 = arith.constant 208 : index
    %get3A_1113 = tpu.vector_load %arg5[%get3A_1112] {strides = array<i32>} : memref<256xi32, #tpu.memory_space<vmem>>, vector<16xi32>,
    %get3A_1114 = vector.shape_cast %get3A_1113 : vector<16xi32> to vector<16xi32>
    %slice3A_1115 = vector.extract_strided_slice %get3A_1114 {offsets = [0], sizes = [1], strides = [1]} : vector<16xi32> to vector<1xi32>
    %squeeze3A_1116 = vector.extract %slice3A_1115[0] : i32 from vector<1xi32>
    %swap3A_1117 = arith.constant 208 : i32
    %swap3A_1118 = arith.index_cast %swap3A_1117 : i32 to index
    %swap3A_1119 = memref.load %arg6[%swap3A_1118] : memref<256xi32, #tpu.memory_space<smem>>
    memref.store %squeeze3A_1116, %arg6[%swap3A_1118] : memref<256xi32, #tpu.memory_space<smem>>
    %slice3A_1120 = vector.extract_strided_slice %get3A_1114 {offsets = [1], sizes = [1], strides = [1]} : vector<16xi32> to vector<1xi32>
    %squeeze3A_1121 = vector.extract %slice3A_1120[0] : i32 from vector<1xi32>
    %swap3A_1122 = arith.constant 209 : i32
    %swap3A_1123 = arith.index_cast %swap3A_1122 : i32 to index
    %swap3A_1124 = memref.load %arg6[%swap3A_1123] : memref<256xi32, #tpu.memory_space<smem>>
    memref.store %squeeze3A_1121, %arg6[%swap3A_1123] : memref<256xi32, #tpu.memory_space<smem>>
    %slice3A_1125 = vector.extract_strided_slice %get3A_1114 {offsets = [2], sizes = [1], strides = [1]} : vector<16xi32> to vector<1xi32>
    %squeeze3A_1126 = vector.extract %slice3A_1125[0] : i32 from vector<1xi32>
    %swap3A_1127 = arith.constant 210 : i32
    %swap3A_1128 = arith.index_cast %swap3A_1127 : i32 to index
    %swap3A_1129 = memref.load %arg6[%swap3A_1128] : memref<256xi32, #tpu.memory_space<smem>>
    memref.store %squeeze3A_1126, %arg6[%swap3A_1128] : memref<256xi32, #tpu.memory_space<smem>>
    %slice3A_1130 = vector.extract_strided_slice %get3A_1114 {offsets = [3], sizes = [1], strides = [1]} : vector<16xi32> to vector<1xi32>
    %squeeze3A_1131 = vector.extract %slice3A_1130[0] : i32 from vector<1xi32>
    %swap3A_1132 = arith.constant 211 : i32
    %swap3A_1133 = arith.index_cast %swap3A_1132 : i32 to index
    %swap3A_1134 = memref.load %arg6[%swap3A_1133] : memref<256xi32, #tpu.memory_space<smem>>
    memref.store %squeeze3A_1131, %arg6[%swap3A_1133] : memref<256xi32, #tpu.memory_space<smem>>
    %slice3A_1135 = vector.extract_strided_slice %get3A_1114 {offsets = [4], sizes = [1], strides = [1]} : vector<16xi32> to vector<1xi32>
    %squeeze3A_1136 = vector.extract %slice3A_1135[0] : i32 from vector<1xi32>
    %swap3A_1137 = arith.constant 212 : i32
    %swap3A_1138 = arith.index_cast %swap3A_1137 : i32 to index
    %swap3A_1139 = memref.load %arg6[%swap3A_1138] : memref<256xi32, #tpu.memory_space<smem>>
    memref.store %squeeze3A_1136, %arg6[%swap3A_1138] : memref<256xi32, #tpu.memory_space<smem>>
    %slice3A_1140 = vector.extract_strided_slice %get3A_1114 {offsets = [5], sizes = [1], strides = [1]} : vector<16xi32> to vector<1xi32>
    %squeeze3A_1141 = vector.extract %slice3A_1140[0] : i32 from vector<1xi32>
    %swap3A_1142 = arith.constant 213 : i32
    %swap3A_1143 = arith.index_cast %swap3A_1142 : i32 to index
    %swap3A_1144 = memref.load %arg6[%swap3A_1143] : memref<256xi32, #tpu.memory_space<smem>>
    memref.store %squeeze3A_1141, %arg6[%swap3A_1143] : memref<256xi32, #tpu.memory_space<smem>>
    %slice3A_1145 = vector.extract_strided_slice %get3A_1114 {offsets = [6], sizes = [1], strides = [1]} : vector<16xi32> to vector<1xi32>
    %squeeze3A_1146 = vector.extract %slice3A_1145[0] : i32 from vector<1xi32>
    %swap3A_1147 = arith.constant 214 : i32
    %swap3A_1148 = arith.index_cast %swap3A_1147 : i32 to index
    %swap3A_1149 = memref.load %arg6[%swap3A_1148] : memref<256xi32, #tpu.memory_space<smem>>
    memref.store %squeeze3A_1146, %arg6[%swap3A_1148] : memref<256xi32, #tpu.memory_space<smem>>
    %slice3A_1150 = vector.extract_strided_slice %get3A_1114 {offsets = [7], sizes = [1], strides = [1]} : vector<16xi32> to vector<1xi32>
    %squeeze3A_1151 = vector.extract %slice3A_1150[0] : i32 from vector<1xi32>
    %swap3A_1152 = arith.constant 215 : i32
    %swap3A_1153 = arith.index_cast %swap3A_1152 : i32 to index
    %swap3A_1154 = memref.load %arg6[%swap3A_1153] : memref<256xi32, #tpu.memory_space<smem>>
    memref.store %squeeze3A_1151, %arg6[%swap3A_1153] : memref<256xi32, #tpu.memory_space<smem>>
    %slice3A_1155 = vector.extract_strided_slice %get3A_1114 {offsets = [8], sizes = [1], strides = [1]} : vector<16xi32> to vector<1xi32>
    %squeeze3A_1156 = vector.extract %slice3A_1155[0] : i32 from vector<1xi32>
    %swap3A_1157 = arith.constant 216 : i32
    %swap3A_1158 = arith.index_cast %swap3A_1157 : i32 to index
    %swap3A_1159 = memref.load %arg6[%swap3A_1158] : memref<256xi32, #tpu.memory_space<smem>>
    memref.store %squeeze3A_1156, %arg6[%swap3A_1158] : memref<256xi32, #tpu.memory_space<smem>>
    %slice3A_1160 = vector.extract_strided_slice %get3A_1114 {offsets = [9], sizes = [1], strides = [1]} : vector<16xi32> to vector<1xi32>
    %squeeze3A_1161 = vector.extract %slice3A_1160[0] : i32 from vector<1xi32>
    %swap3A_1162 = arith.constant 217 : i32
    %swap3A_1163 = arith.index_cast %swap3A_1162 : i32 to index
    %swap3A_1164 = memref.load %arg6[%swap3A_1163] : memref<256xi32, #tpu.memory_space<smem>>
    memref.store %squeeze3A_1161, %arg6[%swap3A_1163] : memref<256xi32, #tpu.memory_space<smem>>
    %slice3A_1165 = vector.extract_strided_slice %get3A_1114 {offsets = [10], sizes = [1], strides = [1]} : vector<16xi32> to vector<1xi32>
    %squeeze3A_1166 = vector.extract %slice3A_1165[0] : i32 from vector<1xi32>
    %swap3A_1167 = arith.constant 218 : i32
    %swap3A_1168 = arith.index_cast %swap3A_1167 : i32 to index
    %swap3A_1169 = memref.load %arg6[%swap3A_1168] : memref<256xi32, #tpu.memory_space<smem>>
    memref.store %squeeze3A_1166, %arg6[%swap3A_1168] : memref<256xi32, #tpu.memory_space<smem>>
    %slice3A_1170 = vector.extract_strided_slice %get3A_1114 {offsets = [11], sizes = [1], strides = [1]} : vector<16xi32> to vector<1xi32>
    %squeeze3A_1171 = vector.extract %slice3A_1170[0] : i32 from vector<1xi32>
    %swap3A_1172 = arith.constant 219 : i32
    %swap3A_1173 = arith.index_cast %swap3A_1172 : i32 to index
    %swap3A_1174 = memref.load %arg6[%swap3A_1173] : memref<256xi32, #tpu.memory_space<smem>>
    memref.store %squeeze3A_1171, %arg6[%swap3A_1173] : memref<256xi32, #tpu.memory_space<smem>>
    %slice3A_1175 = vector.extract_strided_slice %get3A_1114 {offsets = [12], sizes = [1], strides = [1]} : vector<16xi32> to vector<1xi32>
    %squeeze3A_1176 = vector.extract %slice3A_1175[0] : i32 from vector<1xi32>
    %swap3A_1177 = arith.constant 220 : i32
    %swap3A_1178 = arith.index_cast %swap3A_1177 : i32 to index
    %swap3A_1179 = memref.load %arg6[%swap3A_1178] : memref<256xi32, #tpu.memory_space<smem>>
    memref.store %squeeze3A_1176, %arg6[%swap3A_1178] : memref<256xi32, #tpu.memory_space<smem>>
    %slice3A_1180 = vector.extract_strided_slice %get3A_1114 {offsets = [13], sizes = [1], strides = [1]} : vector<16xi32> to vector<1xi32>
    %squeeze3A_1181 = vector.extract %slice3A_1180[0] : i32 from vector<1xi32>
    %swap3A_1182 = arith.constant 221 : i32
    %swap3A_1183 = arith.index_cast %swap3A_1182 : i32 to index
    %swap3A_1184 = memref.load %arg6[%swap3A_1183] : memref<256xi32, #tpu.memory_space<smem>>
    memref.store %squeeze3A_1181, %arg6[%swap3A_1183] : memref<256xi32, #tpu.memory_space<smem>>
    %slice3A_1185 = vector.extract_strided_slice %get3A_1114 {offsets = [14], sizes = [1], strides = [1]} : vector<16xi32> to vector<1xi32>
    %squeeze3A_1186 = vector.extract %slice3A_1185[0] : i32 from vector<1xi32>
    %swap3A_1187 = arith.constant 222 : i32
    %swap3A_1188 = arith.index_cast %swap3A_1187 : i32 to index
    %swap3A_1189 = memref.load %arg6[%swap3A_1188] : memref<256xi32, #tpu.memory_space<smem>>
    memref.store %squeeze3A_1186, %arg6[%swap3A_1188] : memref<256xi32, #tpu.memory_space<smem>>
    %slice3A_1190 = vector.extract_strided_slice %get3A_1114 {offsets = [15], sizes = [1], strides = [1]} : vector<16xi32> to vector<1xi32>
    %squeeze3A_1191 = vector.extract %slice3A_1190[0] : i32 from vector<1xi32>
    %swap3A_1192 = arith.constant 223 : i32
    %swap3A_1193 = arith.index_cast %swap3A_1192 : i32 to index
    %swap3A_1194 = memref.load %arg6[%swap3A_1193] : memref<256xi32, #tpu.memory_space<smem>>
    memref.store %squeeze3A_1191, %arg6[%swap3A_1193] : memref<256xi32, #tpu.memory_space<smem>>
    %get3A_1195 = arith.constant 224 : index
    %get3A_1196 = tpu.vector_load %arg5[%get3A_1195] {strides = array<i32>} : memref<256xi32, #tpu.memory_space<vmem>>, vector<16xi32>,
    %get3A_1197 = vector.shape_cast %get3A_1196 : vector<16xi32> to vector<16xi32>
    %slice3A_1198 = vector.extract_strided_slice %get3A_1197 {offsets = [0], sizes = [1], strides = [1]} : vector<16xi32> to vector<1xi32>
    %squeeze3A_1199 = vector.extract %slice3A_1198[0] : i32 from vector<1xi32>
    %swap3A_1200 = arith.constant 224 : i32
    %swap3A_1201 = arith.index_cast %swap3A_1200 : i32 to index
    %swap3A_1202 = memref.load %arg6[%swap3A_1201] : memref<256xi32, #tpu.memory_space<smem>>
    memref.store %squeeze3A_1199, %arg6[%swap3A_1201] : memref<256xi32, #tpu.memory_space<smem>>
    %slice3A_1203 = vector.extract_strided_slice %get3A_1197 {offsets = [1], sizes = [1], strides = [1]} : vector<16xi32> to vector<1xi32>
    %squeeze3A_1204 = vector.extract %slice3A_1203[0] : i32 from vector<1xi32>
    %swap3A_1205 = arith.constant 225 : i32
    %swap3A_1206 = arith.index_cast %swap3A_1205 : i32 to index
    %swap3A_1207 = memref.load %arg6[%swap3A_1206] : memref<256xi32, #tpu.memory_space<smem>>
    memref.store %squeeze3A_1204, %arg6[%swap3A_1206] : memref<256xi32, #tpu.memory_space<smem>>
    %slice3A_1208 = vector.extract_strided_slice %get3A_1197 {offsets = [2], sizes = [1], strides = [1]} : vector<16xi32> to vector<1xi32>
    %squeeze3A_1209 = vector.extract %slice3A_1208[0] : i32 from vector<1xi32>
    %swap3A_1210 = arith.constant 226 : i32
    %swap3A_1211 = arith.index_cast %swap3A_1210 : i32 to index
    %swap3A_1212 = memref.load %arg6[%swap3A_1211] : memref<256xi32, #tpu.memory_space<smem>>
    memref.store %squeeze3A_1209, %arg6[%swap3A_1211] : memref<256xi32, #tpu.memory_space<smem>>
    %slice3A_1213 = vector.extract_strided_slice %get3A_1197 {offsets = [3], sizes = [1], strides = [1]} : vector<16xi32> to vector<1xi32>
    %squeeze3A_1214 = vector.extract %slice3A_1213[0] : i32 from vector<1xi32>
    %swap3A_1215 = arith.constant 227 : i32
    %swap3A_1216 = arith.index_cast %swap3A_1215 : i32 to index
    %swap3A_1217 = memref.load %arg6[%swap3A_1216] : memref<256xi32, #tpu.memory_space<smem>>
    memref.store %squeeze3A_1214, %arg6[%swap3A_1216] : memref<256xi32, #tpu.memory_space<smem>>
    %slice3A_1218 = vector.extract_strided_slice %get3A_1197 {offsets = [4], sizes = [1], strides = [1]} : vector<16xi32> to vector<1xi32>
    %squeeze3A_1219 = vector.extract %slice3A_1218[0] : i32 from vector<1xi32>
    %swap3A_1220 = arith.constant 228 : i32
    %swap3A_1221 = arith.index_cast %swap3A_1220 : i32 to index
    %swap3A_1222 = memref.load %arg6[%swap3A_1221] : memref<256xi32, #tpu.memory_space<smem>>
    memref.store %squeeze3A_1219, %arg6[%swap3A_1221] : memref<256xi32, #tpu.memory_space<smem>>
    %slice3A_1223 = vector.extract_strided_slice %get3A_1197 {offsets = [5], sizes = [1], strides = [1]} : vector<16xi32> to vector<1xi32>
    %squeeze3A_1224 = vector.extract %slice3A_1223[0] : i32 from vector<1xi32>
    %swap3A_1225 = arith.constant 229 : i32
    %swap3A_1226 = arith.index_cast %swap3A_1225 : i32 to index
    %swap3A_1227 = memref.load %arg6[%swap3A_1226] : memref<256xi32, #tpu.memory_space<smem>>
    memref.store %squeeze3A_1224, %arg6[%swap3A_1226] : memref<256xi32, #tpu.memory_space<smem>>
    %slice3A_1228 = vector.extract_strided_slice %get3A_1197 {offsets = [6], sizes = [1], strides = [1]} : vector<16xi32> to vector<1xi32>
    %squeeze3A_1229 = vector.extract %slice3A_1228[0] : i32 from vector<1xi32>
    %swap3A_1230 = arith.constant 230 : i32
    %swap3A_1231 = arith.index_cast %swap3A_1230 : i32 to index
    %swap3A_1232 = memref.load %arg6[%swap3A_1231] : memref<256xi32, #tpu.memory_space<smem>>
    memref.store %squeeze3A_1229, %arg6[%swap3A_1231] : memref<256xi32, #tpu.memory_space<smem>>
    %slice3A_1233 = vector.extract_strided_slice %get3A_1197 {offsets = [7], sizes = [1], strides = [1]} : vector<16xi32> to vector<1xi32>
    %squeeze3A_1234 = vector.extract %slice3A_1233[0] : i32 from vector<1xi32>
    %swap3A_1235 = arith.constant 231 : i32
    %swap3A_1236 = arith.index_cast %swap3A_1235 : i32 to index
    %swap3A_1237 = memref.load %arg6[%swap3A_1236] : memref<256xi32, #tpu.memory_space<smem>>
    memref.store %squeeze3A_1234, %arg6[%swap3A_1236] : memref<256xi32, #tpu.memory_space<smem>>
    %slice3A_1238 = vector.extract_strided_slice %get3A_1197 {offsets = [8], sizes = [1], strides = [1]} : vector<16xi32> to vector<1xi32>
    %squeeze3A_1239 = vector.extract %slice3A_1238[0] : i32 from vector<1xi32>
    %swap3A_1240 = arith.constant 232 : i32
    %swap3A_1241 = arith.index_cast %swap3A_1240 : i32 to index
    %swap3A_1242 = memref.load %arg6[%swap3A_1241] : memref<256xi32, #tpu.memory_space<smem>>
    memref.store %squeeze3A_1239, %arg6[%swap3A_1241] : memref<256xi32, #tpu.memory_space<smem>>
    %slice3A_1243 = vector.extract_strided_slice %get3A_1197 {offsets = [9], sizes = [1], strides = [1]} : vector<16xi32> to vector<1xi32>
    %squeeze3A_1244 = vector.extract %slice3A_1243[0] : i32 from vector<1xi32>
    %swap3A_1245 = arith.constant 233 : i32
    %swap3A_1246 = arith.index_cast %swap3A_1245 : i32 to index
    %swap3A_1247 = memref.load %arg6[%swap3A_1246] : memref<256xi32, #tpu.memory_space<smem>>
    memref.store %squeeze3A_1244, %arg6[%swap3A_1246] : memref<256xi32, #tpu.memory_space<smem>>
    %slice3A_1248 = vector.extract_strided_slice %get3A_1197 {offsets = [10], sizes = [1], strides = [1]} : vector<16xi32> to vector<1xi32>
    %squeeze3A_1249 = vector.extract %slice3A_1248[0] : i32 from vector<1xi32>
    %swap3A_1250 = arith.constant 234 : i32
    %swap3A_1251 = arith.index_cast %swap3A_1250 : i32 to index
    %swap3A_1252 = memref.load %arg6[%swap3A_1251] : memref<256xi32, #tpu.memory_space<smem>>
    memref.store %squeeze3A_1249, %arg6[%swap3A_1251] : memref<256xi32, #tpu.memory_space<smem>>
    %slice3A_1253 = vector.extract_strided_slice %get3A_1197 {offsets = [11], sizes = [1], strides = [1]} : vector<16xi32> to vector<1xi32>
    %squeeze3A_1254 = vector.extract %slice3A_1253[0] : i32 from vector<1xi32>
    %swap3A_1255 = arith.constant 235 : i32
    %swap3A_1256 = arith.index_cast %swap3A_1255 : i32 to index
    %swap3A_1257 = memref.load %arg6[%swap3A_1256] : memref<256xi32, #tpu.memory_space<smem>>
    memref.store %squeeze3A_1254, %arg6[%swap3A_1256] : memref<256xi32, #tpu.memory_space<smem>>
    %slice3A_1258 = vector.extract_strided_slice %get3A_1197 {offsets = [12], sizes = [1], strides = [1]} : vector<16xi32> to vector<1xi32>
    %squeeze3A_1259 = vector.extract %slice3A_1258[0] : i32 from vector<1xi32>
    %swap3A_1260 = arith.constant 236 : i32
    %swap3A_1261 = arith.index_cast %swap3A_1260 : i32 to index
    %swap3A_1262 = memref.load %arg6[%swap3A_1261] : memref<256xi32, #tpu.memory_space<smem>>
    memref.store %squeeze3A_1259, %arg6[%swap3A_1261] : memref<256xi32, #tpu.memory_space<smem>>
    %slice3A_1263 = vector.extract_strided_slice %get3A_1197 {offsets = [13], sizes = [1], strides = [1]} : vector<16xi32> to vector<1xi32>
    %squeeze3A_1264 = vector.extract %slice3A_1263[0] : i32 from vector<1xi32>
    %swap3A_1265 = arith.constant 237 : i32
    %swap3A_1266 = arith.index_cast %swap3A_1265 : i32 to index
    %swap3A_1267 = memref.load %arg6[%swap3A_1266] : memref<256xi32, #tpu.memory_space<smem>>
    memref.store %squeeze3A_1264, %arg6[%swap3A_1266] : memref<256xi32, #tpu.memory_space<smem>>
    %slice3A_1268 = vector.extract_strided_slice %get3A_1197 {offsets = [14], sizes = [1], strides = [1]} : vector<16xi32> to vector<1xi32>
    %squeeze3A_1269 = vector.extract %slice3A_1268[0] : i32 from vector<1xi32>
    %swap3A_1270 = arith.constant 238 : i32
    %swap3A_1271 = arith.index_cast %swap3A_1270 : i32 to index
    %swap3A_1272 = memref.load %arg6[%swap3A_1271] : memref<256xi32, #tpu.memory_space<smem>>
    memref.store %squeeze3A_1269, %arg6[%swap3A_1271] : memref<256xi32, #tpu.memory_space<smem>>
    %slice3A_1273 = vector.extract_strided_slice %get3A_1197 {offsets = [15], sizes = [1], strides = [1]} : vector<16xi32> to vector<1xi32>
    %squeeze3A_1274 = vector.extract %slice3A_1273[0] : i32 from vector<1xi32>
    %swap3A_1275 = arith.constant 239 : i32
    %swap3A_1276 = arith.index_cast %swap3A_1275 : i32 to index
    %swap3A_1277 = memref.load %arg6[%swap3A_1276] : memref<256xi32, #tpu.memory_space<smem>>
    memref.store %squeeze3A_1274, %arg6[%swap3A_1276] : memref<256xi32, #tpu.memory_space<smem>>
    %get3A_1278 = arith.constant 240 : index
    %get3A_1279 = tpu.vector_load %arg5[%get3A_1278] {strides = array<i32>} : memref<256xi32, #tpu.memory_space<vmem>>, vector<16xi32>,
    %get3A_1280 = vector.shape_cast %get3A_1279 : vector<16xi32> to vector<16xi32>
    %slice3A_1281 = vector.extract_strided_slice %get3A_1280 {offsets = [0], sizes = [1], strides = [1]} : vector<16xi32> to vector<1xi32>
    %squeeze3A_1282 = vector.extract %slice3A_1281[0] : i32 from vector<1xi32>
    %swap3A_1283 = arith.constant 240 : i32
    %swap3A_1284 = arith.index_cast %swap3A_1283 : i32 to index
    %swap3A_1285 = memref.load %arg6[%swap3A_1284] : memref<256xi32, #tpu.memory_space<smem>>
    memref.store %squeeze3A_1282, %arg6[%swap3A_1284] : memref<256xi32, #tpu.memory_space<smem>>
    %slice3A_1286 = vector.extract_strided_slice %get3A_1280 {offsets = [1], sizes = [1], strides = [1]} : vector<16xi32> to vector<1xi32>
    %squeeze3A_1287 = vector.extract %slice3A_1286[0] : i32 from vector<1xi32>
    %swap3A_1288 = arith.constant 241 : i32
    %swap3A_1289 = arith.index_cast %swap3A_1288 : i32 to index
    %swap3A_1290 = memref.load %arg6[%swap3A_1289] : memref<256xi32, #tpu.memory_space<smem>>
    memref.store %squeeze3A_1287, %arg6[%swap3A_1289] : memref<256xi32, #tpu.memory_space<smem>>
    %slice3A_1291 = vector.extract_strided_slice %get3A_1280 {offsets = [2], sizes = [1], strides = [1]} : vector<16xi32> to vector<1xi32>
    %squeeze3A_1292 = vector.extract %slice3A_1291[0] : i32 from vector<1xi32>
    %swap3A_1293 = arith.constant 242 : i32
    %swap3A_1294 = arith.index_cast %swap3A_1293 : i32 to index
    %swap3A_1295 = memref.load %arg6[%swap3A_1294] : memref<256xi32, #tpu.memory_space<smem>>
    memref.store %squeeze3A_1292, %arg6[%swap3A_1294] : memref<256xi32, #tpu.memory_space<smem>>
    %slice3A_1296 = vector.extract_strided_slice %get3A_1280 {offsets = [3], sizes = [1], strides = [1]} : vector<16xi32> to vector<1xi32>
    %squeeze3A_1297 = vector.extract %slice3A_1296[0] : i32 from vector<1xi32>
    %swap3A_1298 = arith.constant 243 : i32
    %swap3A_1299 = arith.index_cast %swap3A_1298 : i32 to index
    %swap3A_1300 = memref.load %arg6[%swap3A_1299] : memref<256xi32, #tpu.memory_space<smem>>
    memref.store %squeeze3A_1297, %arg6[%swap3A_1299] : memref<256xi32, #tpu.memory_space<smem>>
    %slice3A_1301 = vector.extract_strided_slice %get3A_1280 {offsets = [4], sizes = [1], strides = [1]} : vector<16xi32> to vector<1xi32>
    %squeeze3A_1302 = vector.extract %slice3A_1301[0] : i32 from vector<1xi32>
    %swap3A_1303 = arith.constant 244 : i32
    %swap3A_1304 = arith.index_cast %swap3A_1303 : i32 to index
    %swap3A_1305 = memref.load %arg6[%swap3A_1304] : memref<256xi32, #tpu.memory_space<smem>>
    memref.store %squeeze3A_1302, %arg6[%swap3A_1304] : memref<256xi32, #tpu.memory_space<smem>>
    %slice3A_1306 = vector.extract_strided_slice %get3A_1280 {offsets = [5], sizes = [1], strides = [1]} : vector<16xi32> to vector<1xi32>
    %squeeze3A_1307 = vector.extract %slice3A_1306[0] : i32 from vector<1xi32>
    %swap3A_1308 = arith.constant 245 : i32
    %swap3A_1309 = arith.index_cast %swap3A_1308 : i32 to index
    %swap3A_1310 = memref.load %arg6[%swap3A_1309] : memref<256xi32, #tpu.memory_space<smem>>
    memref.store %squeeze3A_1307, %arg6[%swap3A_1309] : memref<256xi32, #tpu.memory_space<smem>>
    %slice3A_1311 = vector.extract_strided_slice %get3A_1280 {offsets = [6], sizes = [1], strides = [1]} : vector<16xi32> to vector<1xi32>
    %squeeze3A_1312 = vector.extract %slice3A_1311[0] : i32 from vector<1xi32>
    %swap3A_1313 = arith.constant 246 : i32
    %swap3A_1314 = arith.index_cast %swap3A_1313 : i32 to index
    %swap3A_1315 = memref.load %arg6[%swap3A_1314] : memref<256xi32, #tpu.memory_space<smem>>
    memref.store %squeeze3A_1312, %arg6[%swap3A_1314] : memref<256xi32, #tpu.memory_space<smem>>
    %slice3A_1316 = vector.extract_strided_slice %get3A_1280 {offsets = [7], sizes = [1], strides = [1]} : vector<16xi32> to vector<1xi32>
    %squeeze3A_1317 = vector.extract %slice3A_1316[0] : i32 from vector<1xi32>
    %swap3A_1318 = arith.constant 247 : i32
    %swap3A_1319 = arith.index_cast %swap3A_1318 : i32 to index
    %swap3A_1320 = memref.load %arg6[%swap3A_1319] : memref<256xi32, #tpu.memory_space<smem>>
    memref.store %squeeze3A_1317, %arg6[%swap3A_1319] : memref<256xi32, #tpu.memory_space<smem>>
    %slice3A_1321 = vector.extract_strided_slice %get3A_1280 {offsets = [8], sizes = [1], strides = [1]} : vector<16xi32> to vector<1xi32>
    %squeeze3A_1322 = vector.extract %slice3A_1321[0] : i32 from vector<1xi32>
    %swap3A_1323 = arith.constant 248 : i32
    %swap3A_1324 = arith.index_cast %swap3A_1323 : i32 to index
    %swap3A_1325 = memref.load %arg6[%swap3A_1324] : memref<256xi32, #tpu.memory_space<smem>>
    memref.store %squeeze3A_1322, %arg6[%swap3A_1324] : memref<256xi32, #tpu.memory_space<smem>>
    %slice3A_1326 = vector.extract_strided_slice %get3A_1280 {offsets = [9], sizes = [1], strides = [1]} : vector<16xi32> to vector<1xi32>
    %squeeze3A_1327 = vector.extract %slice3A_1326[0] : i32 from vector<1xi32>
    %swap3A_1328 = arith.constant 249 : i32
    %swap3A_1329 = arith.index_cast %swap3A_1328 : i32 to index
    %swap3A_1330 = memref.load %arg6[%swap3A_1329] : memref<256xi32, #tpu.memory_space<smem>>
    memref.store %squeeze3A_1327, %arg6[%swap3A_1329] : memref<256xi32, #tpu.memory_space<smem>>
    %slice3A_1331 = vector.extract_strided_slice %get3A_1280 {offsets = [10], sizes = [1], strides = [1]} : vector<16xi32> to vector<1xi32>
    %squeeze3A_1332 = vector.extract %slice3A_1331[0] : i32 from vector<1xi32>
    %swap3A_1333 = arith.constant 250 : i32
    %swap3A_1334 = arith.index_cast %swap3A_1333 : i32 to index
    %swap3A_1335 = memref.load %arg6[%swap3A_1334] : memref<256xi32, #tpu.memory_space<smem>>
    memref.store %squeeze3A_1332, %arg6[%swap3A_1334] : memref<256xi32, #tpu.memory_space<smem>>
    %slice3A_1336 = vector.extract_strided_slice %get3A_1280 {offsets = [11], sizes = [1], strides = [1]} : vector<16xi32> to vector<1xi32>
    %squeeze3A_1337 = vector.extract %slice3A_1336[0] : i32 from vector<1xi32>
    %swap3A_1338 = arith.constant 251 : i32
    %swap3A_1339 = arith.index_cast %swap3A_1338 : i32 to index
    %swap3A_1340 = memref.load %arg6[%swap3A_1339] : memref<256xi32, #tpu.memory_space<smem>>
    memref.store %squeeze3A_1337, %arg6[%swap3A_1339] : memref<256xi32, #tpu.memory_space<smem>>
    %slice3A_1341 = vector.extract_strided_slice %get3A_1280 {offsets = [12], sizes = [1], strides = [1]} : vector<16xi32> to vector<1xi32>
    %squeeze3A_1342 = vector.extract %slice3A_1341[0] : i32 from vector<1xi32>
    %swap3A_1343 = arith.constant 252 : i32
    %swap3A_1344 = arith.index_cast %swap3A_1343 : i32 to index
    %swap3A_1345 = memref.load %arg6[%swap3A_1344] : memref<256xi32, #tpu.memory_space<smem>>
    memref.store %squeeze3A_1342, %arg6[%swap3A_1344] : memref<256xi32, #tpu.memory_space<smem>>
    %slice3A_1346 = vector.extract_strided_slice %get3A_1280 {offsets = [13], sizes = [1], strides = [1]} : vector<16xi32> to vector<1xi32>
    %squeeze3A_1347 = vector.extract %slice3A_1346[0] : i32 from vector<1xi32>
    %swap3A_1348 = arith.constant 253 : i32
    %swap3A_1349 = arith.index_cast %swap3A_1348 : i32 to index
    %swap3A_1350 = memref.load %arg6[%swap3A_1349] : memref<256xi32, #tpu.memory_space<smem>>
    memref.store %squeeze3A_1347, %arg6[%swap3A_1349] : memref<256xi32, #tpu.memory_space<smem>>
    %slice3A_1351 = vector.extract_strided_slice %get3A_1280 {offsets = [14], sizes = [1], strides = [1]} : vector<16xi32> to vector<1xi32>
    %squeeze3A_1352 = vector.extract %slice3A_1351[0] : i32 from vector<1xi32>
    %swap3A_1353 = arith.constant 254 : i32
    %swap3A_1354 = arith.index_cast %swap3A_1353 : i32 to index
    %swap3A_1355 = memref.load %arg6[%swap3A_1354] : memref<256xi32, #tpu.memory_space<smem>>
    memref.store %squeeze3A_1352, %arg6[%swap3A_1354] : memref<256xi32, #tpu.memory_space<smem>>
    %slice3A_1356 = vector.extract_strided_slice %get3A_1280 {offsets = [15], sizes = [1], strides = [1]} : vector<16xi32> to vector<1xi32>
    %squeeze3A_1357 = vector.extract %slice3A_1356[0] : i32 from vector<1xi32>
    %swap3A_1358 = arith.constant 255 : i32
    %swap3A_1359 = arith.index_cast %swap3A_1358 : i32 to index
    %swap3A_1360 = memref.load %arg6[%swap3A_1359] : memref<256xi32, #tpu.memory_space<smem>>
    memref.store %squeeze3A_1357, %arg6[%swap3A_1359] : memref<256xi32, #tpu.memory_space<smem>>
    %mul3A_1361 = arith.constant 256 : i32
    %mul3A_1362 = arith.muli %select_n3A, %mul3A_1361 : i32
    %add3A_1363 = arith.constant 0 : i32
    %add3A_1364 = arith.addi %mul3A_1362, %add3A_1363 : i32
    %dma_start3A = arith.constant 0 : i32
    %dma_start3A_1365 = arith.constant 0 : i32
    %dma_start3A_1366 = tpu.memref_slice %arg8[%dma_start3A, %dma_start3A_1365] : memref<64x1024xf32, #tpu.memory_space<vmem>> -> memref<16x1024xf32, #tpu.memory_space<vmem>>
    %dma_start3A_1367 = arith.constant 0 : i32
    %dma_start3A_1368 = tpu.memref_slice %arg2[%add3A_1364, %dma_start3A_1367] : memref<2056x1024xf32, #tpu.memory_space<hbm>> -> memref<16x1024xf32, #tpu.memory_space<hbm>>
    %dma_start3A_1369 = arith.constant 0 : i32
    %dma_start3A_1370 = arith.constant 0 : i32
    %dma_start3A_1371 = tpu.memref_slice %arg8[%dma_start3A_1369, %dma_start3A_1370] : memref<64x1024xf32, #tpu.memory_space<vmem>> -> memref<16x1024xf32, #tpu.memory_space<vmem>>
    %dma_start3A_1372 = arith.constant 0 : i32
    %dma_start3A_1373 = tpu.memref_slice %arg2[%add3A_1364, %dma_start3A_1372] : memref<2056x1024xf32, #tpu.memory_space<hbm>> -> memref<16x1024xf32, #tpu.memory_space<hbm>>
    tpu.enqueue_dma source(%dma_start3A_1373 : memref<16x1024xf32, #tpu.memory_space<hbm>>) target(%dma_start3A_1371 : memref<16x1024xf32, #tpu.memory_space<vmem>>) target_semaphore(%arg9 : memref<!tpu.dma_semaphore, #tpu.memory_space<semaphore_mem>>)
    %mul3A_1374 = arith.constant 256 : i32
    %mul3A_1375 = arith.muli %select_n3A, %mul3A_1374 : i32
    %add3A_1376 = arith.constant 16 : i32
    %add3A_1377 = arith.addi %mul3A_1375, %add3A_1376 : i32
    %dma_start3A_1378 = arith.constant 16 : i32
    %dma_start3A_1379 = arith.constant 0 : i32
    %dma_start3A_1380 = tpu.memref_slice %arg8[%dma_start3A_1378, %dma_start3A_1379] : memref<64x1024xf32, #tpu.memory_space<vmem>> -> memref<16x1024xf32, #tpu.memory_space<vmem>>
    %dma_start3A_1381 = arith.constant 0 : i32
    %dma_start3A_1382 = tpu.memref_slice %arg2[%add3A_1377, %dma_start3A_1381] : memref<2056x1024xf32, #tpu.memory_space<hbm>> -> memref<16x1024xf32, #tpu.memory_space<hbm>>
    %dma_start3A_1383 = arith.constant 16 : i32
    %dma_start3A_1384 = arith.constant 0 : i32
    %dma_start3A_1385 = tpu.memref_slice %arg8[%dma_start3A_1383, %dma_start3A_1384] : memref<64x1024xf32, #tpu.memory_space<vmem>> -> memref<16x1024xf32, #tpu.memory_space<vmem>>
    %dma_start3A_1386 = arith.constant 0 : i32
    %dma_start3A_1387 = tpu.memref_slice %arg2[%add3A_1377, %dma_start3A_1386] : memref<2056x1024xf32, #tpu.memory_space<hbm>> -> memref<16x1024xf32, #tpu.memory_space<hbm>>
    tpu.enqueue_dma source(%dma_start3A_1387 : memref<16x1024xf32, #tpu.memory_space<hbm>>) target(%dma_start3A_1385 : memref<16x1024xf32, #tpu.memory_space<vmem>>) target_semaphore(%arg9 : memref<!tpu.dma_semaphore, #tpu.memory_space<semaphore_mem>>)
    %mul3A_1388 = arith.constant 256 : i32
    %mul3A_1389 = arith.muli %select_n3A, %mul3A_1388 : i32
    %add3A_1390 = arith.constant 32 : i32
    %add3A_1391 = arith.addi %mul3A_1389, %add3A_1390 : i32
    %dma_start3A_1392 = arith.constant 32 : i32
    %dma_start3A_1393 = arith.constant 0 : i32
    %dma_start3A_1394 = tpu.memref_slice %arg8[%dma_start3A_1392, %dma_start3A_1393] : memref<64x1024xf32, #tpu.memory_space<vmem>> -> memref<16x1024xf32, #tpu.memory_space<vmem>>
    %dma_start3A_1395 = arith.constant 0 : i32
    %dma_start3A_1396 = tpu.memref_slice %arg2[%add3A_1391, %dma_start3A_1395] : memref<2056x1024xf32, #tpu.memory_space<hbm>> -> memref<16x1024xf32, #tpu.memory_space<hbm>>
    %dma_start3A_1397 = arith.constant 32 : i32
    %dma_start3A_1398 = arith.constant 0 : i32
    %dma_start3A_1399 = tpu.memref_slice %arg8[%dma_start3A_1397, %dma_start3A_1398] : memref<64x1024xf32, #tpu.memory_space<vmem>> -> memref<16x1024xf32, #tpu.memory_space<vmem>>
    %dma_start3A_1400 = arith.constant 0 : i32
    %dma_start3A_1401 = tpu.memref_slice %arg2[%add3A_1391, %dma_start3A_1400] : memref<2056x1024xf32, #tpu.memory_space<hbm>> -> memref<16x1024xf32, #tpu.memory_space<hbm>>
    tpu.enqueue_dma source(%dma_start3A_1401 : memref<16x1024xf32, #tpu.memory_space<hbm>>) target(%dma_start3A_1399 : memref<16x1024xf32, #tpu.memory_space<vmem>>) target_semaphore(%arg9 : memref<!tpu.dma_semaphore, #tpu.memory_space<semaphore_mem>>)
    %scan3A = arith.constant 0 : i32
    %scan3A_1402 = arith.constant 0 : i32
    %scan3A_1403 = arith.constant 0 : i32
    %scan3A_1404 = arith.constant 0 : i32
    %scan3A_1405 = arith.constant 0 : i32
    %scan3A_1406 = arith.constant 16 : i32
    %scan3A_1407 = arith.addi %scan3A_1405, %scan3A_1406 : i32
    %scan3A_1408 = arith.constant 1 : i32
    %scan3A_1409:4 = scf.for %scan3A_1534 = %scan3A_1405 to %scan3A_1407 step %scan3A_1408 iter_args(%scan3A_1535 = %scan3A, %scan3A_1536 = %scan3A_1402, %scan3A_1537 = %scan3A_1403, %scan3A_1538 = %scan3A_1404) -> (i32, i32, i32, i32)  : i32 {
      %dma_wait3A = arith.constant 0 : i32
      %dma_wait3A_1539 = arith.constant 0 : i32
      %dma_wait3A_1540 = tpu.memref_slice %arg8[%dma_wait3A, %dma_wait3A_1539] : memref<64x1024xf32, #tpu.memory_space<vmem>> -> memref<16x1024xf32, #tpu.memory_space<vmem>>
      %dma_wait3A_1541 = arith.constant 0 : i32
      %dma_wait3A_1542 = arith.constant 0 : i32
      %dma_wait3A_1543 = tpu.memref_slice %arg2[%dma_wait3A_1541, %dma_wait3A_1542] : memref<2056x1024xf32, #tpu.memory_space<hbm>> -> memref<16x1024xf32, #tpu.memory_space<hbm>>
      %dma_wait3A_1544 = arith.constant 0 : i32
      %dma_wait3A_1545 = arith.constant 0 : i32
      %dma_wait3A_1546 = tpu.memref_slice %arg8[%dma_wait3A_1544, %dma_wait3A_1545] : memref<64x1024xf32, #tpu.memory_space<vmem>> -> memref<16x1024xf32, #tpu.memory_space<vmem>>
      %dma_wait3A_1547 = arith.constant 0 : i32
      %dma_wait3A_1548 = arith.constant 0 : i32
      %dma_wait3A_1549 = tpu.memref_slice %arg2[%dma_wait3A_1547, %dma_wait3A_1548] : memref<2056x1024xf32, #tpu.memory_space<hbm>> -> memref<16x1024xf32, #tpu.memory_space<hbm>>
      tpu.wait_dma2 semaphore(%arg9 : memref<!tpu.dma_semaphore, #tpu.memory_space<semaphore_mem>>) src(%dma_wait3A_1549 : memref<16x1024xf32, #tpu.memory_space<hbm>>) dst(%dma_wait3A_1546 : memref<16x1024xf32, #tpu.memory_space<vmem>>)
      %jit3A_1550 = arith.constant 4 : i32
      %eq3A_1551 = arith.constant 0 : i32
      %eq3A_1552 = arith.cmpi eq, %jit3A_1550, %eq3A_1551 : i32
      %jit3A_1553 = arith.constant 1 : i32
      %select_n3A_1554 = arith.select %eq3A_1552, %jit3A_1553, %jit3A_1550 : i32
      %rem3A_1555 = arith.remsi %scan3A_1534, %select_n3A_1554 : i32
      %ne3A_1556 = arith.constant 0 : i32
      %ne3A_1557 = arith.cmpi ne, %rem3A_1555, %ne3A_1556 : i32
      %lt3A_1558 = arith.constant 0 : i32
      %lt3A_1559 = arith.cmpi slt, %rem3A_1555, %lt3A_1558 : i32
      %lt3A_1560 = arith.constant 0 : i32
      %lt3A_1561 = arith.cmpi slt, %select_n3A_1554, %lt3A_1560 : i32
      %ne3A_1562 = arith.xori %lt3A_1559, %lt3A_1561 : i1
      %and3A_1563 = arith.andi %ne3A_1562, %ne3A_1557 : i1
      %add3A_1564 = arith.addi %rem3A_1555, %select_n3A_1554 : i32
      %select_n3A_1565 = arith.select %and3A_1563, %add3A_1564, %rem3A_1555 : i32
      %mul3A_1566 = arith.constant 16 : i32
      %mul3A_1567 = arith.muli %select_n3A_1565, %mul3A_1566 : i32
      %scan3A_1568 = arith.constant 0 : i32
      %scan3A_1569 = arith.constant 16 : i32
      %scan3A_1570 = arith.addi %scan3A_1568, %scan3A_1569 : i32
      %scan3A_1571 = arith.constant 1 : i32
      %scan3A_1572:2 = scf.for %scan3A_1628 = %scan3A_1568 to %scan3A_1570 step %scan3A_1571 iter_args(%scan3A_1629 = %scan3A_1535, %scan3A_1630 = %scan3A_1536) -> (i32, i32)  : i32 {
        %mul3A_1631 = arith.constant 16 : i32
        %mul3A_1632 = arith.muli %scan3A_1534, %mul3A_1631 : i32
        %add3A_1633 = arith.addi %mul3A_1632, %scan3A_1628 : i32
        %get3A_1634 = arith.index_cast %add3A_1633 : i32 to index
        %get3A_1635 = memref.load %arg6[%get3A_1634] : memref<256xi32, #tpu.memory_space<smem>>
        %max3A_1636 = arith.maxsi %scan3A_1629, %mul3A_32 : i32
        %min3A_1637 = arith.minsi %get3A_1635, %add3A_34 : i32
        %sub3A_1638 = arith.subi %min3A_1637, %max3A_1636 : i32
        %max3A_1639 = arith.constant 0 : i32
        %max3A_1640 = arith.maxsi %sub3A_1638, %max3A_1639 : i32
        %jit3A_1641 = arith.constant 4 : i32
        %div3A_1642 = arith.divsi %max3A_1640, %jit3A_1641 : i32
        %sign3A_1643 = arith.constant 0 : i32
        %sign3A_1644 = arith.cmpi sgt, %max3A_1640, %sign3A_1643 : i32
        %sign3A_1645 = arith.extui %sign3A_1644 : i1 to i32
        %sign3A_1646 = arith.constant 0 : i32
        %sign3A_1647 = arith.cmpi slt, %max3A_1640, %sign3A_1646 : i32
        %sign3A_1648 = arith.extui %sign3A_1647 : i1 to i32
        %sign3A_1649 = arith.subi %sign3A_1645, %sign3A_1648 : i32
        %sign3A_1650 = arith.constant 0 : i32
        %sign3A_1651 = arith.cmpi sgt, %jit3A_1641, %sign3A_1650 : i32
        %sign3A_1652 = arith.extui %sign3A_1651 : i1 to i32
        %sign3A_1653 = arith.constant 0 : i32
        %sign3A_1654 = arith.cmpi slt, %jit3A_1641, %sign3A_1653 : i32
        %sign3A_1655 = arith.extui %sign3A_1654 : i1 to i32
        %sign3A_1656 = arith.subi %sign3A_1652, %sign3A_1655 : i32
        %ne3A_1657 = arith.cmpi ne, %sign3A_1649, %sign3A_1656 : i32
        %rem3A_1658 = arith.remsi %max3A_1640, %jit3A_1641 : i32
        %ne3A_1659 = arith.constant 0 : i32
        %ne3A_1660 = arith.cmpi ne, %rem3A_1658, %ne3A_1659 : i32
        %and3A_1661 = arith.andi %ne3A_1657, %ne3A_1660 : i1
        %sub3A_1662 = arith.constant 1 : i32
        %sub3A_1663 = arith.subi %div3A_1642, %sub3A_1662 : i32
        %select_n3A_1664 = arith.select %and3A_1661, %sub3A_1663, %div3A_1642 : i32
        %while3A_1665 = arith.constant 0 : i32
        %while3A_1666 = arith.constant 0 : i32
        %while3A_1667 = arith.subi %select_n3A_1664, %while3A_1666 : i32
        %while3A_1668 = arith.addi %while3A_1666, %while3A_1667 : i32
        %while3A_1669 = arith.constant 1 : i32
        %while3A_1670 = arith.divsi %while3A_1667, %while3A_1669 : i32
        %while3A_1671 = arith.muli %while3A_1670, %while3A_1669 : i32
        %while3A_1672 = arith.addi %while3A_1666, %while3A_1671 : i32
        %while3A_1673 = arith.constant 1 : i32
        scf.for %while3A_1689 = %while3A_1666 to %while3A_1672 step %while3A_1673  : i32 {
          %mul3A_1690 = arith.constant 4 : i32
          %mul3A_1691 = arith.muli %mul3A_1690, %while3A_1689 : i32
          %add3A_1692 = arith.addi %max3A_1636, %mul3A_1691 : i32
          %add3A_1693 = arith.addi %mul3A_1567, %scan3A_1628 : i32
          %add3A_1694 = arith.constant 0 : i32
          %add3A_1695 = arith.addi %add3A_1692, %add3A_1694 : i32
          %add3A_1696 = arith.addi %mul3A_36, %add3A_1695 : i32
          %dma_start3A_1697 = arith.constant 0 : i32
          %dma_start3A_1698 = tpu.memref_slice %arg8[%add3A_1693, %dma_start3A_1697] : memref<64x1024xf32, #tpu.memory_space<vmem>> -> memref<1x1024xf32, #tpu.memory_space<vmem>>
          %dma_start3A_1699 = arith.constant 0 : i32
          %dma_start3A_1700 = tpu.memref_slice %arg4[%add3A_1696, %dma_start3A_1699] : memref<32768x1024xf32, #tpu.memory_space<hbm>> -> memref<1x1024xf32, #tpu.memory_space<hbm>>
          %dma_start3A_1701 = arith.constant 0 : i32
          %dma_start3A_1702 = tpu.memref_slice %arg4[%add3A_1696, %dma_start3A_1701] : memref<32768x1024xf32, #tpu.memory_space<hbm>> -> memref<1x1024xf32, #tpu.memory_space<hbm>>
          %dma_start3A_1703 = arith.constant 0 : i32
          %dma_start3A_1704 = tpu.memref_slice %arg8[%add3A_1693, %dma_start3A_1703] : memref<64x1024xf32, #tpu.memory_space<vmem>> -> memref<1x1024xf32, #tpu.memory_space<vmem>>
          tpu.enqueue_dma source(%dma_start3A_1704 : memref<1x1024xf32, #tpu.memory_space<vmem>>) target(%dma_start3A_1702 : memref<1x1024xf32, #tpu.memory_space<hbm>>) target_semaphore(%arg10 : memref<!tpu.dma_semaphore, #tpu.memory_space<semaphore_mem>>)
          %add3A_1705 = arith.addi %mul3A_1567, %scan3A_1628 : i32
          %add3A_1706 = arith.constant 1 : i32
          %add3A_1707 = arith.addi %add3A_1692, %add3A_1706 : i32
          %add3A_1708 = arith.addi %mul3A_36, %add3A_1707 : i32
          %dma_start3A_1709 = arith.constant 0 : i32
          %dma_start3A_1710 = tpu.memref_slice %arg8[%add3A_1705, %dma_start3A_1709] : memref<64x1024xf32, #tpu.memory_space<vmem>> -> memref<1x1024xf32, #tpu.memory_space<vmem>>
          %dma_start3A_1711 = arith.constant 0 : i32
          %dma_start3A_1712 = tpu.memref_slice %arg4[%add3A_1708, %dma_start3A_1711] : memref<32768x1024xf32, #tpu.memory_space<hbm>> -> memref<1x1024xf32, #tpu.memory_space<hbm>>
          %dma_start3A_1713 = arith.constant 0 : i32
          %dma_start3A_1714 = tpu.memref_slice %arg4[%add3A_1708, %dma_start3A_1713] : memref<32768x1024xf32, #tpu.memory_space<hbm>> -> memref<1x1024xf32, #tpu.memory_space<hbm>>
          %dma_start3A_1715 = arith.constant 0 : i32
          %dma_start3A_1716 = tpu.memref_slice %arg8[%add3A_1705, %dma_start3A_1715] : memref<64x1024xf32, #tpu.memory_space<vmem>> -> memref<1x1024xf32, #tpu.memory_space<vmem>>
          tpu.enqueue_dma source(%dma_start3A_1716 : memref<1x1024xf32, #tpu.memory_space<vmem>>) target(%dma_start3A_1714 : memref<1x1024xf32, #tpu.memory_space<hbm>>) target_semaphore(%arg10 : memref<!tpu.dma_semaphore, #tpu.memory_space<semaphore_mem>>)
          %add3A_1717 = arith.addi %mul3A_1567, %scan3A_1628 : i32
          %add3A_1718 = arith.constant 2 : i32
          %add3A_1719 = arith.addi %add3A_1692, %add3A_1718 : i32
          %add3A_1720 = arith.addi %mul3A_36, %add3A_1719 : i32
          %dma_start3A_1721 = arith.constant 0 : i32
          %dma_start3A_1722 = tpu.memref_slice %arg8[%add3A_1717, %dma_start3A_1721] : memref<64x1024xf32, #tpu.memory_space<vmem>> -> memref<1x1024xf32, #tpu.memory_space<vmem>>
          %dma_start3A_1723 = arith.constant 0 : i32
          %dma_start3A_1724 = tpu.memref_slice %arg4[%add3A_1720, %dma_start3A_1723] : memref<32768x1024xf32, #tpu.memory_space<hbm>> -> memref<1x1024xf32, #tpu.memory_space<hbm>>
          %dma_start3A_1725 = arith.constant 0 : i32
          %dma_start3A_1726 = tpu.memref_slice %arg4[%add3A_1720, %dma_start3A_1725] : memref<32768x1024xf32, #tpu.memory_space<hbm>> -> memref<1x1024xf32, #tpu.memory_space<hbm>>
          %dma_start3A_1727 = arith.constant 0 : i32
          %dma_start3A_1728 = tpu.memref_slice %arg8[%add3A_1717, %dma_start3A_1727] : memref<64x1024xf32, #tpu.memory_space<vmem>> -> memref<1x1024xf32, #tpu.memory_space<vmem>>
          tpu.enqueue_dma source(%dma_start3A_1728 : memref<1x1024xf32, #tpu.memory_space<vmem>>) target(%dma_start3A_1726 : memref<1x1024xf32, #tpu.memory_space<hbm>>) target_semaphore(%arg10 : memref<!tpu.dma_semaphore, #tpu.memory_space<semaphore_mem>>)
          %add3A_1729 = arith.addi %mul3A_1567, %scan3A_1628 : i32
          %add3A_1730 = arith.constant 3 : i32
          %add3A_1731 = arith.addi %add3A_1692, %add3A_1730 : i32
          %add3A_1732 = arith.addi %mul3A_36, %add3A_1731 : i32
          %dma_start3A_1733 = arith.constant 0 : i32
          %dma_start3A_1734 = tpu.memref_slice %arg8[%add3A_1729, %dma_start3A_1733] : memref<64x1024xf32, #tpu.memory_space<vmem>> -> memref<1x1024xf32, #tpu.memory_space<vmem>>
          %dma_start3A_1735 = arith.constant 0 : i32
          %dma_start3A_1736 = tpu.memref_slice %arg4[%add3A_1732, %dma_start3A_1735] : memref<32768x1024xf32, #tpu.memory_space<hbm>> -> memref<1x1024xf32, #tpu.memory_space<hbm>>
          %dma_start3A_1737 = arith.constant 0 : i32
          %dma_start3A_1738 = tpu.memref_slice %arg4[%add3A_1732, %dma_start3A_1737] : memref<32768x1024xf32, #tpu.memory_space<hbm>> -> memref<1x1024xf32, #tpu.memory_space<hbm>>
          %dma_start3A_1739 = arith.constant 0 : i32
          %dma_start3A_1740 = tpu.memref_slice %arg8[%add3A_1729, %dma_start3A_1739] : memref<64x1024xf32, #tpu.memory_space<vmem>> -> memref<1x1024xf32, #tpu.memory_space<vmem>>
          tpu.enqueue_dma source(%dma_start3A_1740 : memref<1x1024xf32, #tpu.memory_space<vmem>>) target(%dma_start3A_1738 : memref<1x1024xf32, #tpu.memory_space<hbm>>) target_semaphore(%arg10 : memref<!tpu.dma_semaphore, #tpu.memory_space<semaphore_mem>>)
        }
        %while3A_1674 = arith.constant 1 : i32
        scf.for %while3A_1689 = %while3A_1672 to %while3A_1668 step %while3A_1674  : i32 {
          %mul3A_1690 = arith.constant 4 : i32
          %mul3A_1691 = arith.muli %mul3A_1690, %while3A_1689 : i32
          %add3A_1692 = arith.addi %max3A_1636, %mul3A_1691 : i32
          %add3A_1693 = arith.addi %mul3A_1567, %scan3A_1628 : i32
          %add3A_1694 = arith.constant 0 : i32
          %add3A_1695 = arith.addi %add3A_1692, %add3A_1694 : i32
          %add3A_1696 = arith.addi %mul3A_36, %add3A_1695 : i32
          %dma_start3A_1697 = arith.constant 0 : i32
          %dma_start3A_1698 = tpu.memref_slice %arg8[%add3A_1693, %dma_start3A_1697] : memref<64x1024xf32, #tpu.memory_space<vmem>> -> memref<1x1024xf32, #tpu.memory_space<vmem>>
          %dma_start3A_1699 = arith.constant 0 : i32
          %dma_start3A_1700 = tpu.memref_slice %arg4[%add3A_1696, %dma_start3A_1699] : memref<32768x1024xf32, #tpu.memory_space<hbm>> -> memref<1x1024xf32, #tpu.memory_space<hbm>>
          %dma_start3A_1701 = arith.constant 0 : i32
          %dma_start3A_1702 = tpu.memref_slice %arg4[%add3A_1696, %dma_start3A_1701] : memref<32768x1024xf32, #tpu.memory_space<hbm>> -> memref<1x1024xf32, #tpu.memory_space<hbm>>
          %dma_start3A_1703 = arith.constant 0 : i32
          %dma_start3A_1704 = tpu.memref_slice %arg8[%add3A_1693, %dma_start3A_1703] : memref<64x1024xf32, #tpu.memory_space<vmem>> -> memref<1x1024xf32, #tpu.memory_space<vmem>>
          tpu.enqueue_dma source(%dma_start3A_1704 : memref<1x1024xf32, #tpu.memory_space<vmem>>) target(%dma_start3A_1702 : memref<1x1024xf32, #tpu.memory_space<hbm>>) target_semaphore(%arg10 : memref<!tpu.dma_semaphore, #tpu.memory_space<semaphore_mem>>)
          %add3A_1705 = arith.addi %mul3A_1567, %scan3A_1628 : i32
          %add3A_1706 = arith.constant 1 : i32
          %add3A_1707 = arith.addi %add3A_1692, %add3A_1706 : i32
          %add3A_1708 = arith.addi %mul3A_36, %add3A_1707 : i32
          %dma_start3A_1709 = arith.constant 0 : i32
          %dma_start3A_1710 = tpu.memref_slice %arg8[%add3A_1705, %dma_start3A_1709] : memref<64x1024xf32, #tpu.memory_space<vmem>> -> memref<1x1024xf32, #tpu.memory_space<vmem>>
          %dma_start3A_1711 = arith.constant 0 : i32
          %dma_start3A_1712 = tpu.memref_slice %arg4[%add3A_1708, %dma_start3A_1711] : memref<32768x1024xf32, #tpu.memory_space<hbm>> -> memref<1x1024xf32, #tpu.memory_space<hbm>>
          %dma_start3A_1713 = arith.constant 0 : i32
          %dma_start3A_1714 = tpu.memref_slice %arg4[%add3A_1708, %dma_start3A_1713] : memref<32768x1024xf32, #tpu.memory_space<hbm>> -> memref<1x1024xf32, #tpu.memory_space<hbm>>
          %dma_start3A_1715 = arith.constant 0 : i32
          %dma_start3A_1716 = tpu.memref_slice %arg8[%add3A_1705, %dma_start3A_1715] : memref<64x1024xf32, #tpu.memory_space<vmem>> -> memref<1x1024xf32, #tpu.memory_space<vmem>>
          tpu.enqueue_dma source(%dma_start3A_1716 : memref<1x1024xf32, #tpu.memory_space<vmem>>) target(%dma_start3A_1714 : memref<1x1024xf32, #tpu.memory_space<hbm>>) target_semaphore(%arg10 : memref<!tpu.dma_semaphore, #tpu.memory_space<semaphore_mem>>)
          %add3A_1717 = arith.addi %mul3A_1567, %scan3A_1628 : i32
          %add3A_1718 = arith.constant 2 : i32
          %add3A_1719 = arith.addi %add3A_1692, %add3A_1718 : i32
          %add3A_1720 = arith.addi %mul3A_36, %add3A_1719 : i32
          %dma_start3A_1721 = arith.constant 0 : i32
          %dma_start3A_1722 = tpu.memref_slice %arg8[%add3A_1717, %dma_start3A_1721] : memref<64x1024xf32, #tpu.memory_space<vmem>> -> memref<1x1024xf32, #tpu.memory_space<vmem>>
          %dma_start3A_1723 = arith.constant 0 : i32
          %dma_start3A_1724 = tpu.memref_slice %arg4[%add3A_1720, %dma_start3A_1723] : memref<32768x1024xf32, #tpu.memory_space<hbm>> -> memref<1x1024xf32, #tpu.memory_space<hbm>>
          %dma_start3A_1725 = arith.constant 0 : i32
          %dma_start3A_1726 = tpu.memref_slice %arg4[%add3A_1720, %dma_start3A_1725] : memref<32768x1024xf32, #tpu.memory_space<hbm>> -> memref<1x1024xf32, #tpu.memory_space<hbm>>
          %dma_start3A_1727 = arith.constant 0 : i32
          %dma_start3A_1728 = tpu.memref_slice %arg8[%add3A_1717, %dma_start3A_1727] : memref<64x1024xf32, #tpu.memory_space<vmem>> -> memref<1x1024xf32, #tpu.memory_space<vmem>>
          tpu.enqueue_dma source(%dma_start3A_1728 : memref<1x1024xf32, #tpu.memory_space<vmem>>) target(%dma_start3A_1726 : memref<1x1024xf32, #tpu.memory_space<hbm>>) target_semaphore(%arg10 : memref<!tpu.dma_semaphore, #tpu.memory_space<semaphore_mem>>)
          %add3A_1729 = arith.addi %mul3A_1567, %scan3A_1628 : i32
          %add3A_1730 = arith.constant 3 : i32
          %add3A_1731 = arith.addi %add3A_1692, %add3A_1730 : i32
          %add3A_1732 = arith.addi %mul3A_36, %add3A_1731 : i32
          %dma_start3A_1733 = arith.constant 0 : i32
          %dma_start3A_1734 = tpu.memref_slice %arg8[%add3A_1729, %dma_start3A_1733] : memref<64x1024xf32, #tpu.memory_space<vmem>> -> memref<1x1024xf32, #tpu.memory_space<vmem>>
          %dma_start3A_1735 = arith.constant 0 : i32
          %dma_start3A_1736 = tpu.memref_slice %arg4[%add3A_1732, %dma_start3A_1735] : memref<32768x1024xf32, #tpu.memory_space<hbm>> -> memref<1x1024xf32, #tpu.memory_space<hbm>>
          %dma_start3A_1737 = arith.constant 0 : i32
          %dma_start3A_1738 = tpu.memref_slice %arg4[%add3A_1732, %dma_start3A_1737] : memref<32768x1024xf32, #tpu.memory_space<hbm>> -> memref<1x1024xf32, #tpu.memory_space<hbm>>
          %dma_start3A_1739 = arith.constant 0 : i32
          %dma_start3A_1740 = tpu.memref_slice %arg8[%add3A_1729, %dma_start3A_1739] : memref<64x1024xf32, #tpu.memory_space<vmem>> -> memref<1x1024xf32, #tpu.memory_space<vmem>>
          tpu.enqueue_dma source(%dma_start3A_1740 : memref<1x1024xf32, #tpu.memory_space<vmem>>) target(%dma_start3A_1738 : memref<1x1024xf32, #tpu.memory_space<hbm>>) target_semaphore(%arg10 : memref<!tpu.dma_semaphore, #tpu.memory_space<semaphore_mem>>)
        }
        %mul3A_1675 = arith.constant 4 : i32
        %mul3A_1676 = arith.muli %mul3A_1675, %select_n3A_1664 : i32
        %add3A_1677 = arith.addi %max3A_1636, %mul3A_1676 : i32
        %max3A_1678 = arith.maxsi %max3A_1636, %min3A_1637 : i32
        %while3A_1679 = arith.constant 0 : i32
        %while3A_1680 = arith.subi %max3A_1678, %add3A_1677 : i32
        %while3A_1681 = arith.addi %add3A_1677, %while3A_1680 : i32
        %while3A_1682 = arith.constant 1 : i32
        %while3A_1683 = arith.divsi %while3A_1680, %while3A_1682 : i32
        %while3A_1684 = arith.muli %while3A_1683, %while3A_1682 : i32
        %while3A_1685 = arith.addi %add3A_1677, %while3A_1684 : i32
        %while3A_1686 = arith.constant 1 : i32
        scf.for %while3A_1689 = %add3A_1677 to %while3A_1685 step %while3A_1686  : i32 {
          %add3A_1690 = arith.addi %mul3A_1567, %scan3A_1628 : i32
          %add3A_1691 = arith.addi %mul3A_36, %while3A_1689 : i32
          %dma_start3A_1692 = arith.constant 0 : i32
          %dma_start3A_1693 = tpu.memref_slice %arg8[%add3A_1690, %dma_start3A_1692] : memref<64x1024xf32, #tpu.memory_space<vmem>> -> memref<1x1024xf32, #tpu.memory_space<vmem>>
          %dma_start3A_1694 = arith.constant 0 : i32
          %dma_start3A_1695 = tpu.memref_slice %arg4[%add3A_1691, %dma_start3A_1694] : memref<32768x1024xf32, #tpu.memory_space<hbm>> -> memref<1x1024xf32, #tpu.memory_space<hbm>>
          %dma_start3A_1696 = arith.constant 0 : i32
          %dma_start3A_1697 = tpu.memref_slice %arg4[%add3A_1691, %dma_start3A_1696] : memref<32768x1024xf32, #tpu.memory_space<hbm>> -> memref<1x1024xf32, #tpu.memory_space<hbm>>
          %dma_start3A_1698 = arith.constant 0 : i32
          %dma_start3A_1699 = tpu.memref_slice %arg8[%add3A_1690, %dma_start3A_1698] : memref<64x1024xf32, #tpu.memory_space<vmem>> -> memref<1x1024xf32, #tpu.memory_space<vmem>>
          tpu.enqueue_dma source(%dma_start3A_1699 : memref<1x1024xf32, #tpu.memory_space<vmem>>) target(%dma_start3A_1697 : memref<1x1024xf32, #tpu.memory_space<hbm>>) target_semaphore(%arg10 : memref<!tpu.dma_semaphore, #tpu.memory_space<semaphore_mem>>)
        }
        %while3A_1687 = arith.constant 1 : i32
        scf.for %while3A_1689 = %while3A_1685 to %while3A_1681 step %while3A_1687  : i32 {
          %add3A_1690 = arith.addi %mul3A_1567, %scan3A_1628 : i32
          %add3A_1691 = arith.addi %mul3A_36, %while3A_1689 : i32
          %dma_start3A_1692 = arith.constant 0 : i32
          %dma_start3A_1693 = tpu.memref_slice %arg8[%add3A_1690, %dma_start3A_1692] : memref<64x1024xf32, #tpu.memory_space<vmem>> -> memref<1x1024xf32, #tpu.memory_space<vmem>>
          %dma_start3A_1694 = arith.constant 0 : i32
          %dma_start3A_1695 = tpu.memref_slice %arg4[%add3A_1691, %dma_start3A_1694] : memref<32768x1024xf32, #tpu.memory_space<hbm>> -> memref<1x1024xf32, #tpu.memory_space<hbm>>
          %dma_start3A_1696 = arith.constant 0 : i32
          %dma_start3A_1697 = tpu.memref_slice %arg4[%add3A_1691, %dma_start3A_1696] : memref<32768x1024xf32, #tpu.memory_space<hbm>> -> memref<1x1024xf32, #tpu.memory_space<hbm>>
          %dma_start3A_1698 = arith.constant 0 : i32
          %dma_start3A_1699 = tpu.memref_slice %arg8[%add3A_1690, %dma_start3A_1698] : memref<64x1024xf32, #tpu.memory_space<vmem>> -> memref<1x1024xf32, #tpu.memory_space<vmem>>
          tpu.enqueue_dma source(%dma_start3A_1699 : memref<1x1024xf32, #tpu.memory_space<vmem>>) target(%dma_start3A_1697 : memref<1x1024xf32, #tpu.memory_space<hbm>>) target_semaphore(%arg10 : memref<!tpu.dma_semaphore, #tpu.memory_space<semaphore_mem>>)
        }
        %add3A_1688 = arith.addi %scan3A_1630, %max3A_1640 : i32
        scf.yield %get3A_1635, %add3A_1688 : i32, i32
      }
      %scan3A_1573 = arith.constant 16 : i32
      %sub3A_1574 = arith.subi %scan3A_1537, %scan3A_1538 : i32
      %jit3A_1575 = arith.constant 8 : i32
      %div3A_1576 = arith.divsi %sub3A_1574, %jit3A_1575 : i32
      %sign3A_1577 = arith.constant 0 : i32
      %sign3A_1578 = arith.cmpi sgt, %sub3A_1574, %sign3A_1577 : i32
      %sign3A_1579 = arith.extui %sign3A_1578 : i1 to i32
      %sign3A_1580 = arith.constant 0 : i32
      %sign3A_1581 = arith.cmpi slt, %sub3A_1574, %sign3A_1580 : i32
      %sign3A_1582 = arith.extui %sign3A_1581 : i1 to i32
      %sign3A_1583 = arith.subi %sign3A_1579, %sign3A_1582 : i32
      %sign3A_1584 = arith.constant 0 : i32
      %sign3A_1585 = arith.cmpi sgt, %jit3A_1575, %sign3A_1584 : i32
      %sign3A_1586 = arith.extui %sign3A_1585 : i1 to i32
      %sign3A_1587 = arith.constant 0 : i32
      %sign3A_1588 = arith.cmpi slt, %jit3A_1575, %sign3A_1587 : i32
      %sign3A_1589 = arith.extui %sign3A_1588 : i1 to i32
      %sign3A_1590 = arith.subi %sign3A_1586, %sign3A_1589 : i32
      %ne3A_1591 = arith.cmpi ne, %sign3A_1583, %sign3A_1590 : i32
      %rem3A_1592 = arith.remsi %sub3A_1574, %jit3A_1575 : i32
      %ne3A_1593 = arith.constant 0 : i32
      %ne3A_1594 = arith.cmpi ne, %rem3A_1592, %ne3A_1593 : i32
      %and3A_1595 = arith.andi %ne3A_1591, %ne3A_1594 : i1
      %sub3A_1596 = arith.constant 1 : i32
      %sub3A_1597 = arith.subi %div3A_1576, %sub3A_1596 : i32
      %select_n3A_1598 = arith.select %and3A_1595, %sub3A_1597, %div3A_1576 : i32
      %while3A_1599 = arith.constant 0 : i32
      %while3A_1600 = arith.constant 0 : i32
      %while3A_1601 = arith.subi %select_n3A_1598, %while3A_1600 : i32
      %while3A_1602 = arith.addi %while3A_1600, %while3A_1601 : i32
      %while3A_1603 = arith.constant 1 : i32
      %while3A_1604 = arith.divsi %while3A_1601, %while3A_1603 : i32
      %while3A_1605 = arith.muli %while3A_1604, %while3A_1603 : i32
      %while3A_1606 = arith.addi %while3A_1600, %while3A_1605 : i32
      %while3A_1607 = arith.constant 1 : i32
      scf.for %while3A_1628 = %while3A_1600 to %while3A_1606 step %while3A_1607  : i32 {
        %dma_wait3A_1629 = arith.constant 0 : i32
        %dma_wait3A_1630 = arith.constant 0 : i32
        %dma_wait3A_1631 = tpu.memref_slice %arg4[%dma_wait3A_1629, %dma_wait3A_1630] : memref<32768x1024xf32, #tpu.memory_space<hbm>> -> memref<8x1024xf32, #tpu.memory_space<hbm>>
        %dma_wait3A_1632 = arith.constant 0 : i32
        %dma_wait3A_1633 = arith.constant 0 : i32
        %dma_wait3A_1634 = tpu.memref_slice %arg4[%dma_wait3A_1632, %dma_wait3A_1633] : memref<32768x1024xf32, #tpu.memory_space<hbm>> -> memref<8x1024xf32, #tpu.memory_space<hbm>>
        tpu.wait_dma2 semaphore(%arg10 : memref<!tpu.dma_semaphore, #tpu.memory_space<semaphore_mem>>) src(%arg7 : memref<8x1024xf32, #tpu.memory_space<vmem>>) dst(%dma_wait3A_1634 : memref<8x1024xf32, #tpu.memory_space<hbm>>)
      }
      %while3A_1608 = arith.constant 1 : i32
      scf.for %while3A_1628 = %while3A_1606 to %while3A_1602 step %while3A_1608  : i32 {
        %dma_wait3A_1629 = arith.constant 0 : i32
        %dma_wait3A_1630 = arith.constant 0 : i32
        %dma_wait3A_1631 = tpu.memref_slice %arg4[%dma_wait3A_1629, %dma_wait3A_1630] : memref<32768x1024xf32, #tpu.memory_space<hbm>> -> memref<8x1024xf32, #tpu.memory_space<hbm>>
        %dma_wait3A_1632 = arith.constant 0 : i32
        %dma_wait3A_1633 = arith.constant 0 : i32
        %dma_wait3A_1634 = tpu.memref_slice %arg4[%dma_wait3A_1632, %dma_wait3A_1633] : memref<32768x1024xf32, #tpu.memory_space<hbm>> -> memref<8x1024xf32, #tpu.memory_space<hbm>>
        tpu.wait_dma2 semaphore(%arg10 : memref<!tpu.dma_semaphore, #tpu.memory_space<semaphore_mem>>) src(%arg7 : memref<8x1024xf32, #tpu.memory_space<vmem>>) dst(%dma_wait3A_1634 : memref<8x1024xf32, #tpu.memory_space<hbm>>)
      }
      %sub3A_1609 = arith.subi %scan3A_1537, %scan3A_1538 : i32
      %mul3A_1610 = arith.constant 8 : i32
      %mul3A_1611 = arith.muli %select_n3A_1598, %mul3A_1610 : i32
      %sub3A_1612 = arith.subi %sub3A_1609, %mul3A_1611 : i32
      %while3A_1613 = arith.constant 0 : i32
      %while3A_1614 = arith.constant 0 : i32
      %while3A_1615 = arith.subi %sub3A_1612, %while3A_1614 : i32
      %while3A_1616 = arith.addi %while3A_1614, %while3A_1615 : i32
      %while3A_1617 = arith.constant 1 : i32
      %while3A_1618 = arith.divsi %while3A_1615, %while3A_1617 : i32
      %while3A_1619 = arith.muli %while3A_1618, %while3A_1617 : i32
      %while3A_1620 = arith.addi %while3A_1614, %while3A_1619 : i32
      %while3A_1621 = arith.constant 1 : i32
      scf.for %while3A_1628 = %while3A_1614 to %while3A_1620 step %while3A_1621  : i32 {
        %add3A_1629 = arith.constant 0 : i32
        %add3A_1630 = arith.addi %mul3A_36, %add3A_1629 : i32
        %dma_wait3A_1631 = arith.constant 0 : i32
        %dma_wait3A_1632 = arith.constant 0 : i32
        %dma_wait3A_1633 = tpu.memref_slice %arg8[%dma_wait3A_1631, %dma_wait3A_1632] : memref<64x1024xf32, #tpu.memory_space<vmem>> -> memref<1x1024xf32, #tpu.memory_space<vmem>>
        %dma_wait3A_1634 = arith.constant 0 : i32
        %dma_wait3A_1635 = tpu.memref_slice %arg4[%add3A_1630, %dma_wait3A_1634] : memref<32768x1024xf32, #tpu.memory_space<hbm>> -> memref<1x1024xf32, #tpu.memory_space<hbm>>
        %dma_wait3A_1636 = arith.constant 0 : i32
        %dma_wait3A_1637 = tpu.memref_slice %arg4[%add3A_1630, %dma_wait3A_1636] : memref<32768x1024xf32, #tpu.memory_space<hbm>> -> memref<1x1024xf32, #tpu.memory_space<hbm>>
        %dma_wait3A_1638 = arith.constant 0 : i32
        %dma_wait3A_1639 = arith.constant 0 : i32
        %dma_wait3A_1640 = tpu.memref_slice %arg8[%dma_wait3A_1638, %dma_wait3A_1639] : memref<64x1024xf32, #tpu.memory_space<vmem>> -> memref<1x1024xf32, #tpu.memory_space<vmem>>
        tpu.wait_dma2 semaphore(%arg10 : memref<!tpu.dma_semaphore, #tpu.memory_space<semaphore_mem>>) src(%dma_wait3A_1640 : memref<1x1024xf32, #tpu.memory_space<vmem>>) dst(%dma_wait3A_1637 : memref<1x1024xf32, #tpu.memory_space<hbm>>)
      }
      %while3A_1622 = arith.constant 1 : i32
      scf.for %while3A_1628 = %while3A_1620 to %while3A_1616 step %while3A_1622  : i32 {
        %add3A_1629 = arith.constant 0 : i32
        %add3A_1630 = arith.addi %mul3A_36, %add3A_1629 : i32
        %dma_wait3A_1631 = arith.constant 0 : i32
        %dma_wait3A_1632 = arith.constant 0 : i32
        %dma_wait3A_1633 = tpu.memref_slice %arg8[%dma_wait3A_1631, %dma_wait3A_1632] : memref<64x1024xf32, #tpu.memory_space<vmem>> -> memref<1x1024xf32, #tpu.memory_space<vmem>>
        %dma_wait3A_1634 = arith.constant 0 : i32
        %dma_wait3A_1635 = tpu.memref_slice %arg4[%add3A_1630, %dma_wait3A_1634] : memref<32768x1024xf32, #tpu.memory_space<hbm>> -> memref<1x1024xf32, #tpu.memory_space<hbm>>
        %dma_wait3A_1636 = arith.constant 0 : i32
        %dma_wait3A_1637 = tpu.memref_slice %arg4[%add3A_1630, %dma_wait3A_1636] : memref<32768x1024xf32, #tpu.memory_space<hbm>> -> memref<1x1024xf32, #tpu.memory_space<hbm>>
        %dma_wait3A_1638 = arith.constant 0 : i32
        %dma_wait3A_1639 = arith.constant 0 : i32
        %dma_wait3A_1640 = tpu.memref_slice %arg8[%dma_wait3A_1638, %dma_wait3A_1639] : memref<64x1024xf32, #tpu.memory_space<vmem>> -> memref<1x1024xf32, #tpu.memory_space<vmem>>
        tpu.wait_dma2 semaphore(%arg10 : memref<!tpu.dma_semaphore, #tpu.memory_space<semaphore_mem>>) src(%dma_wait3A_1640 : memref<1x1024xf32, #tpu.memory_space<vmem>>) dst(%dma_wait3A_1637 : memref<1x1024xf32, #tpu.memory_space<hbm>>)
      }
      %add3A_1623 = arith.constant 3 : i32
      %add3A_1624 = arith.addi %scan3A_1534, %add3A_1623 : i32
      %lt3A_1625 = arith.constant 16 : i32
      %lt3A_1626 = arith.cmpi slt, %add3A_1624, %lt3A_1625 : i32
      %convert_element_type3A = arith.extui %lt3A_1626 : i1 to i32
      %cond3A = arith.constant 0 : i32
      %cond3A_1627 = arith.cmpi ne, %convert_element_type3A, %cond3A : i32
      scf.if %cond3A_1627 {
        %add3A_1628 = arith.constant 3 : i32
        %add3A_1629 = arith.addi %scan3A_1534, %add3A_1628 : i32
        %mul3A_1630 = arith.constant 256 : i32
        %mul3A_1631 = arith.muli %select_n3A, %mul3A_1630 : i32
        %mul3A_1632 = arith.constant 16 : i32
        %mul3A_1633 = arith.muli %add3A_1629, %mul3A_1632 : i32
        %add3A_1634 = arith.addi %mul3A_1631, %mul3A_1633 : i32
        %jit3A_1635 = arith.constant 4 : i32
        %eq3A_1636 = arith.constant 0 : i32
        %eq3A_1637 = arith.cmpi eq, %jit3A_1635, %eq3A_1636 : i32
        %jit3A_1638 = arith.constant 1 : i32
        %select_n3A_1639 = arith.select %eq3A_1637, %jit3A_1638, %jit3A_1635 : i32
        %rem3A_1640 = arith.remsi %add3A_1629, %select_n3A_1639 : i32
        %ne3A_1641 = arith.constant 0 : i32
        %ne3A_1642 = arith.cmpi ne, %rem3A_1640, %ne3A_1641 : i32
        %lt3A_1643 = arith.constant 0 : i32
        %lt3A_1644 = arith.cmpi slt, %rem3A_1640, %lt3A_1643 : i32
        %lt3A_1645 = arith.constant 0 : i32
        %lt3A_1646 = arith.cmpi slt, %select_n3A_1639, %lt3A_1645 : i32
        %ne3A_1647 = arith.xori %lt3A_1644, %lt3A_1646 : i1
        %and3A_1648 = arith.andi %ne3A_1647, %ne3A_1642 : i1
        %add3A_1649 = arith.addi %rem3A_1640, %select_n3A_1639 : i32
        %select_n3A_1650 = arith.select %and3A_1648, %add3A_1649, %rem3A_1640 : i32
        %mul3A_1651 = arith.constant 16 : i32
        %mul3A_1652 = arith.muli %select_n3A_1650, %mul3A_1651 : i32
        %dma_start3A_1653 = arith.constant 0 : i32
        %dma_start3A_1654 = tpu.memref_slice %arg8[%mul3A_1652, %dma_start3A_1653] : memref<64x1024xf32, #tpu.memory_space<vmem>> -> memref<16x1024xf32, #tpu.memory_space<vmem>>
        %dma_start3A_1655 = arith.constant 0 : i32
        %dma_start3A_1656 = tpu.memref_slice %arg2[%add3A_1634, %dma_start3A_1655] : memref<2056x1024xf32, #tpu.memory_space<hbm>> -> memref<16x1024xf32, #tpu.memory_space<hbm>>
        %dma_start3A_1657 = arith.constant 0 : i32
        %dma_start3A_1658 = tpu.memref_slice %arg8[%mul3A_1652, %dma_start3A_1657] : memref<64x1024xf32, #tpu.memory_space<vmem>> -> memref<16x1024xf32, #tpu.memory_space<vmem>>
        %dma_start3A_1659 = arith.constant 0 : i32
        %dma_start3A_1660 = tpu.memref_slice %arg2[%add3A_1634, %dma_start3A_1659] : memref<2056x1024xf32, #tpu.memory_space<hbm>> -> memref<16x1024xf32, #tpu.memory_space<hbm>>
        tpu.enqueue_dma source(%dma_start3A_1660 : memref<16x1024xf32, #tpu.memory_space<hbm>>) target(%dma_start3A_1658 : memref<16x1024xf32, #tpu.memory_space<vmem>>) target_semaphore(%arg9 : memref<!tpu.dma_semaphore, #tpu.memory_space<semaphore_mem>>)
      } else {
      }
      scf.yield %scan3A_1572#0, %scan3A_1572#1, %scan3A_1572#1, %scan3A_1537 : i32, i32, i32, i32
    }
    %scan3A_1410 = arith.constant 16 : i32
    %max3A = arith.maxsi %mul3A_32, %scan3A_1409#0 : i32
    %min3A = arith.minsi %add3A_34, %max3A : i32
    %add3A_1411 = arith.constant 7 : i32
    %add3A_1412 = arith.addi %min3A, %add3A_1411 : i32
    %jit3A_1413 = arith.constant 8 : i32
    %div3A_1414 = arith.divsi %add3A_1412, %jit3A_1413 : i32
    %sign3A_1415 = arith.constant 0 : i32
    %sign3A_1416 = arith.cmpi sgt, %add3A_1412, %sign3A_1415 : i32
    %sign3A_1417 = arith.extui %sign3A_1416 : i1 to i32
    %sign3A_1418 = arith.constant 0 : i32
    %sign3A_1419 = arith.cmpi slt, %add3A_1412, %sign3A_1418 : i32
    %sign3A_1420 = arith.extui %sign3A_1419 : i1 to i32
    %sign3A_1421 = arith.subi %sign3A_1417, %sign3A_1420 : i32
    %sign3A_1422 = arith.constant 0 : i32
    %sign3A_1423 = arith.cmpi sgt, %jit3A_1413, %sign3A_1422 : i32
    %sign3A_1424 = arith.extui %sign3A_1423 : i1 to i32
    %sign3A_1425 = arith.constant 0 : i32
    %sign3A_1426 = arith.cmpi slt, %jit3A_1413, %sign3A_1425 : i32
    %sign3A_1427 = arith.extui %sign3A_1426 : i1 to i32
    %sign3A_1428 = arith.subi %sign3A_1424, %sign3A_1427 : i32
    %ne3A_1429 = arith.cmpi ne, %sign3A_1421, %sign3A_1428 : i32
    %rem3A_1430 = arith.remsi %add3A_1412, %jit3A_1413 : i32
    %ne3A_1431 = arith.constant 0 : i32
    %ne3A_1432 = arith.cmpi ne, %rem3A_1430, %ne3A_1431 : i32
    %and3A_1433 = arith.andi %ne3A_1429, %ne3A_1432 : i1
    %sub3A_1434 = arith.constant 1 : i32
    %sub3A_1435 = arith.subi %div3A_1414, %sub3A_1434 : i32
    %select_n3A_1436 = arith.select %and3A_1433, %sub3A_1435, %div3A_1414 : i32
    %mul3A_1437 = arith.constant 8 : i32
    %mul3A_1438 = arith.muli %select_n3A_1436, %mul3A_1437 : i32
    %min3A_1439 = arith.minsi %mul3A_1438, %add3A_34 : i32
    %sub3A_1440 = arith.subi %add3A_34, %min3A_1439 : i32
    %jit3A_1441 = arith.constant 8 : i32
    %div3A_1442 = arith.divsi %sub3A_1440, %jit3A_1441 : i32
    %sign3A_1443 = arith.constant 0 : i32
    %sign3A_1444 = arith.cmpi sgt, %sub3A_1440, %sign3A_1443 : i32
    %sign3A_1445 = arith.extui %sign3A_1444 : i1 to i32
    %sign3A_1446 = arith.constant 0 : i32
    %sign3A_1447 = arith.cmpi slt, %sub3A_1440, %sign3A_1446 : i32
    %sign3A_1448 = arith.extui %sign3A_1447 : i1 to i32
    %sign3A_1449 = arith.subi %sign3A_1445, %sign3A_1448 : i32
    %sign3A_1450 = arith.constant 0 : i32
    %sign3A_1451 = arith.cmpi sgt, %jit3A_1441, %sign3A_1450 : i32
    %sign3A_1452 = arith.extui %sign3A_1451 : i1 to i32
    %sign3A_1453 = arith.constant 0 : i32
    %sign3A_1454 = arith.cmpi slt, %jit3A_1441, %sign3A_1453 : i32
    %sign3A_1455 = arith.extui %sign3A_1454 : i1 to i32
    %sign3A_1456 = arith.subi %sign3A_1452, %sign3A_1455 : i32
    %ne3A_1457 = arith.cmpi ne, %sign3A_1449, %sign3A_1456 : i32
    %rem3A_1458 = arith.remsi %sub3A_1440, %jit3A_1441 : i32
    %ne3A_1459 = arith.constant 0 : i32
    %ne3A_1460 = arith.cmpi ne, %rem3A_1458, %ne3A_1459 : i32
    %and3A_1461 = arith.andi %ne3A_1457, %ne3A_1460 : i1
    %sub3A_1462 = arith.constant 1 : i32
    %sub3A_1463 = arith.subi %div3A_1442, %sub3A_1462 : i32
    %select_n3A_1464 = arith.select %and3A_1461, %sub3A_1463, %div3A_1442 : i32
    %while3A = arith.constant 0 : i32
    %while3A_1465 = arith.subi %min3A_1439, %min3A : i32
    %while3A_1466 = arith.addi %min3A, %while3A_1465 : i32
    %while3A_1467 = arith.constant 1 : i32
    %while3A_1468 = arith.divsi %while3A_1465, %while3A_1467 : i32
    %while3A_1469 = arith.muli %while3A_1468, %while3A_1467 : i32
    %while3A_1470 = arith.addi %min3A, %while3A_1469 : i32
    %while3A_1471 = arith.constant 1 : i32
    scf.for %while3A_1534 = %min3A to %while3A_1470 step %while3A_1471  : i32 {
      %add3A_1535 = arith.addi %mul3A_36, %while3A_1534 : i32
      %dma_start3A_1536 = arith.constant 0 : i32
      %dma_start3A_1537 = arith.constant 0 : i32
      %dma_start3A_1538 = tpu.memref_slice %arg7[%dma_start3A_1536, %dma_start3A_1537] : memref<8x1024xf32, #tpu.memory_space<vmem>> -> memref<1x1024xf32, #tpu.memory_space<vmem>>
      %dma_start3A_1539 = arith.constant 0 : i32
      %dma_start3A_1540 = tpu.memref_slice %arg4[%add3A_1535, %dma_start3A_1539] : memref<32768x1024xf32, #tpu.memory_space<hbm>> -> memref<1x1024xf32, #tpu.memory_space<hbm>>
      %dma_start3A_1541 = arith.constant 0 : i32
      %dma_start3A_1542 = tpu.memref_slice %arg4[%add3A_1535, %dma_start3A_1541] : memref<32768x1024xf32, #tpu.memory_space<hbm>> -> memref<1x1024xf32, #tpu.memory_space<hbm>>
      %dma_start3A_1543 = arith.constant 0 : i32
      %dma_start3A_1544 = arith.constant 0 : i32
      %dma_start3A_1545 = tpu.memref_slice %arg7[%dma_start3A_1543, %dma_start3A_1544] : memref<8x1024xf32, #tpu.memory_space<vmem>> -> memref<1x1024xf32, #tpu.memory_space<vmem>>
      tpu.enqueue_dma source(%dma_start3A_1545 : memref<1x1024xf32, #tpu.memory_space<vmem>>) target(%dma_start3A_1542 : memref<1x1024xf32, #tpu.memory_space<hbm>>) target_semaphore(%arg10 : memref<!tpu.dma_semaphore, #tpu.memory_space<semaphore_mem>>)
    }
    %while3A_1472 = arith.constant 1 : i32
    scf.for %while3A_1534 = %while3A_1470 to %while3A_1466 step %while3A_1472  : i32 {
      %add3A_1535 = arith.addi %mul3A_36, %while3A_1534 : i32
      %dma_start3A_1536 = arith.constant 0 : i32
      %dma_start3A_1537 = arith.constant 0 : i32
      %dma_start3A_1538 = tpu.memref_slice %arg7[%dma_start3A_1536, %dma_start3A_1537] : memref<8x1024xf32, #tpu.memory_space<vmem>> -> memref<1x1024xf32, #tpu.memory_space<vmem>>
      %dma_start3A_1539 = arith.constant 0 : i32
      %dma_start3A_1540 = tpu.memref_slice %arg4[%add3A_1535, %dma_start3A_1539] : memref<32768x1024xf32, #tpu.memory_space<hbm>> -> memref<1x1024xf32, #tpu.memory_space<hbm>>
      %dma_start3A_1541 = arith.constant 0 : i32
      %dma_start3A_1542 = tpu.memref_slice %arg4[%add3A_1535, %dma_start3A_1541] : memref<32768x1024xf32, #tpu.memory_space<hbm>> -> memref<1x1024xf32, #tpu.memory_space<hbm>>
      %dma_start3A_1543 = arith.constant 0 : i32
      %dma_start3A_1544 = arith.constant 0 : i32
      %dma_start3A_1545 = tpu.memref_slice %arg7[%dma_start3A_1543, %dma_start3A_1544] : memref<8x1024xf32, #tpu.memory_space<vmem>> -> memref<1x1024xf32, #tpu.memory_space<vmem>>
      tpu.enqueue_dma source(%dma_start3A_1545 : memref<1x1024xf32, #tpu.memory_space<vmem>>) target(%dma_start3A_1542 : memref<1x1024xf32, #tpu.memory_space<hbm>>) target_semaphore(%arg10 : memref<!tpu.dma_semaphore, #tpu.memory_space<semaphore_mem>>)
    }
    %while3A_1473 = arith.constant 0 : i32
    %while3A_1474 = arith.constant 0 : i32
    %while3A_1475 = arith.subi %select_n3A_1464, %while3A_1474 : i32
    %while3A_1476 = arith.addi %while3A_1474, %while3A_1475 : i32
    %while3A_1477 = arith.constant 1 : i32
    %while3A_1478 = arith.divsi %while3A_1475, %while3A_1477 : i32
    %while3A_1479 = arith.muli %while3A_1478, %while3A_1477 : i32
    %while3A_1480 = arith.addi %while3A_1474, %while3A_1479 : i32
    %while3A_1481 = arith.constant 1 : i32
    scf.for %while3A_1534 = %while3A_1474 to %while3A_1480 step %while3A_1481  : i32 {
      %add3A_1535 = arith.addi %mul3A_36, %min3A_1439 : i32
      %mul3A_1536 = arith.constant 8 : i32
      %mul3A_1537 = arith.muli %mul3A_1536, %while3A_1534 : i32
      %add3A_1538 = arith.addi %add3A_1535, %mul3A_1537 : i32
      %multiple_of3A = tpu.assume_multiple %add3A_1538, 8 : i32
      %dma_start3A_1539 = arith.constant 0 : i32
      %dma_start3A_1540 = tpu.memref_slice %arg4[%multiple_of3A, %dma_start3A_1539] : memref<32768x1024xf32, #tpu.memory_space<hbm>> -> memref<8x1024xf32, #tpu.memory_space<hbm>>
      %dma_start3A_1541 = arith.constant 0 : i32
      %dma_start3A_1542 = tpu.memref_slice %arg4[%multiple_of3A, %dma_start3A_1541] : memref<32768x1024xf32, #tpu.memory_space<hbm>> -> memref<8x1024xf32, #tpu.memory_space<hbm>>
      tpu.enqueue_dma source(%arg7 : memref<8x1024xf32, #tpu.memory_space<vmem>>) target(%dma_start3A_1542 : memref<8x1024xf32, #tpu.memory_space<hbm>>) target_semaphore(%arg10 : memref<!tpu.dma_semaphore, #tpu.memory_space<semaphore_mem>>)
    }
    %while3A_1482 = arith.constant 1 : i32
    scf.for %while3A_1534 = %while3A_1480 to %while3A_1476 step %while3A_1482  : i32 {
      %add3A_1535 = arith.addi %mul3A_36, %min3A_1439 : i32
      %mul3A_1536 = arith.constant 8 : i32
      %mul3A_1537 = arith.muli %mul3A_1536, %while3A_1534 : i32
      %add3A_1538 = arith.addi %add3A_1535, %mul3A_1537 : i32
      %multiple_of3A = tpu.assume_multiple %add3A_1538, 8 : i32
      %dma_start3A_1539 = arith.constant 0 : i32
      %dma_start3A_1540 = tpu.memref_slice %arg4[%multiple_of3A, %dma_start3A_1539] : memref<32768x1024xf32, #tpu.memory_space<hbm>> -> memref<8x1024xf32, #tpu.memory_space<hbm>>
      %dma_start3A_1541 = arith.constant 0 : i32
      %dma_start3A_1542 = tpu.memref_slice %arg4[%multiple_of3A, %dma_start3A_1541] : memref<32768x1024xf32, #tpu.memory_space<hbm>> -> memref<8x1024xf32, #tpu.memory_space<hbm>>
      tpu.enqueue_dma source(%arg7 : memref<8x1024xf32, #tpu.memory_space<vmem>>) target(%dma_start3A_1542 : memref<8x1024xf32, #tpu.memory_space<hbm>>) target_semaphore(%arg10 : memref<!tpu.dma_semaphore, #tpu.memory_space<semaphore_mem>>)
    }
    %sub3A_1483 = arith.subi %add3A_34, %min3A : i32
    %add3A_1484 = arith.addi %scan3A_1409#1, %sub3A_1483 : i32
    %sub3A_1485 = arith.subi %add3A_1484, %scan3A_1409#3 : i32
    %jit3A_1486 = arith.constant 8 : i32
    %div3A_1487 = arith.divsi %sub3A_1485, %jit3A_1486 : i32
    %sign3A_1488 = arith.constant 0 : i32
    %sign3A_1489 = arith.cmpi sgt, %sub3A_1485, %sign3A_1488 : i32
    %sign3A_1490 = arith.extui %sign3A_1489 : i1 to i32
    %sign3A_1491 = arith.constant 0 : i32
    %sign3A_1492 = arith.cmpi slt, %sub3A_1485, %sign3A_1491 : i32
    %sign3A_1493 = arith.extui %sign3A_1492 : i1 to i32
    %sign3A_1494 = arith.subi %sign3A_1490, %sign3A_1493 : i32
    %sign3A_1495 = arith.constant 0 : i32
    %sign3A_1496 = arith.cmpi sgt, %jit3A_1486, %sign3A_1495 : i32
    %sign3A_1497 = arith.extui %sign3A_1496 : i1 to i32
    %sign3A_1498 = arith.constant 0 : i32
    %sign3A_1499 = arith.cmpi slt, %jit3A_1486, %sign3A_1498 : i32
    %sign3A_1500 = arith.extui %sign3A_1499 : i1 to i32
    %sign3A_1501 = arith.subi %sign3A_1497, %sign3A_1500 : i32
    %ne3A_1502 = arith.cmpi ne, %sign3A_1494, %sign3A_1501 : i32
    %rem3A_1503 = arith.remsi %sub3A_1485, %jit3A_1486 : i32
    %ne3A_1504 = arith.constant 0 : i32
    %ne3A_1505 = arith.cmpi ne, %rem3A_1503, %ne3A_1504 : i32
    %and3A_1506 = arith.andi %ne3A_1502, %ne3A_1505 : i1
    %sub3A_1507 = arith.constant 1 : i32
    %sub3A_1508 = arith.subi %div3A_1487, %sub3A_1507 : i32
    %select_n3A_1509 = arith.select %and3A_1506, %sub3A_1508, %div3A_1487 : i32
    %while3A_1510 = arith.constant 0 : i32
    %while3A_1511 = arith.constant 0 : i32
    %while3A_1512 = arith.subi %select_n3A_1509, %while3A_1511 : i32
    %while3A_1513 = arith.addi %while3A_1511, %while3A_1512 : i32
    %while3A_1514 = arith.constant 1 : i32
    %while3A_1515 = arith.divsi %while3A_1512, %while3A_1514 : i32
    %while3A_1516 = arith.muli %while3A_1515, %while3A_1514 : i32
    %while3A_1517 = arith.addi %while3A_1511, %while3A_1516 : i32
    %while3A_1518 = arith.constant 1 : i32
    scf.for %while3A_1534 = %while3A_1511 to %while3A_1517 step %while3A_1518  : i32 {
      %dma_wait3A = arith.constant 0 : i32
      %dma_wait3A_1535 = arith.constant 0 : i32
      %dma_wait3A_1536 = tpu.memref_slice %arg4[%dma_wait3A, %dma_wait3A_1535] : memref<32768x1024xf32, #tpu.memory_space<hbm>> -> memref<8x1024xf32, #tpu.memory_space<hbm>>
      %dma_wait3A_1537 = arith.constant 0 : i32
      %dma_wait3A_1538 = arith.constant 0 : i32
      %dma_wait3A_1539 = tpu.memref_slice %arg4[%dma_wait3A_1537, %dma_wait3A_1538] : memref<32768x1024xf32, #tpu.memory_space<hbm>> -> memref<8x1024xf32, #tpu.memory_space<hbm>>
      tpu.wait_dma2 semaphore(%arg10 : memref<!tpu.dma_semaphore, #tpu.memory_space<semaphore_mem>>) src(%arg7 : memref<8x1024xf32, #tpu.memory_space<vmem>>) dst(%dma_wait3A_1539 : memref<8x1024xf32, #tpu.memory_space<hbm>>)
    }
    %while3A_1519 = arith.constant 1 : i32
    scf.for %while3A_1534 = %while3A_1517 to %while3A_1513 step %while3A_1519  : i32 {
      %dma_wait3A = arith.constant 0 : i32
      %dma_wait3A_1535 = arith.constant 0 : i32
      %dma_wait3A_1536 = tpu.memref_slice %arg4[%dma_wait3A, %dma_wait3A_1535] : memref<32768x1024xf32, #tpu.memory_space<hbm>> -> memref<8x1024xf32, #tpu.memory_space<hbm>>
      %dma_wait3A_1537 = arith.constant 0 : i32
      %dma_wait3A_1538 = arith.constant 0 : i32
      %dma_wait3A_1539 = tpu.memref_slice %arg4[%dma_wait3A_1537, %dma_wait3A_1538] : memref<32768x1024xf32, #tpu.memory_space<hbm>> -> memref<8x1024xf32, #tpu.memory_space<hbm>>
      tpu.wait_dma2 semaphore(%arg10 : memref<!tpu.dma_semaphore, #tpu.memory_space<semaphore_mem>>) src(%arg7 : memref<8x1024xf32, #tpu.memory_space<vmem>>) dst(%dma_wait3A_1539 : memref<8x1024xf32, #tpu.memory_space<hbm>>)
    }
    %sub3A_1520 = arith.subi %add3A_1484, %scan3A_1409#3 : i32
    %mul3A_1521 = arith.constant 8 : i32
    %mul3A_1522 = arith.muli %select_n3A_1509, %mul3A_1521 : i32
    %sub3A_1523 = arith.subi %sub3A_1520, %mul3A_1522 : i32
    %while3A_1524 = arith.constant 0 : i32
    %while3A_1525 = arith.constant 0 : i32
    %while3A_1526 = arith.subi %sub3A_1523, %while3A_1525 : i32
    %while3A_1527 = arith.addi %while3A_1525, %while3A_1526 : i32
    %while3A_1528 = arith.constant 1 : i32
    %while3A_1529 = arith.divsi %while3A_1526, %while3A_1528 : i32
    %while3A_1530 = arith.muli %while3A_1529, %while3A_1528 : i32
    %while3A_1531 = arith.addi %while3A_1525, %while3A_1530 : i32
    %while3A_1532 = arith.constant 1 : i32
    scf.for %while3A_1534 = %while3A_1525 to %while3A_1531 step %while3A_1532  : i32 {
      %add3A_1535 = arith.constant 0 : i32
      %add3A_1536 = arith.addi %mul3A_36, %add3A_1535 : i32
      %dma_wait3A = arith.constant 0 : i32
      %dma_wait3A_1537 = arith.constant 0 : i32
      %dma_wait3A_1538 = tpu.memref_slice %arg8[%dma_wait3A, %dma_wait3A_1537] : memref<64x1024xf32, #tpu.memory_space<vmem>> -> memref<1x1024xf32, #tpu.memory_space<vmem>>
      %dma_wait3A_1539 = arith.constant 0 : i32
      %dma_wait3A_1540 = tpu.memref_slice %arg4[%add3A_1536, %dma_wait3A_1539] : memref<32768x1024xf32, #tpu.memory_space<hbm>> -> memref<1x1024xf32, #tpu.memory_space<hbm>>
      %dma_wait3A_1541 = arith.constant 0 : i32
      %dma_wait3A_1542 = tpu.memref_slice %arg4[%add3A_1536, %dma_wait3A_1541] : memref<32768x1024xf32, #tpu.memory_space<hbm>> -> memref<1x1024xf32, #tpu.memory_space<hbm>>
      %dma_wait3A_1543 = arith.constant 0 : i32
      %dma_wait3A_1544 = arith.constant 0 : i32
      %dma_wait3A_1545 = tpu.memref_slice %arg8[%dma_wait3A_1543, %dma_wait3A_1544] : memref<64x1024xf32, #tpu.memory_space<vmem>> -> memref<1x1024xf32, #tpu.memory_space<vmem>>
      tpu.wait_dma2 semaphore(%arg10 : memref<!tpu.dma_semaphore, #tpu.memory_space<semaphore_mem>>) src(%dma_wait3A_1545 : memref<1x1024xf32, #tpu.memory_space<vmem>>) dst(%dma_wait3A_1542 : memref<1x1024xf32, #tpu.memory_space<hbm>>)
    }
    %while3A_1533 = arith.constant 1 : i32
    scf.for %while3A_1534 = %while3A_1531 to %while3A_1527 step %while3A_1533  : i32 {
      %add3A_1535 = arith.constant 0 : i32
      %add3A_1536 = arith.addi %mul3A_36, %add3A_1535 : i32
      %dma_wait3A = arith.constant 0 : i32
      %dma_wait3A_1537 = arith.constant 0 : i32
      %dma_wait3A_1538 = tpu.memref_slice %arg8[%dma_wait3A, %dma_wait3A_1537] : memref<64x1024xf32, #tpu.memory_space<vmem>> -> memref<1x1024xf32, #tpu.memory_space<vmem>>
      %dma_wait3A_1539 = arith.constant 0 : i32
      %dma_wait3A_1540 = tpu.memref_slice %arg4[%add3A_1536, %dma_wait3A_1539] : memref<32768x1024xf32, #tpu.memory_space<hbm>> -> memref<1x1024xf32, #tpu.memory_space<hbm>>
      %dma_wait3A_1541 = arith.constant 0 : i32
      %dma_wait3A_1542 = tpu.memref_slice %arg4[%add3A_1536, %dma_wait3A_1541] : memref<32768x1024xf32, #tpu.memory_space<hbm>> -> memref<1x1024xf32, #tpu.memory_space<hbm>>
      %dma_wait3A_1543 = arith.constant 0 : i32
      %dma_wait3A_1544 = arith.constant 0 : i32
      %dma_wait3A_1545 = tpu.memref_slice %arg8[%dma_wait3A_1543, %dma_wait3A_1544] : memref<64x1024xf32, #tpu.memory_space<vmem>> -> memref<1x1024xf32, #tpu.memory_space<vmem>>
      tpu.wait_dma2 semaphore(%arg10 : memref<!tpu.dma_semaphore, #tpu.memory_space<semaphore_mem>>) src(%dma_wait3A_1545 : memref<1x1024xf32, #tpu.memory_space<vmem>>) dst(%dma_wait3A_1542 : memref<1x1024xf32, #tpu.memory_space<hbm>>)
    }
    return
  }
}

module attributes {stable_mosaic.version = 14 : i64} {
  func.func @_tc_body(%arg0: memref<2048x1024xf32, #tpu.memory_space<vmem>>, %arg1: memref<8x256xi32, #tpu.memory_space<vmem>>, %arg2: memref<1024x1024xf32, #tpu.memory_space<vmem>>, %arg3: memref<1x1024xf32, #tpu.memory_space<vmem>>, %arg4: memref<1x1024xf32, #tpu.memory_space<vmem>>, %arg5: memref<1x1024xf32, #tpu.memory_space<vmem>>, %arg6: memref<2056x1024xf32, #tpu.memory_space<vmem>>, %arg7: memref<8x256xi32, #tpu.memory_space<vmem>>) attributes {dimension_semantics = [], scalar_prefetch = 0 : i64, scratch_operands = 0 : i64, tpu.core_type = #tpu.core_type<tc>} {
    %get3A = arith.constant 0 : index
    %get3A_0 = arith.constant 0 : index
    %get3A_1 = vector.load %arg0[%get3A, %get3A_0] : memref<2048x1024xf32, #tpu.memory_space<vmem>>, vector<2048x1024xf32>
    %get3A_2 = arith.constant 0 : index
    %get3A_3 = arith.constant 0 : index
    %get3A_4 = vector.load %arg2[%get3A_2, %get3A_3] : memref<1024x1024xf32, #tpu.memory_space<vmem>>, vector<1024x1024xf32>
    %convert_element_type3A = arith.truncf %get3A_1 : vector<2048x1024xf32> to vector<2048x1024xbf16>
    %convert_element_type3A_5 = arith.truncf %get3A_4 : vector<1024x1024xf32> to vector<1024x1024xbf16>
    %dot_general3A = arith.constant dense<0.000000e+00> : vector<2048x1024xf32>
    %dot_general3A_6 = tpu.matmul %convert_element_type3A, %convert_element_type3A_5, %dot_general3A {dimension_numbers = #tpu.dot_dimension_numbers<[1], [1], [0], [0], [0, 0, 1, 0], [], []>, transpose_lhs_hint = false} : vector<2048x1024xbf16>, vector<1024x1024xbf16>, vector<2048x1024xf32> -> vector<2048x1024xf32>
    %get3A_7 = arith.constant 0 : index
    %get3A_8 = arith.constant 0 : index
    %get3A_9 = vector.load %arg3[%get3A_7, %get3A_8] : memref<1x1024xf32, #tpu.memory_space<vmem>>, vector<1x1024xf32>
    %add3A = vector.broadcast %get3A_9 : vector<1x1024xf32> to vector<2048x1024xf32>
    %add3A_10 = arith.addf %dot_general3A_6, %add3A : vector<2048x1024xf32>
    %reduce_sum3A = arith.constant dense<0.000000e+00> : vector<2048xf32>
    %reduce_sum3A_11 = vector.multi_reduction <add>, %add3A_10, %reduce_sum3A [1] : vector<2048x1024xf32> to vector<2048xf32>
    %broadcast_in_dim3A = vector.shape_cast %reduce_sum3A_11 : vector<2048xf32> to vector<2048x1xf32>
    %div3A = arith.constant 1.024000e+03 : f32
    %div3A_12 = vector.broadcast %div3A : f32 to vector<2048x1xf32>
    %div3A_13 = arith.divf %broadcast_in_dim3A, %div3A_12 : vector<2048x1xf32>
    %sub3A = vector.broadcast %div3A_13 : vector<2048x1xf32> to vector<2048x1024xf32>
    %sub3A_14 = arith.subf %add3A_10, %sub3A : vector<2048x1024xf32>
    %mul3A = arith.mulf %sub3A_14, %sub3A_14 : vector<2048x1024xf32>
    %reduce_sum3A_15 = arith.constant dense<0.000000e+00> : vector<2048xf32>
    %reduce_sum3A_16 = vector.multi_reduction <add>, %mul3A, %reduce_sum3A_15 [1] : vector<2048x1024xf32> to vector<2048xf32>
    %broadcast_in_dim3A_17 = vector.shape_cast %reduce_sum3A_16 : vector<2048xf32> to vector<2048x1xf32>
    %div3A_18 = arith.constant 1.024000e+03 : f32
    %div3A_19 = vector.broadcast %div3A_18 : f32 to vector<2048x1xf32>
    %div3A_20 = arith.divf %broadcast_in_dim3A_17, %div3A_19 : vector<2048x1xf32>
    %add3A_21 = arith.constant 9.99999974E-6 : f32
    %add3A_22 = vector.broadcast %add3A_21 : f32 to vector<2048x1xf32>
    %add3A_23 = arith.addf %div3A_20, %add3A_22 : vector<2048x1xf32>
    %rsqrt3A = math.rsqrt %add3A_23 : vector<2048x1xf32>
    %mul3A_24 = vector.broadcast %rsqrt3A : vector<2048x1xf32> to vector<2048x1024xf32>
    %mul3A_25 = arith.mulf %sub3A_14, %mul3A_24 : vector<2048x1024xf32>
    %get3A_26 = arith.constant 0 : index
    %get3A_27 = arith.constant 0 : index
    %get3A_28 = vector.load %arg4[%get3A_26, %get3A_27] : memref<1x1024xf32, #tpu.memory_space<vmem>>, vector<1x1024xf32>
    %mul3A_29 = vector.broadcast %get3A_28 : vector<1x1024xf32> to vector<2048x1024xf32>
    %mul3A_30 = arith.mulf %mul3A_25, %mul3A_29 : vector<2048x1024xf32>
    %get3A_31 = arith.constant 0 : index
    %get3A_32 = arith.constant 0 : index
    %get3A_33 = vector.load %arg5[%get3A_31, %get3A_32] : memref<1x1024xf32, #tpu.memory_space<vmem>>, vector<1x1024xf32>
    %add3A_34 = vector.broadcast %get3A_33 : vector<1x1024xf32> to vector<2048x1024xf32>
    %add3A_35 = arith.addf %mul3A_30, %add3A_34 : vector<2048x1024xf32>
    %swap3A = arith.constant 0 : index
    %swap3A_36 = arith.constant 0 : index
    %swap3A_37 = vector.load %arg6[%swap3A, %swap3A_36] : memref<2056x1024xf32, #tpu.memory_space<vmem>>, vector<2048x1024xf32>
    tpu.vector_store %arg6[%swap3A, %swap3A_36], %add3A_35 {strides = array<i32>} : memref<2056x1024xf32, #tpu.memory_space<vmem>>, vector<2048x1024xf32>,
    %get3A_38 = arith.constant 0 : index
    %get3A_39 = arith.constant 0 : index
    %get3A_40 = vector.load %arg5[%get3A_38, %get3A_39] : memref<1x1024xf32, #tpu.memory_space<vmem>>, vector<1x1024xf32>
    %broadcast_in_dim3A_41 = vector.shape_cast %get3A_40 : vector<1x1024xf32> to vector<1x1024xf32>
    %broadcast_in_dim3A_42 = vector.broadcast %broadcast_in_dim3A_41 : vector<1x1024xf32> to vector<8x1024xf32>
    %swap3A_43 = arith.constant 2048 : index
    %swap3A_44 = arith.constant 0 : index
    %swap3A_45 = vector.load %arg6[%swap3A_43, %swap3A_44] : memref<2056x1024xf32, #tpu.memory_space<vmem>>, vector<8x1024xf32>
    tpu.vector_store %arg6[%swap3A_43, %swap3A_44], %broadcast_in_dim3A_42 {strides = array<i32>} : memref<2056x1024xf32, #tpu.memory_space<vmem>>, vector<8x1024xf32>,
    %get3A_46 = arith.constant 0 : index
    %get3A_47 = arith.constant 0 : index
    %get3A_48 = vector.load %arg1[%get3A_46, %get3A_47] : memref<8x256xi32, #tpu.memory_space<vmem>>, vector<8x256xi32>
    %convert_element_type3A_49 = arith.sitofp %get3A_48 : vector<8x256xi32> to vector<8x256xf32>
    %iota3A = tpu.iota {dimensions = array<i32: 0>} : vector<256x256xi32>
    %iota3A_50 = tpu.iota {dimensions = array<i32: 1>} : vector<256x256xi32>
    %le3A = arith.cmpi sle, %iota3A, %iota3A_50 : vector<256x256xi32>
    %convert_element_type3A_51 = arith.extui %le3A : vector<256x256xi1> to vector<256x256xi32>
    %convert_element_type3A_52 = arith.sitofp %convert_element_type3A_51 : vector<256x256xi32> to vector<256x256xf32>
    %dot_general3A_53 = arith.constant dense<0.000000e+00> : vector<8x256xf32>
    %dot_general3A_54 = tpu.matmul %convert_element_type3A_49, %convert_element_type3A_52, %dot_general3A_53 {dimension_numbers = #tpu.dot_dimension_numbers<[1], [0], [0], [1], [0, 0, 1, 1], [], []>, transpose_lhs_hint = false} : vector<8x256xf32>, vector<256x256xf32>, vector<8x256xf32> -> vector<8x256xf32>
    %convert_element_type3A_55 = arith.fptosi %dot_general3A_54 : vector<8x256xf32> to vector<8x256xi32>
    %swap3A_56 = arith.constant 0 : index
    %swap3A_57 = arith.constant 0 : index
    %swap3A_58 = vector.load %arg7[%swap3A_56, %swap3A_57] : memref<8x256xi32, #tpu.memory_space<vmem>>, vector<8x256xi32>
    tpu.vector_store %arg7[%swap3A_56, %swap3A_57], %convert_element_type3A_55 {strides = array<i32>} : memref<8x256xi32, #tpu.memory_space<vmem>>, vector<8x256xi32>,
    return
  }
}

</mosaic_0001>

<sc_bundles>
// kernel: kernel.4.cloned.1.call-start
scs
__scs_entry_jumppad:
0x0: {  	(pc) =	sbr.rel $0x88, $3  }
0x1: {  	(tag) =	ssettag $0x0;
	lr =	simm.s32 $0x1  }
0x2: {  	[smem:$0x3F9B] =	sst lr;
	_ =	strace $0xD0000000  }
0x3: {  	_ = 	snop  }
0x4: {  	_ = 	snop  }
0x5: {  	_ = 	snop  }
0x6: {  	_ = 	snop  }
0x7: {  	_ = 	snop  }
__scs_overlays_trampoline_lowered:
0x8: {  	[smem:$0x3FAA] =	sst s0  }
0x9: {  	[smem:$0x3FAB] =	sst s1  }
0xa: {  	[smem:$0x3FAC] =	sst s2  }
0xb: {  	[smem:$0x3FAD] =	sst s3  }
0xc: {  	[smem:$0x3FAE] =	sst s4  }
0xd: {  	[smem:$0x3FAF] =	sst s5  }
0xe: {  	[smem:$0x3FB0] =	sst s6  }
0xf: {  	[smem:$0x3FB1] =	sst s7  }
0x10: {  	[smem:$0x3FB2] =	sst s8  }
0x11: {  	[smem:$0x3FB3] =	sst s9;
	s0 =	simm.s32 @!p0 $0x0  }
0x12: {  	s1 =	sld [smem:$0x3F99];
	s0 =	simm.s32 @p0 $0x1  }
0x13: {  	[smem:$0x3FB4] =	sst s0;
	s0 =	simm.s32 @!p1 $0x0  }
0x14: {  	s2 =	sld [smem:$0x3F98];
	s0 =	simm.s32 @p1 $0x1  }
0x15: {  	[smem:$0x3FB5] =	sst s0;
	s0 =	simm.s32 @!p2 $0x0  }
0x16: {  	s3 =	sld [smem:$0x3FDB];
	s0 =	simm.s32 @p2 $0x1  }
0x17: {  	s4 =	simm.s32 $0x1BF5;
	[smem:$0x3FB7] =	sst s0  }
0x18: {  	s0 =	sld [smem:$0x3F9A];
	_ =	swait.ge [sflag:s4], $0x0  }
0x19: {  	s7 =	sld [smem:$0x3F9B]  }
0x1a: {  	s8 =	sadd.s32 $0xFFFFE003, lr  }
0x1b: {  	s9 =	sadd.s32 $0xFFFFFEF7, lr;
	s5 =	simm.s32 $0xFFFFFFFF;
	p2 =	slt.u32 s8, $0xFFFFF086  }
0x1c: {  	p1 =	slt.u32 s9, $0xF7A;
	s5 =	simm.s32 @!p2 $0x0  }
0x1d: {  	s5 =	simm.s32 @p1 $0x1;
	p0 =	seq.s32 s7, s2  }
0x1e: {  	s7 =	smul.u32 @!p0 $0xF7A, s2;
	p2 =	seq.s32 @!p0 s5, $0x0  }
0x1f: {  	s9 =	smul.u32 $0xF7A, s1;
	s8 =	simm.s32 @!p0 $0x1BF5;
	p2 =	por !p2, p0  }
0x20: {  	[sflag:s8] =	ssyncset.s32 @!p0 $0xFFFFF086;
	s6 =	sadd.s32 @!p0 s3, s7;
	s7 =	simm.s32 @!p0 $0x108  }
0x21: {  	s3 =	sadd.s32 s3, s9;
	s6 =	sadd.s32 @!p0 $0x88, s6;
	s7 =	simm.s32 @p2 $0x1082  }
0x22: {  	[simem:s7], [sflag:s8] =	dma.local @!p0 [hbm:s6], $0xF7A  }
0x23: {  	s9 =	sor.u32 $0xD0000000, s2;
	s6 =	simm.s32 $0x108;
	_ =	swait.ge @!p0 [sflag:s8], $0x0  }
0x24: {  	s3 =	sadd.s32 $0x88, s3;
	s6 =	simm.s32 @!p1 $0x1082;
	[sflag:s4] =	ssyncset.s32 $0xFFFFF086  }
0x25: {  	[simem:s6], [sflag:s4] =	dma.local [hbm:s3], $0xF7A  }
0x26: {  	[smem:$0x3F9B] =	sst s1;
	(tag) =	ssettag s2;
	_ =	strace s9  }
0x27: {  	s1 =	sld [smem:$0x3FAB]  }
0x28: {  	s2 =	sld [smem:$0x3FAC]  }
0x29: {  	s4 =	sld [smem:$0x3FAE]  }
0x2a: {  	p0 =	seq.s32 s5, $0x0;
	s5 =	sld [smem:$0x3FAF]  }
0x2b: {  	s6 =	sld [smem:$0x3FB0]  }
0x2c: {  	s7 =	sld [smem:$0x3FB1]  }
0x2d: {  	s3 =	simm.s32 $0x108;
	s8 =	sld [smem:$0x3FB2]  }
0x2e: {  	s3 =	simm.s32 @!p0 $0x1082;
	s9 =	sld [smem:$0x3FB3]  }
0x2f: {  	lr =	sadd.s32 s0, s3;
	s0 =	sld [smem:$0x3FAA]  }
0x30: {  	s3 =	sld [smem:$0x3FAD]  }
0x31: {  	[smem:$0x3FB6] =	sst s10  }
0x32: {  	s10 =	sld [smem:$0x3FB4];
	_ =	sdelay $0x3  }
0x33: {  	p0 =	seq.s32 s10, $0x1;
	s10 =	sld [smem:$0x3FB6];
	_ =	sdelay $0x3  }
0x34: {  	[smem:$0x3FB6] =	sst s10  }
0x35: {  	s10 =	sld [smem:$0x3FB5];
	_ =	sdelay $0x3  }
0x36: {  	p1 =	seq.s32 s10, $0x1;
	s10 =	sld [smem:$0x3FB6];
	_ =	sdelay $0x3  }
0x37: {  	[smem:$0x3FB6] =	sst s10  }
0x38: {  	s10 =	sld [smem:$0x3FB7]  }
0x39: {  	_ = 	snop;
	(pc) =	sbr.ind lr, $3  }
0x3a: {  	_ = 	snop  }
0x3b: {  	_ = 	snop  }
0x3c: {  	p2 =	seq.s32 s10, $0x1;
	s10 =	sld [smem:$0x3FB6]  }
0x3d: {  	_ =	shalt  }
0x3e: {  	_ =	shalt  }
0x3f: {  	_ =	shalt  }
0x40: {  	_ =	shalt  }
0x41: {  	_ =	shalt  }
0x42: {  	_ =	shalt  }
0x43: {  	_ =	shalt  }
0x44: {  	_ =	shalt  }
0x45: {  	_ =	shalt  }
0x46: {  	_ =	shalt  }
0x47: {  	_ =	shalt  }
0x48: {  	_ =	shalt  }
0x49: {  	_ =	shalt  }
0x4a: {  	_ =	shalt  }
0x4b: {  	_ =	shalt  }
0x4c: {  	_ =	shalt  }
0x4d: {  	_ =	shalt  }
0x4e: {  	_ =	shalt  }
0x4f: {  	_ =	shalt  }
0x50: {  	_ =	shalt  }
0x51: {  	_ =	shalt  }
0x52: {  	_ =	shalt  }
0x53: {  	_ =	shalt  }
0x54: {  	_ =	shalt  }
0x55: {  	_ =	shalt  }
0x56: {  	_ =	shalt  }
0x57: {  	_ =	shalt  }
0x58: {  	_ =	shalt  }
0x59: {  	_ =	shalt  }
0x5a: {  	_ =	shalt  }
0x5b: {  	_ =	shalt  }
0x5c: {  	_ =	shalt  }
0x5d: {  	_ =	shalt  }
0x5e: {  	_ =	shalt  }
0x5f: {  	_ =	shalt  }
0x60: {  	_ =	shalt  }
0x61: {  	_ =	shalt  }
0x62: {  	_ =	shalt  }
0x63: {  	_ =	shalt  }
0x64: {  	_ =	shalt  }
0x65: {  	_ =	shalt  }
0x66: {  	_ =	shalt  }
0x67: {  	_ =	shalt  }
0x68: {  	_ =	shalt  }
0x69: {  	_ =	shalt  }
0x6a: {  	_ =	shalt  }
0x6b: {  	_ =	shalt  }
0x6c: {  	_ =	shalt  }
0x6d: {  	_ =	shalt  }
0x6e: {  	_ =	shalt  }
0x6f: {  	_ =	shalt  }
0x70: {  	_ =	shalt  }
0x71: {  	_ =	shalt  }
0x72: {  	_ =	shalt  }
0x73: {  	_ =	shalt  }
0x74: {  	_ =	shalt  }
0x75: {  	_ =	shalt  }
0x76: {  	_ =	shalt  }
0x77: {  	_ =	shalt  }
0x78: {  	_ =	shalt  }
0x79: {  	_ =	shalt  }
0x7a: {  	_ =	shalt  }
0x7b: {  	_ =	shalt  }
0x7c: {  	_ =	shalt  }
0x7d: {  	_ =	shalt  }
0x7e: {  	_ =	shalt  }
0x7f: {  	_ =	shalt  }
0x80: {  	_ =	shalt  }
0x81: {  	_ =	shalt  }
0x82: {  	_ =	shalt  }
0x83: {  	_ =	shalt  }
0x84: {  	_ =	shalt  }
0x85: {  	_ =	shalt  }
0x86: {  	_ =	shalt  }
0x87: {  	_ =	shalt  }
.Lfunc_end0:
.L_simem_size_0:
called_computation_lowered:
.L_overlay_start_0:
0x88: {  	s2 =	sld [smem:$0x3FD9]  }
0x89: {  	s3 =	sld [smem:$0x3FFE];
	_ =	sdelay $0x1  }
0x8a: {  	s1 =	srdreg.scid  }
0x8b: {  	s0 =	sand.u32 $0x1, s1  }
0x8c: {  	s17 =	sshll.u32 s0, $0xA;
	s2 =	sadd.s32 s3, s2  }
0x8d: {  	s2 =	sadd.s32 s2, s17  }
0x8e: {  	[smem:$0x3FC2] =	sst s2  }
0x8f: {  	_ = 	snop  }
0x90: {  	s2 =	sld [smem:$0x3FD0];
	(tm) =	ssettm $0x1  }
0x91: {  	s18 =	sld [smem:$0x3FFB];
	_ =	sdelay $0x3  }
0x92: {  	_ =	strace s18  }
0x93: {  	s3 =	sld [smem:$0x3FFC];
	_ =	sdelay $0x3  }
0x94: {  	_ =	strace s3  }
0x95: {  	s3 =	sld [smem:$0x3FFD];
	_ =	sdelay $0x3  }
0x96: {  	_ =	strace s3  }
0x97: {  	_ =	strace $0x8FFFFFFF  }
0x98: {  	s19 =	sld [smem:$0x3FDB];
	_ =	sdelay $0x1  }
0x99: {  	s4 =	simm.s32 $_scs_section_size  }
0x9a: {  	s5 =	simm.s32 $_size__tile_overlayer_lowered;
	s6 =	simm.s32 $_tile_overlayer_lowered  }
0x9b: {  	s22 =	simm.s32 $0x1BFF;
	s21 =	sshll.u32 s6, $0x1;
	s3 =	sadd.s32 s4, s19  }
0x9c: {  	s7 =	simm.s32 $0x0;
	s20 =	sshll.u32 s5, $0x1;
	s5 =	sadd.s32 s21, s3  }
0x9d: {  	[timem:s7], [sflag:s22] =	dma.local [hbm:s5], s20  }
0x9e: {  	_ =	swait.ge [sflag:s22], s20  }
0x9f: {  	s4 =	ssub.s32 $0x0, s20;
	[sflag:s22] =	ssyncset.done $0x0  }
0xa0: {  	[sflag:s22] =	ssyncadd.s32 s4;
	_ =	sdelay $0x1  }
0xa1: {  	s23 =	simm.s32 $0x1B8B  }
0xa2: {  	_ =	swait.ge [sflag:s23], $0x1  }
0xa3: {  	[sflag:s23] =	ssyncset.done $0x0  }
0xa4: {  	s25 =	simm.s32 $0x1B8E;
	s24 =	sld [smem:$0x3FFE];
	[sflag:s23] =	ssyncadd.s32 $0xFFFFFFFF  }
0xa5: {  	s26 =	simm.s32 $execute0_lowered;
	[smem:$0x3FD2] =	sst s25  }
0xa6: {  	s5 =	sshll.u32 s26, $0x1;
	_ =	strace $0x80000046;
	[dreg:$0x1] =	wrdreg $0xFFFFFFFF  }
0xa7: {  	s28 =	simm.s32 $_size_execute0_lowered;
	s3 =	sadd.s32 s3, s5;
	[dreg:$0x0] =	wrdreg $0x0  }
0xa8: {  	s5 =	sshll.u32 s28, $0x1;
	[dreg:$0x2] =	wrdreg s3  }
0xa9: {  	[dreg:$0x3] =	wrdreg s5  }
0xaa: {  	[dreg:$0x4] =	wrdreg $0xC0  }
0xab: {  	_ =	task [dreg:s7], $0x5FFFF  }
0xac: {  	[dreg:$0x1] =	wrdreg $0xFFFFFFFF  }
0xad: {  	[dreg:$0x0] =	wrdreg $0x60  }
0xae: {  	[dreg:$0x2] =	wrdreg s24  }
0xaf: {  	[dreg:$0x3] =	wrdreg s2  }
0xb0: {  	[dreg:$0x4] =	wrdreg $0x9  }
0xb1: {  	_ =	task.clear_ibuf [dreg:s7], $0x5FFFF;
	_ =	strace $0x90000046  }
0xb2: {  	s29 =	simm.s32 $0x9;
	_ =	strace $0x80000048  }
0xb3: {  	_ =	swait.ge [sflag:s29], $0x1  }
0xb4: {  	[sflag:s29] =	ssyncadd.s32 $0xFFFFFFFF  }
0xb5: {  	_ =	strace $0x90000048  }
0xb6: {  	_ =	sfence  }
0xb7: {  	s30 =	sld [smem:$0x0];
	_ =	sdelay $0x2  }
0xb8: {  	s31 =	sshll.u32 s1, $0xD;
	s1 =	sshrl.u32 s1, $0x2  }
0xb9: {  	s3 =	sand.u32 $0x4000, s31;
	s1 =	sadd.s32 s1, s30  }
0xba: {  	s0 =	sor.u32 s3, s0;
	s1 =	sshll.u32 s1, $0x11  }
0xbb: {  	s0 =	sor.u32 s1, s0  }
0xbc: {  	s0 =	sadd.s32 $0x8F2B, s0  }
0xbd: {  	[sflag:s0] =	ssyncadd.remote.s32 $0x1  }
0xbe: {  	_ =	sfence.sel $0xFFFF  }
0xbf: {  	[dreg:$0x0] =	wrdreg $0xFFFFFFFF;
	(pc) =	sbr.abs _section_cstart, $3  }
0xc0: {  	[dreg:$0x1] =	wrdreg $0xFFFFFFFF  }
0xc1: {  	_ =	task.clear_ibuf [dreg:s7], $0x2FFFF;
	_ =	strace $0x9FFFFFFF  }
0xc2: {  	(tm) =	ssettm $0x7FFFFFFF  }
0xc3: {  	_ =	shalt  }
tec
execute0_lowered:
.L_overlay_start_1:
0x0: {  	(tag) =	ssettag $0x1  }
0x1: {  	s0 =	rddreg [dreg:$0x0]  }
0x2: {  	s1 =	rddreg [dreg:$0x1];
	s3 =	simm.s32 $0x0;
	s10 =	stileid.u32  }
0x3: {  	s4 =	srdreg.scid;
	[smem:$0x7FF] =	sst s3;
	s2 =	sshrl.u32 s10, $0x1  }
0x4: {  	s5 =	sshll.u32 s10, $0x1;
	s4 =	sand.u32 $0x1, s4;
	s29 =	sshll.u32 s10, $0xB  }
0x5: {  	_ =	strace $0x80000047;
	s6 =	sshll.u32 s2, $0xF;
	s5 =	sand.u32 $0x2, s5  }
0x6: {  	s8 =	sshll.u32 s2, $0x4;
	s25 =	sshll.u32 s2, $0xC;
	s2 =	sshll.u32 s2, $0x16  }
0x7: {  	s6 =	sadd.s32 s6, s0;
	s5 =	sor.u32 s4, s5;
	[dreg:$0x5] =	wrdreg s25  }
0x8: {  	s23 =	sadd.s32 s8, s0;
	s0 =	sadd.s32 $0x41600, s0;
	[dreg:$0xc] =	wrdreg s2  }
0x9: {  	s7 =	ssub.s32 $0x2, s4;
	s11 =	sshll.u32 s5, $0xA;
	[dreg:$0x7] =	wrdreg s0  }
0xa: {  	s9 =	sshrl.u32 s7, $0x1;
	s5 =	sadd.s32 $0x41A00, s23;
	[dreg:$0x3] =	wrdreg s11  }
0xb: {  	s4 =	sshll.u32 s4, $0xA;
	s26 =	sadd.s32 $0x1600, s6;
	[dreg:$0x6] =	wrdreg s5  }
0xc: {  	s7 =	ssub.s32 s7, s9;
	s28 =	sadd.s32 $0x1E00, s6;
	[dreg:$0x8] =	wrdreg s26  }
.Ltmp0:
0xd: {  	s30 =	sadd.s32 $0x2600, s6;
	[dreg:$0x9] =	wrdreg s28;
	(pc) =	sbr.rel .LBB2_1-.Ltmp0, $4  }
0xe: {  	s0 =	sand.u32 $0x800, s29;
	s24 =	sadd.s32 $0x400, s11;
	[dreg:$0xa] =	wrdreg s30  }
0xf: {  	s31 =	smax.u32 s7, $0x1;
	s0 =	sor.u32 s4, s0;
	[dreg:$0x4] =	wrdreg s24  }
0x10: {  	s23 =	simm.s32 $0x2;
	[dreg:$0xb] =	wrdreg s31;
	s0 =	sadd.s32 $0x400, s0  }
0x11: {  	s11 =	simm.s32 $0x100;
	s4 =	simm.s32 $0x0;
	[dreg:$0xd] =	wrdreg s0  }
.LBB2_39:
0x12: {  	[sflag:s23] =	ssyncadd.s32 $0xFFFFFC00;
	s4 =	rddreg [dreg:$0xe]  }
.LBB2_40:
0x13: {  	s4 =	sadd.s32 $0x1, s4;
	s0 =	rddreg [dreg:$0xb]  }
0x14: {  	p0 =	sne.s32 s4, s0  }
.Ltmp1:
0x15: {  	_ = 	snop;
	(pc) =	sbr.rel @!p0 .LBB2_41-.Ltmp1, $1  }
0x16: {  	_ =	sdelay $0x3  }
.LBB2_1:
0x17: {  	[dreg:$0xe] =	wrdreg s4  }
0x18: {  	s0 =	rddreg [dreg:$0x6]  }
0x19: {  	s2 =	simm.s32 $0x80;
	s8 =	simm.s32 $0x400;
	s9 =	simm.s32 $0x3  }
0x1a: {  	[tilespmem:s3], [sflag:$0x3] =	stream.strided.gather [hbm4b:s0+s2], $0x100, s8, s2, $0x38;
	[tilespmem:$0x12100] =	vst v63  }
0x1b: {  	_ =	swait.ge [sflag:s9], $0x100  }
0x1c: {  	[sflag:s9] =	ssyncset.done $0x0  }
0x1d: {  	s10 =	rddreg [dreg:$0x7];
	[sflag:s9] =	ssyncadd.s32 $0xFFFFFF00  }
0x1e: {  	[tilespmem:s11], [sflag:$0x3] =	stream.linear.gather [hbm4b:s10+s3], $0x2000, $0x38;
	[tilespmem:$0x12100] =	vst v63  }
0x1f: {  	_ =	swait.ge [sflag:s9], $0x2000  }
0x20: {  	[sflag:s9] =	ssyncset.done $0x0  }
0x21: {  	[sflag:s9] =	ssyncadd.s32 $0xFFFFE000  }
0x22: {  	v0 =	vld [tilespmem:$0x0];
	_ =	sdelay $0x4  }
0x23: {  	(v2sf) =	vpush v0, $0x0  }
0x24: {  	(v2sf) =	vpush v0, $0x1  }
0x25: {  	(v2sf) =	vpush v0, $0x2  }
0x26: {  	(v2sf) =	vpush v0, $0x3  }
0x27: {  	(v2sf) =	vpush v0, $0x4  }
0x28: {  	(v2sf) =	vpush v0, $0x5  }
0x29: {  	(v2sf) =	vpush v0, $0x6  }
0x2a: {  	(v2sf) =	vpush v0, $0x7  }
0x2b: {  	(v2sf) =	vpush v0, $0x8  }
0x2c: {  	(v2sf) =	vpush v0, $0x9  }
0x2d: {  	(v2sf) =	vpush v0, $0xA  }
0x2e: {  	v1 =	vld [tilespmem:$0x10];
	(v2sf) =	vpush v0, $0xB  }
0x2f: {  	(v2sf) =	vpush v0, $0xC  }
0x30: {  	(v2sf) =	vpush v0, $0xD  }
0x31: {  	(v2sf) =	vpush v0, $0xE  }
0x32: {  	s11 =	spop (v2sf);
	(v2sf) =	vpush v0, $0xF  }
0x33: {  	[smem:$0x0] =	sst s11;
	s12 =	spop (v2sf);
	(v2sf) =	vpush v1, $0x0  }
0x34: {  	[smem:$0x1] =	sst s12;
	s13 =	spop (v2sf);
	(v2sf) =	vpush v1, $0x1  }
0x35: {  	[smem:$0x2] =	sst s13;
	s14 =	spop (v2sf);
	(v2sf) =	vpush v1, $0x2  }
0x36: {  	[smem:$0x3] =	sst s14;
	s15 =	spop (v2sf);
	(v2sf) =	vpush v1, $0x3  }
0x37: {  	[smem:$0x4] =	sst s15;
	s16 =	spop (v2sf);
	(v2sf) =	vpush v1, $0x4  }
0x38: {  	[smem:$0x5] =	sst s16;
	s17 =	spop (v2sf);
	(v2sf) =	vpush v1, $0x5  }
0x39: {  	[smem:$0x6] =	sst s17;
	s18 =	spop (v2sf);
	(v2sf) =	vpush v1, $0x6  }
0x3a: {  	[smem:$0x7] =	sst s18;
	s19 =	spop (v2sf);
	(v2sf) =	vpush v1, $0x7  }
0x3b: {  	[smem:$0x8] =	sst s19;
	s20 =	spop (v2sf);
	(v2sf) =	vpush v1, $0x8  }
0x3c: {  	[smem:$0x9] =	sst s20;
	s21 =	spop (v2sf);
	(v2sf) =	vpush v1, $0x9  }
0x3d: {  	[smem:$0xA] =	sst s21;
	s22 =	spop (v2sf);
	(v2sf) =	vpush v1, $0xA  }
0x3e: {  	v51 =	vld [tilespmem:$0x20];
	[smem:$0xB] =	sst s22;
	s24 =	spop (v2sf);
	(v2sf) =	vpush v1, $0xB  }
0x3f: {  	[smem:$0xC] =	sst s24;
	s25 =	spop (v2sf);
	(v2sf) =	vpush v1, $0xC  }
0x40: {  	[smem:$0xD] =	sst s25;
	s26 =	spop (v2sf);
	(v2sf) =	vpush v1, $0xD  }
0x41: {  	[smem:$0xE] =	sst s26;
	s28 =	spop (v2sf);
	(v2sf) =	vpush v1, $0xE  }
0x42: {  	[smem:$0xF] =	sst s28;
	s29 =	spop (v2sf);
	(v2sf) =	vpush v1, $0xF  }
0x43: {  	[smem:$0x10] =	sst s29;
	s30 =	spop (v2sf);
	(v2sf) =	vpush v51, $0x0  }
0x44: {  	[smem:$0x11] =	sst s30;
	s31 =	spop (v2sf);
	(v2sf) =	vpush v51, $0x1  }
0x45: {  	[smem:$0x12] =	sst s31;
	s2 =	spop (v2sf);
	(v2sf) =	vpush v51, $0x2  }
0x46: {  	[smem:$0x13] =	sst s2;
	s4 =	spop (v2sf);
	(v2sf) =	vpush v51, $0x3  }
0x47: {  	[smem:$0x14] =	sst s4;
	s5 =	spop (v2sf);
	(v2sf) =	vpush v51, $0x4  }
0x48: {  	[smem:$0x15] =	sst s5;
	s6 =	spop (v2sf);
	(v2sf) =	vpush v51, $0x5  }
0x49: {  	[smem:$0x16] =	sst s6;
	s7 =	spop (v2sf);
	(v2sf) =	vpush v51, $0x6  }
0x4a: {  	[smem:$0x17] =	sst s7;
	s8 =	spop (v2sf);
	(v2sf) =	vpush v51, $0x7  }
0x4b: {  	[smem:$0x18] =	sst s8;
	s9 =	spop (v2sf);
	(v2sf) =	vpush v51, $0x8  }
0x4c: {  	[smem:$0x19] =	sst s9;
	s10 =	spop (v2sf);
	(v2sf) =	vpush v51, $0x9  }
0x4d: {  	[smem:$0x1A] =	sst s10;
	s11 =	spop (v2sf);
	(v2sf) =	vpush v51, $0xA  }
0x4e: {  	v52 =	vld [tilespmem:$0x30];
	[smem:$0x1B] =	sst s11;
	s12 =	spop (v2sf);
	(v2sf) =	vpush v51, $0xB  }
0x4f: {  	[smem:$0x1C] =	sst s12;
	s13 =	spop (v2sf);
	(v2sf) =	vpush v51, $0xC  }
0x50: {  	[smem:$0x1D] =	sst s13;
	s14 =	spop (v2sf);
	(v2sf) =	vpush v51, $0xD  }
0x51: {  	[smem:$0x1E] =	sst s14;
	s15 =	spop (v2sf);
	(v2sf) =	vpush v51, $0xE  }
0x52: {  	[smem:$0x1F] =	sst s15;
	s16 =	spop (v2sf);
	(v2sf) =	vpush v51, $0xF  }
0x53: {  	[smem:$0x20] =	sst s16;
	s17 =	spop (v2sf);
	(v2sf) =	vpush v52, $0x0  }
0x54: {  	[smem:$0x21] =	sst s17;
	s18 =	spop (v2sf);
	(v2sf) =	vpush v52, $0x1  }
0x55: {  	[smem:$0x22] =	sst s18;
	s19 =	spop (v2sf);
	(v2sf) =	vpush v52, $0x2  }
0x56: {  	[smem:$0x23] =	sst s19;
	s20 =	spop (v2sf);
	(v2sf) =	vpush v52, $0x3  }
0x57: {  	[smem:$0x24] =	sst s20;
	s21 =	spop (v2sf);
	(v2sf) =	vpush v52, $0x4  }
0x58: {  	[smem:$0x25] =	sst s21;
	s22 =	spop (v2sf);
	(v2sf) =	vpush v52, $0x5  }
0x59: {  	[smem:$0x26] =	sst s22;
	s24 =	spop (v2sf);
	(v2sf) =	vpush v52, $0x6  }
0x5a: {  	[smem:$0x27] =	sst s24;
	s25 =	spop (v2sf);
	(v2sf) =	vpush v52, $0x7  }
0x5b: {  	[smem:$0x28] =	sst s25;
	s26 =	spop (v2sf);
	(v2sf) =	vpush v52, $0x8  }
0x5c: {  	[smem:$0x29] =	sst s26;
	s28 =	spop (v2sf);
	(v2sf) =	vpush v52, $0x9  }
0x5d: {  	[smem:$0x2A] =	sst s28;
	s29 =	spop (v2sf);
	(v2sf) =	vpush v52, $0xA  }
0x5e: {  	v53 =	vld [tilespmem:$0x40];
	[smem:$0x2B] =	sst s29;
	s30 =	spop (v2sf);
	(v2sf) =	vpush v52, $0xB  }
0x5f: {  	[smem:$0x2C] =	sst s30;
	s31 =	spop (v2sf);
	(v2sf) =	vpush v52, $0xC  }
0x60: {  	[smem:$0x2D] =	sst s31;
	s2 =	spop (v2sf);
	(v2sf) =	vpush v52, $0xD  }
0x61: {  	[smem:$0x2E] =	sst s2;
	s4 =	spop (v2sf);
	(v2sf) =	vpush v52, $0xE  }
0x62: {  	[smem:$0x2F] =	sst s4;
	s5 =	spop (v2sf);
	(v2sf) =	vpush v52, $0xF  }
0x63: {  	[smem:$0x30] =	sst s5;
	s6 =	spop (v2sf);
	(v2sf) =	vpush v53, $0x0  }
0x64: {  	[smem:$0x31] =	sst s6;
	s7 =	spop (v2sf);
	(v2sf) =	vpush v53, $0x1  }
0x65: {  	[smem:$0x32] =	sst s7;
	s8 =	spop (v2sf);
	(v2sf) =	vpush v53, $0x2  }
0x66: {  	[smem:$0x33] =	sst s8;
	s9 =	spop (v2sf);
	(v2sf) =	vpush v53, $0x3  }
0x67: {  	[smem:$0x34] =	sst s9;
	s10 =	spop (v2sf);
	(v2sf) =	vpush v53, $0x4  }
0x68: {  	[smem:$0x35] =	sst s10;
	s11 =	spop (v2sf);
	(v2sf) =	vpush v53, $0x5  }
0x69: {  	[smem:$0x36] =	sst s11;
	s12 =	spop (v2sf);
	(v2sf) =	vpush v53, $0x6  }
0x6a: {  	[smem:$0x37] =	sst s12;
	s13 =	spop (v2sf);
	(v2sf) =	vpush v53, $0x7  }
0x6b: {  	[smem:$0x38] =	sst s13;
	s14 =	spop (v2sf);
	(v2sf) =	vpush v53, $0x8  }
0x6c: {  	[smem:$0x39] =	sst s14;
	s15 =	spop (v2sf);
	(v2sf) =	vpush v53, $0x9  }
0x6d: {  	[smem:$0x3A] =	sst s15;
	s16 =	spop (v2sf);
	(v2sf) =	vpush v53, $0xA  }
0x6e: {  	v54 =	vld [tilespmem:$0x50];
	[smem:$0x3B] =	sst s16;
	s17 =	spop (v2sf);
	(v2sf) =	vpush v53, $0xB  }
0x6f: {  	[smem:$0x3C] =	sst s17;
	s18 =	spop (v2sf);
	(v2sf) =	vpush v53, $0xC  }
0x70: {  	[smem:$0x3D] =	sst s18;
	s19 =	spop (v2sf);
	(v2sf) =	vpush v53, $0xD  }
0x71: {  	[smem:$0x3E] =	sst s19;
	s20 =	spop (v2sf);
	(v2sf) =	vpush v53, $0xE  }
0x72: {  	[smem:$0x3F] =	sst s20;
	s21 =	spop (v2sf);
	(v2sf) =	vpush v53, $0xF  }
0x73: {  	[smem:$0x40] =	sst s21;
	s22 =	spop (v2sf);
	(v2sf) =	vpush v54, $0x0  }
0x74: {  	[smem:$0x41] =	sst s22;
	s24 =	spop (v2sf);
	(v2sf) =	vpush v54, $0x1  }
0x75: {  	[smem:$0x42] =	sst s24;
	s25 =	spop (v2sf);
	(v2sf) =	vpush v54, $0x2  }
0x76: {  	[smem:$0x43] =	sst s25;
	s26 =	spop (v2sf);
	(v2sf) =	vpush v54, $0x3  }
0x77: {  	[smem:$0x44] =	sst s26;
	s28 =	spop (v2sf);
	(v2sf) =	vpush v54, $0x4  }
0x78: {  	[smem:$0x45] =	sst s28;
	s29 =	spop (v2sf);
	(v2sf) =	vpush v54, $0x5  }
0x79: {  	[smem:$0x46] =	sst s29;
	s30 =	spop (v2sf);
	(v2sf) =	vpush v54, $0x6  }
0x7a: {  	[smem:$0x47] =	sst s30;
	s31 =	spop (v2sf);
	(v2sf) =	vpush v54, $0x7  }
0x7b: {  	[smem:$0x48] =	sst s31;
	s2 =	spop (v2sf);
	(v2sf) =	vpush v54, $0x8  }
0x7c: {  	[smem:$0x49] =	sst s2;
	s4 =	spop (v2sf);
	(v2sf) =	vpush v54, $0x9  }
0x7d: {  	[smem:$0x4A] =	sst s4;
	s5 =	spop (v2sf);
	(v2sf) =	vpush v54, $0xA  }
0x7e: {  	[smem:$0x4B] =	sst s5;
	s6 =	spop (v2sf);
	(v2sf) =	vpush v54, $0xB  }
0x7f: {  	[smem:$0x4C] =	sst s6;
	s7 =	spop (v2sf);
	(v2sf) =	vpush v54, $0xC  }
0x80: {  	[smem:$0x4D] =	sst s7;
	s8 =	spop (v2sf);
	(v2sf) =	vpush v54, $0xD  }
0x81: {  	[smem:$0x4E] =	sst s8;
	s9 =	spop (v2sf)  }
0x82: {  	[smem:$0x4F] =	sst s9;
	s10 =	spop (v2sf)  }
0x83: {  	[smem:$0x50] =	sst s10;
	s11 =	spop (v2sf)  }
0x84: {  	[smem:$0x51] =	sst s11;
	s12 =	spop (v2sf)  }
0x85: {  	[smem:$0x52] =	sst s12;
	s13 =	spop (v2sf)  }
0x86: {  	[smem:$0x53] =	sst s13;
	s14 =	spop (v2sf)  }
0x87: {  	[smem:$0x54] =	sst s14;
	s15 =	spop (v2sf)  }
0x88: {  	[smem:$0x55] =	sst s15;
	s16 =	spop (v2sf)  }
0x89: {  	[smem:$0x56] =	sst s16;
	s17 =	spop (v2sf)  }
0x8a: {  	[smem:$0x57] =	sst s17;
	s18 =	spop (v2sf)  }
0x8b: {  	[smem:$0x58] =	sst s18;
	s19 =	spop (v2sf)  }
0x8c: {  	[smem:$0x59] =	sst s19;
	s20 =	spop (v2sf)  }
0x8d: {  	v55 =	vld [tilespmem:$0x60];
	[smem:$0x5A] =	sst s20;
	s21 =	spop (v2sf)  }
0x8e: {  	[smem:$0x5B] =	sst s21;
	s22 =	spop (v2sf)  }
0x8f: {  	[smem:$0x5C] =	sst s22;
	s24 =	spop (v2sf)  }
0x90: {  	(v2sf) =	vpush v54, $0xE;
	[smem:$0x5D] =	sst s24  }
0x91: {  	(v2sf) =	vpush v54, $0xF  }
0x92: {  	(v2sf) =	vpush v55, $0x0  }
0x93: {  	(v2sf) =	vpush v55, $0x1  }
0x94: {  	(v2sf) =	vpush v55, $0x2  }
0x95: {  	(v2sf) =	vpush v55, $0x3  }
0x96: {  	(v2sf) =	vpush v55, $0x4  }
0x97: {  	(v2sf) =	vpush v55, $0x5  }
0x98: {  	(v2sf) =	vpush v55, $0x6  }
0x99: {  	(v2sf) =	vpush v55, $0x7  }
0x9a: {  	(v2sf) =	vpush v55, $0x8  }
0x9b: {  	(v2sf) =	vpush v55, $0x9  }
0x9c: {  	(v2sf) =	vpush v55, $0xA  }
0x9d: {  	v1 =	vld [tilespmem:$0x70];
	(v2sf) =	vpush v55, $0xB  }
0x9e: {  	(v2sf) =	vpush v55, $0xC  }
0x9f: {  	s25 =	spop (v2sf);
	(v2sf) =	vpush v55, $0xD  }
0xa0: {  	[smem:$0x5E] =	sst s25;
	s26 =	spop (v2sf);
	(v2sf) =	vpush v55, $0xE  }
0xa1: {  	[smem:$0x5F] =	sst s26;
	s28 =	spop (v2sf);
	(v2sf) =	vpush v55, $0xF  }
0xa2: {  	[smem:$0x60] =	sst s28;
	s29 =	spop (v2sf);
	(v2sf) =	vpush v1, $0x0  }
0xa3: {  	[smem:$0x61] =	sst s29;
	s30 =	spop (v2sf);
	(v2sf) =	vpush v1, $0x1  }
0xa4: {  	[smem:$0x62] =	sst s30;
	s31 =	spop (v2sf);
	(v2sf) =	vpush v1, $0x2  }
0xa5: {  	[smem:$0x63] =	sst s31;
	s2 =	spop (v2sf);
	(v2sf) =	vpush v1, $0x3  }
0xa6: {  	[smem:$0x64] =	sst s2;
	s4 =	spop (v2sf);
	(v2sf) =	vpush v1, $0x4  }
0xa7: {  	[smem:$0x65] =	sst s4;
	s5 =	spop (v2sf);
	(v2sf) =	vpush v1, $0x5  }
0xa8: {  	[smem:$0x66] =	sst s5;
	s6 =	spop (v2sf);
	(v2sf) =	vpush v1, $0x6  }
0xa9: {  	[smem:$0x67] =	sst s6;
	s7 =	spop (v2sf);
	(v2sf) =	vpush v1, $0x7  }
0xaa: {  	[smem:$0x68] =	sst s7;
	s8 =	spop (v2sf);
	(v2sf) =	vpush v1, $0x8  }
0xab: {  	[smem:$0x69] =	sst s8;
	s9 =	spop (v2sf);
	(v2sf) =	vpush v1, $0x9  }
0xac: {  	[smem:$0x6A] =	sst s9;
	s10 =	spop (v2sf);
	(v2sf) =	vpush v1, $0xA  }
0xad: {  	v56 =	vld [tilespmem:$0x80];
	[smem:$0x6B] =	sst s10;
	s11 =	spop (v2sf);
	(v2sf) =	vpush v1, $0xB  }
0xae: {  	[smem:$0x6C] =	sst s11;
	s12 =	spop (v2sf);
	(v2sf) =	vpush v1, $0xC  }
0xaf: {  	[smem:$0x6D] =	sst s12;
	s13 =	spop (v2sf);
	(v2sf) =	vpush v1, $0xD  }
0xb0: {  	[smem:$0x6E] =	sst s13;
	s14 =	spop (v2sf);
	(v2sf) =	vpush v1, $0xE  }
0xb1: {  	[smem:$0x6F] =	sst s14;
	s15 =	spop (v2sf);
	(v2sf) =	vpush v1, $0xF  }
0xb2: {  	[smem:$0x70] =	sst s15;
	s16 =	spop (v2sf);
	(v2sf) =	vpush v56, $0x0  }
0xb3: {  	[smem:$0x71] =	sst s16;
	s17 =	spop (v2sf);
	(v2sf) =	vpush v56, $0x1  }
0xb4: {  	[smem:$0x72] =	sst s17;
	s18 =	spop (v2sf);
	(v2sf) =	vpush v56, $0x2  }
0xb5: {  	[smem:$0x73] =	sst s18;
	s19 =	spop (v2sf);
	(v2sf) =	vpush v56, $0x3  }
0xb6: {  	[smem:$0x74] =	sst s19;
	s20 =	spop (v2sf);
	(v2sf) =	vpush v56, $0x4  }
0xb7: {  	[smem:$0x75] =	sst s20;
	s21 =	spop (v2sf);
	(v2sf) =	vpush v56, $0x5  }
0xb8: {  	[smem:$0x76] =	sst s21;
	s22 =	spop (v2sf);
	(v2sf) =	vpush v56, $0x6  }
0xb9: {  	[smem:$0x77] =	sst s22;
	s24 =	spop (v2sf);
	(v2sf) =	vpush v56, $0x7  }
0xba: {  	[smem:$0x78] =	sst s24;
	s25 =	spop (v2sf);
	(v2sf) =	vpush v56, $0x8  }
0xbb: {  	[smem:$0x79] =	sst s25;
	s26 =	spop (v2sf);
	(v2sf) =	vpush v56, $0x9  }
0xbc: {  	[smem:$0x7A] =	sst s26;
	s28 =	spop (v2sf);
	(v2sf) =	vpush v56, $0xA  }
0xbd: {  	v57 =	vld [tilespmem:$0x90];
	[smem:$0x7B] =	sst s28;
	s29 =	spop (v2sf);
	(v2sf) =	vpush v56, $0xB  }
0xbe: {  	[smem:$0x7C] =	sst s29;
	s30 =	spop (v2sf);
	(v2sf) =	vpush v56, $0xC  }
0xbf: {  	[smem:$0x7D] =	sst s30;
	s31 =	spop (v2sf);
	(v2sf) =	vpush v56, $0xD  }
0xc0: {  	[smem:$0x7E] =	sst s31;
	s2 =	spop (v2sf);
	(v2sf) =	vpush v56, $0xE  }
0xc1: {  	[smem:$0x7F] =	sst s2;
	s4 =	spop (v2sf);
	(v2sf) =	vpush v56, $0xF  }
0xc2: {  	[smem:$0x80] =	sst s4;
	s5 =	spop (v2sf);
	(v2sf) =	vpush v57, $0x0  }
0xc3: {  	[smem:$0x81] =	sst s5;
	s6 =	spop (v2sf);
	(v2sf) =	vpush v57, $0x1  }
0xc4: {  	[smem:$0x82] =	sst s6;
	s7 =	spop (v2sf);
	(v2sf) =	vpush v57, $0x2  }
0xc5: {  	[smem:$0x83] =	sst s7;
	s8 =	spop (v2sf);
	(v2sf) =	vpush v57, $0x3  }
0xc6: {  	[smem:$0x84] =	sst s8;
	s9 =	spop (v2sf);
	(v2sf) =	vpush v57, $0x4  }
0xc7: {  	[smem:$0x85] =	sst s9;
	s10 =	spop (v2sf);
	(v2sf) =	vpush v57, $0x5  }
0xc8: {  	[smem:$0x86] =	sst s10;
	s11 =	spop (v2sf);
	(v2sf) =	vpush v57, $0x6  }
0xc9: {  	[smem:$0x87] =	sst s11;
	s12 =	spop (v2sf);
	(v2sf) =	vpush v57, $0x7  }
0xca: {  	[smem:$0x88] =	sst s12;
	s13 =	spop (v2sf);
	(v2sf) =	vpush v57, $0x8  }
0xcb: {  	[smem:$0x89] =	sst s13;
	s14 =	spop (v2sf);
	(v2sf) =	vpush v57, $0x9  }
0xcc: {  	[smem:$0x8A] =	sst s14;
	s15 =	spop (v2sf);
	(v2sf) =	vpush v57, $0xA  }
0xcd: {  	v58 =	vld [tilespmem:$0xA0];
	[smem:$0x8B] =	sst s15;
	s16 =	spop (v2sf);
	(v2sf) =	vpush v57, $0xB  }
0xce: {  	[smem:$0x8C] =	sst s16;
	s17 =	spop (v2sf);
	(v2sf) =	vpush v57, $0xC  }
0xcf: {  	[smem:$0x8D] =	sst s17;
	s18 =	spop (v2sf);
	(v2sf) =	vpush v57, $0xD  }
0xd0: {  	[smem:$0x8E] =	sst s18;
	s19 =	spop (v2sf);
	(v2sf) =	vpush v57, $0xE  }
0xd1: {  	[smem:$0x8F] =	sst s19;
	s20 =	spop (v2sf);
	(v2sf) =	vpush v57, $0xF  }
0xd2: {  	[smem:$0x90] =	sst s20;
	s21 =	spop (v2sf);
	(v2sf) =	vpush v58, $0x0  }
0xd3: {  	[smem:$0x91] =	sst s21;
	s22 =	spop (v2sf);
	(v2sf) =	vpush v58, $0x1  }
0xd4: {  	[smem:$0x92] =	sst s22;
	s24 =	spop (v2sf);
	(v2sf) =	vpush v58, $0x2  }
0xd5: {  	[smem:$0x93] =	sst s24;
	s25 =	spop (v2sf);
	(v2sf) =	vpush v58, $0x3  }
0xd6: {  	[smem:$0x94] =	sst s25;
	s26 =	spop (v2sf);
	(v2sf) =	vpush v58, $0x4  }
0xd7: {  	[smem:$0x95] =	sst s26;
	s28 =	spop (v2sf);
	(v2sf) =	vpush v58, $0x5  }
0xd8: {  	[smem:$0x96] =	sst s28;
	s29 =	spop (v2sf);
	(v2sf) =	vpush v58, $0x6  }
0xd9: {  	[smem:$0x97] =	sst s29;
	s30 =	spop (v2sf);
	(v2sf) =	vpush v58, $0x7  }
0xda: {  	[smem:$0x98] =	sst s30;
	s31 =	spop (v2sf);
	(v2sf) =	vpush v58, $0x8  }
0xdb: {  	[smem:$0x99] =	sst s31;
	s2 =	spop (v2sf);
	(v2sf) =	vpush v58, $0x9  }
0xdc: {  	[smem:$0x9A] =	sst s2;
	s4 =	spop (v2sf);
	(v2sf) =	vpush v58, $0xA  }
0xdd: {  	v59 =	vld [tilespmem:$0xB0];
	[smem:$0x9B] =	sst s4;
	s5 =	spop (v2sf);
	(v2sf) =	vpush v58, $0xB  }
0xde: {  	[smem:$0x9C] =	sst s5;
	s6 =	spop (v2sf);
	(v2sf) =	vpush v58, $0xC  }
0xdf: {  	[smem:$0x9D] =	sst s6;
	s7 =	spop (v2sf);
	(v2sf) =	vpush v58, $0xD  }
0xe0: {  	[smem:$0x9E] =	sst s7;
	s8 =	spop (v2sf);
	(v2sf) =	vpush v58, $0xE  }
0xe1: {  	[smem:$0x9F] =	sst s8;
	s9 =	spop (v2sf);
	(v2sf) =	vpush v58, $0xF  }
0xe2: {  	[smem:$0xA0] =	sst s9;
	s10 =	spop (v2sf);
	(v2sf) =	vpush v59, $0x0  }
0xe3: {  	[smem:$0xA1] =	sst s10;
	s11 =	spop (v2sf);
	(v2sf) =	vpush v59, $0x1  }
0xe4: {  	[smem:$0xA2] =	sst s11;
	s12 =	spop (v2sf);
	(v2sf) =	vpush v59, $0x2  }
0xe5: {  	[smem:$0xA3] =	sst s12;
	s13 =	spop (v2sf);
	(v2sf) =	vpush v59, $0x3  }
0xe6: {  	[smem:$0xA4] =	sst s13;
	s14 =	spop (v2sf);
	(v2sf) =	vpush v59, $0x4  }
0xe7: {  	[smem:$0xA5] =	sst s14;
	s15 =	spop (v2sf);
	(v2sf) =	vpush v59, $0x5  }
0xe8: {  	[smem:$0xA6] =	sst s15;
	s16 =	spop (v2sf);
	(v2sf) =	vpush v59, $0x6  }
0xe9: {  	[smem:$0xA7] =	sst s16;
	s17 =	spop (v2sf);
	(v2sf) =	vpush v59, $0x7  }
0xea: {  	[smem:$0xA8] =	sst s17;
	s18 =	spop (v2sf);
	(v2sf) =	vpush v59, $0x8  }
0xeb: {  	[smem:$0xA9] =	sst s18;
	s19 =	spop (v2sf);
	(v2sf) =	vpush v59, $0x9  }
0xec: {  	[smem:$0xAA] =	sst s19;
	s20 =	spop (v2sf);
	(v2sf) =	vpush v59, $0xA  }
0xed: {  	v60 =	vld [tilespmem:$0xC0];
	[smem:$0xAB] =	sst s20;
	s21 =	spop (v2sf);
	(v2sf) =	vpush v59, $0xB  }
0xee: {  	[smem:$0xAC] =	sst s21;
	s22 =	spop (v2sf);
	(v2sf) =	vpush v59, $0xC  }
0xef: {  	[smem:$0xAD] =	sst s22;
	s24 =	spop (v2sf);
	(v2sf) =	vpush v59, $0xD  }
0xf0: {  	[smem:$0xAE] =	sst s24;
	s25 =	spop (v2sf);
	(v2sf) =	vpush v59, $0xE  }
0xf1: {  	[smem:$0xAF] =	sst s25;
	s26 =	spop (v2sf);
	(v2sf) =	vpush v59, $0xF  }
0xf2: {  	[smem:$0xB0] =	sst s26;
	s28 =	spop (v2sf);
	(v2sf) =	vpush v60, $0x0  }
0xf3: {  	[smem:$0xB1] =	sst s28;
	s29 =	spop (v2sf);
	(v2sf) =	vpush v60, $0x1  }
0xf4: {  	[smem:$0xB2] =	sst s29;
	s30 =	spop (v2sf);
	(v2sf) =	vpush v60, $0x2  }
0xf5: {  	[smem:$0xB3] =	sst s30;
	s31 =	spop (v2sf);
	(v2sf) =	vpush v60, $0x3  }
0xf6: {  	[smem:$0xB4] =	sst s31;
	s2 =	spop (v2sf);
	(v2sf) =	vpush v60, $0x4  }
0xf7: {  	[smem:$0xB5] =	sst s2;
	s4 =	spop (v2sf);
	(v2sf) =	vpush v60, $0x5  }
0xf8: {  	[smem:$0xB6] =	sst s4;
	s5 =	spop (v2sf);
	(v2sf) =	vpush v60, $0x6  }
0xf9: {  	[smem:$0xB7] =	sst s5;
	s6 =	spop (v2sf);
	(v2sf) =	vpush v60, $0x7  }
0xfa: {  	[smem:$0xB8] =	sst s6;
	s7 =	spop (v2sf);
	(v2sf) =	vpush v60, $0x8  }
0xfb: {  	[smem:$0xB9] =	sst s7;
	s8 =	spop (v2sf);
	(v2sf) =	vpush v60, $0x9  }
0xfc: {  	[smem:$0xBA] =	sst s8;
	s9 =	spop (v2sf);
	(v2sf) =	vpush v60, $0xA  }
0xfd: {  	v61 =	vld [tilespmem:$0xD0];
	[smem:$0xBB] =	sst s9;
	s10 =	spop (v2sf);
	(v2sf) =	vpush v60, $0xB  }
0xfe: {  	[smem:$0xBC] =	sst s10;
	s11 =	spop (v2sf);
	(v2sf) =	vpush v60, $0xC  }
0xff: {  	[smem:$0xBD] =	sst s11;
	s12 =	spop (v2sf);
	(v2sf) =	vpush v60, $0xD  }
0x100: {  	[smem:$0xBE] =	sst s12;
	s13 =	spop (v2sf);
	(v2sf) =	vpush v60, $0xE  }
0x101: {  	[smem:$0xBF] =	sst s13;
	s14 =	spop (v2sf);
	(v2sf) =	vpush v60, $0xF  }
0x102: {  	[smem:$0xC0] =	sst s14;
	s15 =	spop (v2sf);
	(v2sf) =	vpush v61, $0x0  }
0x103: {  	[smem:$0xC1] =	sst s15;
	s16 =	spop (v2sf);
	(v2sf) =	vpush v61, $0x1  }
0x104: {  	[smem:$0xC2] =	sst s16;
	s17 =	spop (v2sf);
	(v2sf) =	vpush v61, $0x2  }
0x105: {  	[smem:$0xC3] =	sst s17;
	s18 =	spop (v2sf);
	(v2sf) =	vpush v61, $0x3  }
0x106: {  	[smem:$0xC4] =	sst s18;
	s19 =	spop (v2sf);
	(v2sf) =	vpush v61, $0x4  }
0x107: {  	[smem:$0xC5] =	sst s19;
	s20 =	spop (v2sf);
	(v2sf) =	vpush v61, $0x5  }
0x108: {  	[smem:$0xC6] =	sst s20;
	s21 =	spop (v2sf);
	(v2sf) =	vpush v61, $0x6  }
0x109: {  	[smem:$0xC7] =	sst s21;
	s22 =	spop (v2sf);
	(v2sf) =	vpush v61, $0x7  }
0x10a: {  	[smem:$0xC8] =	sst s22;
	s24 =	spop (v2sf);
	(v2sf) =	vpush v61, $0x8  }
0x10b: {  	[smem:$0xC9] =	sst s24;
	s25 =	spop (v2sf);
	(v2sf) =	vpush v61, $0x9  }
0x10c: {  	[smem:$0xCA] =	sst s25;
	s26 =	spop (v2sf);
	(v2sf) =	vpush v61, $0xA  }
0x10d: {  	v62 =	vld [tilespmem:$0xE0];
	[smem:$0xCB] =	sst s26;
	s28 =	spop (v2sf);
	(v2sf) =	vpush v61, $0xB  }
0x10e: {  	[smem:$0xCC] =	sst s28;
	s29 =	spop (v2sf);
	(v2sf) =	vpush v61, $0xC  }
0x10f: {  	[smem:$0xCD] =	sst s29;
	s30 =	spop (v2sf);
	(v2sf) =	vpush v61, $0xD  }
0x110: {  	[smem:$0xCE] =	sst s30;
	s31 =	spop (v2sf);
	(v2sf) =	vpush v61, $0xE  }
0x111: {  	[smem:$0xCF] =	sst s31;
	s2 =	spop (v2sf);
	(v2sf) =	vpush v61, $0xF  }
0x112: {  	[smem:$0xD0] =	sst s2;
	s4 =	spop (v2sf);
	(v2sf) =	vpush v62, $0x0  }
0x113: {  	[smem:$0xD1] =	sst s4;
	s5 =	spop (v2sf);
	(v2sf) =	vpush v62, $0x1  }
0x114: {  	[smem:$0xD2] =	sst s5;
	s6 =	spop (v2sf);
	(v2sf) =	vpush v62, $0x2  }
0x115: {  	[smem:$0xD3] =	sst s6;
	s7 =	spop (v2sf);
	(v2sf) =	vpush v62, $0x3  }
0x116: {  	[smem:$0xD4] =	sst s7;
	s8 =	spop (v2sf)  }
0x117: {  	(v2sf) =	vpush v62, $0x4;
	[smem:$0xD5] =	sst s8;
	s9 =	spop (v2sf)  }
0x118: {  	(v2sf) =	vpush v62, $0x5;
	[smem:$0xD6] =	sst s9;
	s10 =	spop (v2sf)  }
0x119: {  	(v2sf) =	vpush v62, $0x6;
	[smem:$0xD7] =	sst s10;
	s11 =	spop (v2sf)  }
0x11a: {  	[smem:$0xD8] =	sst s11;
	s12 =	spop (v2sf)  }
0x11b: {  	[smem:$0xD9] =	sst s12;
	s13 =	spop (v2sf)  }
0x11c: {  	(v2sf) =	vpush v62, $0x7;
	[smem:$0xDA] =	sst s13;
	s14 =	spop (v2sf)  }
0x11d: {  	(v2sf) =	vpush v62, $0x8;
	[smem:$0xDB] =	sst s14;
	s15 =	spop (v2sf)  }
0x11e: {  	(v2sf) =	vpush v62, $0x9;
	[smem:$0xDC] =	sst s15;
	s16 =	spop (v2sf)  }
0x11f: {  	[smem:$0xDD] =	sst s16;
	s17 =	spop (v2sf)  }
0x120: {  	(v2sf) =	vpush v62, $0xA;
	[smem:$0xDE] =	sst s17;
	s18 =	spop (v2sf)  }
0x121: {  	(v2sf) =	vpush v62, $0xB;
	s19 =	spop (v2sf);
	[smem:$0xDF] =	sst s18  }
0x122: {  	v63 =	vld [tilespmem:$0xF0];
	(v2sf) =	vpush v62, $0xC;
	[smem:$0xE0] =	sst s19;
	s20 =	spop (v2sf)  }
0x123: {  	[smem:$0xE1] =	sst s20;
	s21 =	spop (v2sf)  }
0x124: {  	(v2sf) =	vpush v62, $0xD;
	[smem:$0xE2] =	sst s21;
	s22 =	spop (v2sf)  }
0x125: {  	(v2sf) =	vpush v62, $0xE;
	[smem:$0xE3] =	sst s22  }
0x126: {  	(v2sf) =	vpush v62, $0xF;
	s24 =	spop (v2sf);
	s22 =	rddreg [dreg:$0x8]  }
0x127: {  	(v2sf) =	vpush v63, $0x0;
	[smem:$0xE4] =	sst s24;
	s25 =	spop (v2sf)  }
0x128: {  	(v2sf) =	vpush v63, $0x1;
	s24 =	simm.s32 $0x2100;
	[smem:$0xE5] =	sst s25;
	s26 =	spop (v2sf)  }
0x129: {  	(v2sf) =	vpush v63, $0x2;
	[tilespmem:s24], [sflag:$0x1] =	stream.linear.gather [hbm4b:s22+s3], $0x4000, $0x38;
	[tilespmem:$0x12100] =	vst v63  }
0x12a: {  	(v2sf) =	vpush v63, $0x3;
	[smem:$0xE6] =	sst s26  }
0x12b: {  	(v2sf) =	vpush v63, $0x4;
	s28 =	spop (v2sf);
	s26 =	rddreg [dreg:$0x9]  }
0x12c: {  	(v2sf) =	vpush v63, $0x5;
	[smem:$0xE7] =	sst s28;
	s29 =	spop (v2sf)  }
0x12d: {  	(v2sf) =	vpush v63, $0x6;
	s28 =	simm.s32 $0x6100;
	[smem:$0xE8] =	sst s29;
	s30 =	spop (v2sf)  }
0x12e: {  	(v2sf) =	vpush v63, $0x7;
	[tilespmem:s28], [sflag:$0x1] =	stream.linear.gather [hbm4b:s26+s3], $0x4000, $0x38;
	[tilespmem:$0x12100] =	vst v63  }
0x12f: {  	(v2sf) =	vpush v63, $0x8;
	[smem:$0xE9] =	sst s30;
	s31 =	spop (v2sf)  }
0x130: {  	(v2sf) =	vpush v63, $0x9;
	s30 =	rddreg [dreg:$0xa];
	s2 =	spop (v2sf)  }
0x131: {  	[smem:$0xEA] =	sst s31;
	(v2sf) =	vpush v63, $0xA;
	s31 =	simm.s32 $0xA100;
	s4 =	spop (v2sf)  }
0x132: {  	(v2sf) =	vpush v63, $0xB;
	[tilespmem:s31], [sflag:$0x1] =	stream.linear.gather [hbm4b:s30+s3], $0x4000, $0x38;
	[tilespmem:$0x12100] =	vst v63  }
0x133: {  	[smem:$0xEB] =	sst s2;
	s5 =	spop (v2sf);
	(v2sf) =	vpush v63, $0xC  }
0x134: {  	[smem:$0xEC] =	sst s4;
	s6 =	spop (v2sf)  }
0x135: {  	[smem:$0xED] =	sst s5;
	(v2sf) =	vpush v63, $0xD;
	s7 =	spop (v2sf)  }
0x136: {  	[smem:$0xEE] =	sst s6;
	s8 =	spop (v2sf);
	(v2sf) =	vpush v63, $0xE  }
0x137: {  	[smem:$0xEF] =	sst s7;
	s9 =	spop (v2sf);
	(v2sf) =	vpush v63, $0xF  }
0x138: {  	[smem:$0xF0] =	sst s8;
	s10 =	spop (v2sf)  }
0x139: {  	[smem:$0xF1] =	sst s9;
	s11 =	spop (v2sf)  }
0x13a: {  	[smem:$0xF2] =	sst s10;
	s12 =	spop (v2sf)  }
0x13b: {  	[smem:$0xF3] =	sst s11;
	s13 =	spop (v2sf)  }
0x13c: {  	[smem:$0xF4] =	sst s12;
	s14 =	spop (v2sf)  }
0x13d: {  	[smem:$0xF5] =	sst s13;
	s15 =	spop (v2sf)  }
0x13e: {  	[smem:$0xF6] =	sst s14;
	s16 =	spop (v2sf)  }
0x13f: {  	[smem:$0xF7] =	sst s15;
	s17 =	spop (v2sf)  }
0x140: {  	[smem:$0xF8] =	sst s16;
	s18 =	spop (v2sf)  }
0x141: {  	[smem:$0xF9] =	sst s17;
	s19 =	spop (v2sf)  }
0x142: {  	[smem:$0xFA] =	sst s18;
	s20 =	spop (v2sf)  }
.Ltmp2:
0x143: {  	[smem:$0xFB] =	sst s19;
	(pc) =	sbr.rel .LBB2_2-.Ltmp2, $4  }
0x144: {  	s21 =	spop (v2sf);
	[smem:$0xFC] =	sst s20  }
0x145: {  	s0 =	simm.s32 $0x0;
	[smem:$0xFD] =	sst s21;
	s25 =	spop (v2sf)  }
0x146: {  	s2 =	simm.s32 $0x0;
	[smem:$0xFE] =	sst s25;
	s29 =	spop (v2sf)  }
0x147: {  	s6 =	simm.s32 $0x0;
	s16 =	simm.s32 $0x0;
	[smem:$0xFF] =	sst s29  }
.LBB2_23:
0x148: {  	[sflag:s23] =	ssyncadd.s32 $0xFFFFFC00  }
.LBB2_24:
0x149: {  	p0 =	sgt.u32 s6, $0xC  }
0x14a: {  	s0 =	sadd.s32 @!p0 $0x3, s6  }
0x14b: {  	s5 =	rddreg [dreg:$0x8];
	s4 =	sshll.u32 @!p0 s0, $0xE  }
0x14c: {  	s6 =	sadd.s32 $0x1, s6;
	s0 =	sshll.u32 @!p0 s0, $0xB;
	s4 =	sand.u32 @!p0 $0xC000, s4  }
0x14d: {  	s0 =	sadd.s32 @!p0 s0, s5;
	s5 =	simm.s32 @!p0 $0x0;
	s4 =	sor.u32 @!p0 $0x2100, s4  }
0x14e: {  	[tilespmem:s4], [sflag:$0x1] =	stream.linear.gather @!p0 [hbm4b:s0+s5], $0x4000, $0x38;
	[tilespmem:$0x12100] =	vst v63  }
0x14f: {  	p0 =	sne.s32 s6, $0x10  }
.Ltmp3:
0x150: {  	_ = 	snop;
	(pc) =	sbr.rel @!p0 .LBB2_25-.Ltmp3, $2  }
0x151: {  	_ =	sdelay $0x2  }
0x152: {  	s0 =	smov.u32 s7  }
.LBB2_2:
.Ltmp4:
0x153: {  	(pc) =	sbr.rel .LBB2_3-.Ltmp4, $4  }
0x154: {  	[dreg:$0x11] =	wrdreg s0;
	s30 =	simm.s32 $0x1  }
0x155: {  	s21 =	sshll.u32 s6, $0x4;
	_ =	swait.ge [sflag:s30], $0x4000;
	[dreg:$0x10] =	wrdreg s6  }
0x156: {  	[dreg:$0xf] =	wrdreg s2;
	s31 =	sand.u32 $0x3FFFFFF0, s21;
	[sflag:s30] =	ssyncset.done $0x0  }
0x157: {  	s7 =	simm.s32 $0x0;
	[dreg:$0x12] =	wrdreg s31;
	[sflag:s30] =	ssyncadd.s32 $0xFFFFC000  }
.LBB2_11:
0x158: {  	_ = 	snop  }
.LBB2_14:
0x159: {  	[hbm4b:s26+s3] =	stream.linear.scatter @p0 [tilespmem:s0], [sflag:$0x2], $0x80, $0x38;
	[tilespmem:$0x12100] =	vst v63  }
0x15a: {  	s5 =	sor.u32 s19, s24  }
0x15b: {  	s4 =	sadd.s32 @p0 $0x380, s4;
	s5 =	sshrl.u32 s5, $0x3  }
0x15c: {  	[hbm4b:s4+s3] =	stream.linear.scatter @p0 [tilespmem:s6], [sflag:$0x2], $0x80, $0x38;
	[tilespmem:$0x12100] =	vst v63  }
0x15d: {  	s24 =	sadd.s32 s1, s5  }
0x15e: {  	[hbm4b:s24+s3] =	stream.linear.scatter [tilespmem:s22], [sflag:$0x2], $0x80, $0x38;
	[tilespmem:$0x12100] =	vst v63  }
0x15f: {  	s5 =	sadd.s32 $0x80, s24  }
0x160: {  	[hbm4b:s5+s3] =	stream.linear.scatter [tilespmem:s20], [sflag:$0x2], $0x80, $0x38;
	[tilespmem:$0x12100] =	vst v63  }
0x161: {  	s25 =	sadd.s32 $0x100, s24  }
0x162: {  	[hbm4b:s25+s3] =	stream.linear.scatter [tilespmem:s18], [sflag:$0x2], $0x80, $0x38;
	[tilespmem:$0x12100] =	vst v63  }
0x163: {  	s26 =	sadd.s32 $0x180, s24  }
0x164: {  	[hbm4b:s26+s3] =	stream.linear.scatter [tilespmem:s17], [sflag:$0x2], $0x80, $0x38;
	[tilespmem:$0x12100] =	vst v63  }
0x165: {  	s28 =	sadd.s32 $0x200, s24  }
0x166: {  	[hbm4b:s28+s3] =	stream.linear.scatter [tilespmem:s15], [sflag:$0x2], $0x80, $0x38;
	[tilespmem:$0x12100] =	vst v63  }
0x167: {  	s29 =	sadd.s32 $0x280, s24  }
0x168: {  	[hbm4b:s29+s3] =	stream.linear.scatter [tilespmem:s9], [sflag:$0x2], $0x80, $0x38;
	[tilespmem:$0x12100] =	vst v63  }
0x169: {  	s30 =	sadd.s32 $0x300, s24  }
0x16a: {  	[hbm4b:s30+s3] =	stream.linear.scatter [tilespmem:s0], [sflag:$0x2], $0x80, $0x38;
	[tilespmem:$0x12100] =	vst v63  }
0x16b: {  	s31 =	sadd.s32 $0x380, s24  }
0x16c: {  	[hbm4b:s31+s3] =	stream.linear.scatter [tilespmem:s6], [sflag:$0x2], $0x80, $0x38;
	[tilespmem:$0x12100] =	vst v63  }
.LBB2_15:
0x16d: {  	s7 =	sadd.s32 $0x1, s7  }
0x16e: {  	p0 =	sne.s32 s7, $0x10  }
.Ltmp5:
0x16f: {  	_ = 	snop;
	(pc) =	sbr.rel @!p0 .LBB2_16-.Ltmp5, $2  }
0x170: {  	_ =	sdelay $0x2  }
0x171: {  	s2 =	sadd.s32 s2, s8  }
.LBB2_3:
0x172: {  	s4 =	rddreg [dreg:$0x12]  }
0x173: {  	s0 =	smov.u32 s16;
	s16 =	sld [smem:s4+s7]  }
0x174: {  	s5 =	rddreg [dreg:$0x4]  }
0x175: {  	s4 =	rddreg [dreg:$0x3]  }
0x176: {  	p0 =	sgt.s32 s0, s4;
	p1 =	slt.s32 s16, s5  }
0x177: {  	s4 =	smov.u32 @p0 s0;
	s5 =	smov.u32 @p1 s16  }
0x178: {  	s8 =	ssub.s32 s5, s4  }
0x179: {  	p0 =	sgt.s32 s8, $0x0  }
0x17a: {  	p5 =	slt.s32 s8, $0x1;
	s8 =	simm.s32 @!p0 $0x0  }
0x17b: {  	s29 =	sand.u32 $0x3, s8  }
0x17c: {  	p6 =	sne.s32 s29, $0x0  }
0x17d: {  	p0 =	por !p5, !p6  }
0x17e: {  	s0 =	simm.s32 $0x1;
	p0 =	por !p0, !p0  }
0x17f: {  	s6 =	sshrl.u32 s8, $0x2;
	s0 =	simm.s32 @!p0 $0x0  }
0x180: {  	s12 =	ssub.s32 s6, s0  }
0x181: {  	p0 =	slt.s32 s12, $0x1  }
.Ltmp6:
0x182: {  	_ = 	snop;
	(pc) =	sbr.rel @p0 .LBB2_9-.Ltmp6, $3  }
0x183: {  	_ =	sdelay $0x1  }
0x184: {  	s30 =	sadd.s32 s21, s7;
	s31 =	sshll.u32 s7, $0x7  }
0x185: {  	s17 =	sshll.u32 s30, $0xA;
	s0 =	sand.u32 $0x380, s31  }
0x186: {  	s6 =	sand.u32 $0xE000, s17;
	s19 =	ssub.s32 $0x0, s12  }
0x187: {  	s13 =	sor.u32 s0, s6;
	s6 =	sadd.s32 $0x1, s19  }
0x188: {  	p1 =	seq.s32 s6, $0x0  }
.Ltmp7:
0x189: {  	s20 =	sshll.u32 s4, $0xA;
	(pc) =	sbr.rel @p1 .LBB2_5-.Ltmp7, $4  }
0x18a: {  	s31 =	sshll.u32 s4, $0x7;
	s10 =	rddreg [dreg:$0xc];
	p0 =	por $0x0, $0x0  }
0x18b: {  	s20 =	sadd.s32 s20, s10;
	s30 =	sadd.s32 $0x2100, s13;
	s29 =	sadd.s32 $0x2500, s13  }
0x18c: {  	s28 =	sadd.s32 $0x2900, s13;
	s26 =	sadd.s32 $0x2D00, s13;
	s24 =	sadd.s32 $0x3100, s13  }
0x18d: {  	s25 =	sadd.s32 $0x3500, s13;
	s9 =	sadd.s32 $0x3900, s13;
	s22 =	sadd.s32 $0x3D00, s13  }
0x18e: {  	s13 =	sand.u32 $0xFFFFE000, s20;
	s15 =	sand.u32 $0x380, s31  }
0x18f: {  	s13 =	sor.u32 s15, s13  }
0x190: {  	s13 =	sshrl.u32 s13, $0x3  }
0x191: {  	s13 =	sadd.s32 s1, s13  }
0x192: {  	[hbm4b:s13+s3] =	stream.linear.scatter [tilespmem:s30], [sflag:$0x2], $0x80, $0x38;
	[tilespmem:$0x12100] =	vst v63  }
0x193: {  	s18 =	sadd.s32 $0x100, s31;
	s6 =	sadd.s32 $0x1, s6;
	s10 =	sadd.s32 $0x80, s13  }
0x194: {  	[hbm4b:s10+s3] =	stream.linear.scatter [tilespmem:s29], [sflag:$0x2], $0x80, $0x38;
	[tilespmem:$0x12100] =	vst v63  }
0x195: {  	p0 =	por $0x1, $0x1;
	s15 =	sadd.s32 $0x800, s20;
	s11 =	sadd.s32 $0x100, s13  }
0x196: {  	[hbm4b:s11+s3] =	stream.linear.scatter [tilespmem:s28], [sflag:$0x2], $0x80, $0x38;
	[tilespmem:$0x12100] =	vst v63  }
0x197: {  	p1 =	seq.s32 s6, $0x0;
	s15 =	sand.u32 $0xFFFFE000, s15;
	s19 =	sadd.s32 $0x180, s13  }
0x198: {  	[hbm4b:s19+s3] =	stream.linear.scatter [tilespmem:s26], [sflag:$0x2], $0x80, $0x38;
	[tilespmem:$0x12100] =	vst v63  }
0x199: {  	s14 =	sadd.s32 $0x200, s13;
	s10 =	sadd.s32 $0x80, s31;
	s11 =	sadd.s32 $0x400, s20  }
0x19a: {  	[hbm4b:s14+s3] =	stream.linear.scatter [tilespmem:s24], [sflag:$0x2], $0x80, $0x38;
	[tilespmem:$0x12100] =	vst v63  }
0x19b: {  	s10 =	sand.u32 $0x380, s10;
	s11 =	sand.u32 $0xFFFFE000, s11;
	s14 =	sadd.s32 $0x280, s13  }
0x19c: {  	[hbm4b:s14+s3] =	stream.linear.scatter [tilespmem:s25], [sflag:$0x2], $0x80, $0x38;
	[tilespmem:$0x12100] =	vst v63  }
0x19d: {  	s10 =	sor.u32 s10, s11;
	s19 =	sand.u32 $0x380, s18;
	s14 =	sadd.s32 $0x300, s13  }
0x19e: {  	[hbm4b:s14+s3] =	stream.linear.scatter [tilespmem:s9], [sflag:$0x2], $0x80, $0x38;
	[tilespmem:$0x12100] =	vst v63  }
0x19f: {  	s10 =	sshrl.u32 s10, $0x3;
	s13 =	sadd.s32 $0x380, s13;
	s14 =	sadd.s32 $0xC00, s20  }
0x1a0: {  	[hbm4b:s13+s3] =	stream.linear.scatter [tilespmem:s22], [sflag:$0x2], $0x80, $0x38;
	[tilespmem:$0x12100] =	vst v63  }
0x1a1: {  	s18 =	sor.u32 s19, s15;
	s11 =	sand.u32 $0xFFFFE000, s14;
	s13 =	sadd.s32 s1, s10  }
0x1a2: {  	[hbm4b:s13+s3] =	stream.linear.scatter [tilespmem:s30], [sflag:$0x2], $0x80, $0x38;
	[tilespmem:$0x12100] =	vst v63  }
.Ltmp8:
0x1a3: {  	s10 =	sadd.s32 $0x180, s31;
	s14 =	sadd.s32 $0x80, s13;
	(pc) =	sbr.rel @p1 .LBB2_8-.Ltmp8, $4  }
0x1a4: {  	[hbm4b:s14+s3] =	stream.linear.scatter [tilespmem:s29], [sflag:$0x2], $0x80, $0x38;
	[tilespmem:$0x12100] =	vst v63  }
0x1a5: {  	s20 =	sadd.s32 $0x1000, s20;
	s10 =	sand.u32 $0x380, s10;
	s19 =	sadd.s32 $0x100, s13  }
0x1a6: {  	[hbm4b:s19+s3] =	stream.linear.scatter [tilespmem:s28], [sflag:$0x2], $0x80, $0x38;
	[tilespmem:$0x12100] =	vst v63  }
0x1a7: {  	s31 =	sadd.s32 $0x200, s31;
	s15 =	sor.u32 s10, s11;
	s19 =	sadd.s32 $0x180, s13  }
.LBB2_7:
0x1a8: {  	s10 =	sadd.s32 $0x800, s20;
	s11 =	sadd.s32 $0x100, s31;
	s14 =	sadd.s32 $0xC00, s20  }
0x1a9: {  	[hbm4b:s19+s3] =	stream.linear.scatter [tilespmem:s26], [sflag:$0x2], $0x80, $0x38;
	[tilespmem:$0x12100] =	vst v63  }
0x1aa: {  	s10 =	sand.u32 $0xFFFFE000, s10;
	s11 =	sand.u32 $0x380, s11;
	s19 =	sadd.s32 $0x200, s13  }
0x1ab: {  	[hbm4b:s19+s3] =	stream.linear.scatter [tilespmem:s24], [sflag:$0x2], $0x80, $0x38;
	[tilespmem:$0x12100] =	vst v63  }
0x1ac: {  	s10 =	sor.u32 s11, s10;
	s11 =	sadd.s32 $0x180, s31;
	s19 =	sadd.s32 $0x280, s13  }
0x1ad: {  	[hbm4b:s19+s3] =	stream.linear.scatter [tilespmem:s25], [sflag:$0x2], $0x80, $0x38;
	[tilespmem:$0x12100] =	vst v63  }
0x1ae: {  	s14 =	sand.u32 $0xFFFFE000, s14;
	s11 =	sand.u32 $0x380, s11;
	s19 =	sadd.s32 $0x300, s13  }
0x1af: {  	[hbm4b:s19+s3] =	stream.linear.scatter [tilespmem:s9], [sflag:$0x2], $0x80, $0x38;
	[tilespmem:$0x12100] =	vst v63  }
0x1b0: {  	s11 =	sor.u32 s11, s14;
	s14 =	sshrl.u32 s18, $0x3;
	s13 =	sadd.s32 $0x380, s13  }
0x1b1: {  	[hbm4b:s13+s3] =	stream.linear.scatter [tilespmem:s22], [sflag:$0x2], $0x80, $0x38;
	[tilespmem:$0x12100] =	vst v63  }
0x1b2: {  	s6 =	sadd.s32 $0x1, s6;
	s18 =	smov.u32 s10;
	s13 =	sadd.s32 s1, s14  }
0x1b3: {  	[hbm4b:s13+s3] =	stream.linear.scatter [tilespmem:s30], [sflag:$0x2], $0x80, $0x38;
	[tilespmem:$0x12100] =	vst v63  }
0x1b4: {  	p1 =	seq.s32 s6, $0x0;
	s10 =	sadd.s32 $0x80, s13  }
0x1b5: {  	[hbm4b:s10+s3] =	stream.linear.scatter [tilespmem:s29], [sflag:$0x2], $0x80, $0x38;
	[tilespmem:$0x12100] =	vst v63  }
0x1b6: {  	s10 =	sadd.s32 $0x100, s13  }
0x1b7: {  	[hbm4b:s10+s3] =	stream.linear.scatter [tilespmem:s28], [sflag:$0x2], $0x80, $0x38;
	[tilespmem:$0x12100] =	vst v63  }
0x1b8: {  	s10 =	sadd.s32 $0x180, s13  }
0x1b9: {  	[hbm4b:s10+s3] =	stream.linear.scatter [tilespmem:s26], [sflag:$0x2], $0x80, $0x38;
	[tilespmem:$0x12100] =	vst v63  }
0x1ba: {  	s10 =	sadd.s32 $0x200, s13  }
0x1bb: {  	[hbm4b:s10+s3] =	stream.linear.scatter [tilespmem:s24], [sflag:$0x2], $0x80, $0x38;
	[tilespmem:$0x12100] =	vst v63  }
0x1bc: {  	s10 =	sadd.s32 $0x280, s13  }
0x1bd: {  	[hbm4b:s10+s3] =	stream.linear.scatter [tilespmem:s25], [sflag:$0x2], $0x80, $0x38;
	[tilespmem:$0x12100] =	vst v63  }
0x1be: {  	s10 =	sadd.s32 $0x300, s13  }
0x1bf: {  	[hbm4b:s10+s3] =	stream.linear.scatter [tilespmem:s9], [sflag:$0x2], $0x80, $0x38;
	[tilespmem:$0x12100] =	vst v63  }
0x1c0: {  	s10 =	sadd.s32 $0x380, s13;
	s13 =	sshrl.u32 s15, $0x3;
	s15 =	smov.u32 s11  }
0x1c1: {  	[hbm4b:s10+s3] =	stream.linear.scatter [tilespmem:s22], [sflag:$0x2], $0x80, $0x38;
	[tilespmem:$0x12100] =	vst v63  }
0x1c2: {  	s10 =	sadd.s32 s1, s13  }
0x1c3: {  	[hbm4b:s10+s3] =	stream.linear.scatter [tilespmem:s30], [sflag:$0x2], $0x80, $0x38;
	[tilespmem:$0x12100] =	vst v63  }
0x1c4: {  	s11 =	sadd.s32 $0x80, s10  }
0x1c5: {  	[hbm4b:s11+s3] =	stream.linear.scatter [tilespmem:s29], [sflag:$0x2], $0x80, $0x38;
	[tilespmem:$0x12100] =	vst v63  }
0x1c6: {  	s11 =	sadd.s32 $0x100, s10  }
0x1c7: {  	[hbm4b:s11+s3] =	stream.linear.scatter [tilespmem:s28], [sflag:$0x2], $0x80, $0x38;
	[tilespmem:$0x12100] =	vst v63  }
0x1c8: {  	s11 =	sadd.s32 $0x180, s10  }
0x1c9: {  	[hbm4b:s11+s3] =	stream.linear.scatter [tilespmem:s26], [sflag:$0x2], $0x80, $0x38;
	[tilespmem:$0x12100] =	vst v63  }
0x1ca: {  	s11 =	sadd.s32 $0x200, s10  }
0x1cb: {  	[hbm4b:s11+s3] =	stream.linear.scatter [tilespmem:s24], [sflag:$0x2], $0x80, $0x38;
	[tilespmem:$0x12100] =	vst v63  }
0x1cc: {  	s11 =	sadd.s32 $0x280, s10  }
0x1cd: {  	[hbm4b:s11+s3] =	stream.linear.scatter [tilespmem:s25], [sflag:$0x2], $0x80, $0x38;
	[tilespmem:$0x12100] =	vst v63  }
0x1ce: {  	s13 =	sand.u32 $0x380, s31;
	s14 =	sadd.s32 $0x300, s10;
	s11 =	sand.u32 $0xFFFFE000, s20  }
0x1cf: {  	[hbm4b:s14+s3] =	stream.linear.scatter [tilespmem:s9], [sflag:$0x2], $0x80, $0x38;
	[tilespmem:$0x12100] =	vst v63  }
0x1d0: {  	s10 =	sadd.s32 $0x380, s10;
	s11 =	sor.u32 s13, s11  }
0x1d1: {  	[hbm4b:s10+s3] =	stream.linear.scatter [tilespmem:s22], [sflag:$0x2], $0x80, $0x38;
	[tilespmem:$0x12100] =	vst v63  }
0x1d2: {  	s10 =	sshrl.u32 s11, $0x3  }
0x1d3: {  	s10 =	sadd.s32 s1, s10  }
0x1d4: {  	[hbm4b:s10+s3] =	stream.linear.scatter [tilespmem:s30], [sflag:$0x2], $0x80, $0x38;
	[tilespmem:$0x12100] =	vst v63  }
0x1d5: {  	s11 =	sadd.s32 $0x80, s10  }
0x1d6: {  	[hbm4b:s11+s3] =	stream.linear.scatter [tilespmem:s29], [sflag:$0x2], $0x80, $0x38;
	[tilespmem:$0x12100] =	vst v63  }
0x1d7: {  	s11 =	sadd.s32 $0x100, s10  }
0x1d8: {  	[hbm4b:s11+s3] =	stream.linear.scatter [tilespmem:s28], [sflag:$0x2], $0x80, $0x38;
	[tilespmem:$0x12100] =	vst v63  }
0x1d9: {  	s11 =	sadd.s32 $0x180, s10  }
0x1da: {  	[hbm4b:s11+s3] =	stream.linear.scatter [tilespmem:s26], [sflag:$0x2], $0x80, $0x38;
	[tilespmem:$0x12100] =	vst v63  }
0x1db: {  	s13 =	sadd.s32 $0x400, s20;
	s14 =	sadd.s32 $0x80, s31;
	s11 =	sadd.s32 $0x200, s10  }
0x1dc: {  	[hbm4b:s11+s3] =	stream.linear.scatter [tilespmem:s24], [sflag:$0x2], $0x80, $0x38;
	[tilespmem:$0x12100] =	vst v63  }
0x1dd: {  	s13 =	sand.u32 $0xFFFFE000, s13;
	s14 =	sand.u32 $0x380, s14;
	s11 =	sadd.s32 $0x280, s10  }
0x1de: {  	[hbm4b:s11+s3] =	stream.linear.scatter [tilespmem:s25], [sflag:$0x2], $0x80, $0x38;
	[tilespmem:$0x12100] =	vst v63  }
0x1df: {  	s13 =	sor.u32 s14, s13;
	s11 =	sadd.s32 $0x300, s10  }
0x1e0: {  	[hbm4b:s11+s3] =	stream.linear.scatter [tilespmem:s9], [sflag:$0x2], $0x80, $0x38;
	[tilespmem:$0x12100] =	vst v63  }
0x1e1: {  	s10 =	sadd.s32 $0x380, s10;
	s11 =	sshrl.u32 s13, $0x3  }
0x1e2: {  	[hbm4b:s10+s3] =	stream.linear.scatter [tilespmem:s22], [sflag:$0x2], $0x80, $0x38;
	[tilespmem:$0x12100] =	vst v63  }
0x1e3: {  	s13 =	sadd.s32 s1, s11  }
0x1e4: {  	[hbm4b:s13+s3] =	stream.linear.scatter [tilespmem:s30], [sflag:$0x2], $0x80, $0x38;
	[tilespmem:$0x12100] =	vst v63  }
.Ltmp9:
0x1e5: {  	_ = 	snop;
	(pc) =	sbr.rel @!p1 .LBB2_7-.Ltmp9, $4  }
0x1e6: {  	s10 =	sadd.s32 $0x80, s13;
	s19 =	sadd.s32 $0x180, s13  }
0x1e7: {  	[hbm4b:s10+s3] =	stream.linear.scatter [tilespmem:s29], [sflag:$0x2], $0x80, $0x38;
	[tilespmem:$0x12100] =	vst v63  }
0x1e8: {  	s20 =	sadd.s32 $0x1000, s20;
	s31 =	sadd.s32 $0x200, s31;
	s10 =	sadd.s32 $0x100, s13  }
0x1e9: {  	[hbm4b:s10+s3] =	stream.linear.scatter [tilespmem:s28], [sflag:$0x2], $0x80, $0x38;
	[tilespmem:$0x12100] =	vst v63  }
.LBB2_8:
0x1ea: {  	[hbm4b:s19+s3] =	stream.linear.scatter @p0 [tilespmem:s26], [sflag:$0x2], $0x80, $0x38;
	[tilespmem:$0x12100] =	vst v63  }
0x1eb: {  	s6 =	sadd.s32 @p0 $0x200, s13  }
0x1ec: {  	[hbm4b:s6+s3] =	stream.linear.scatter @p0 [tilespmem:s24], [sflag:$0x2], $0x80, $0x38;
	[tilespmem:$0x12100] =	vst v63  }
0x1ed: {  	s6 =	sadd.s32 @p0 $0x280, s13  }
0x1ee: {  	[hbm4b:s6+s3] =	stream.linear.scatter @p0 [tilespmem:s25], [sflag:$0x2], $0x80, $0x38;
	[tilespmem:$0x12100] =	vst v63  }
0x1ef: {  	s6 =	sadd.s32 @p0 $0x300, s13  }
0x1f0: {  	[hbm4b:s6+s3] =	stream.linear.scatter @p0 [tilespmem:s9], [sflag:$0x2], $0x80, $0x38;
	[tilespmem:$0x12100] =	vst v63  }
0x1f1: {  	s10 =	sshrl.u32 @p0 s18, $0x3;
	s6 =	sadd.s32 @p0 $0x380, s13  }
0x1f2: {  	[hbm4b:s6+s3] =	stream.linear.scatter @p0 [tilespmem:s22], [sflag:$0x2], $0x80, $0x38;
	[tilespmem:$0x12100] =	vst v63  }
0x1f3: {  	s6 =	sadd.s32 @p0 s1, s10  }
0x1f4: {  	[hbm4b:s6+s3] =	stream.linear.scatter @p0 [tilespmem:s30], [sflag:$0x2], $0x80, $0x38;
	[tilespmem:$0x12100] =	vst v63  }
0x1f5: {  	s10 =	sadd.s32 @p0 $0x80, s6  }
0x1f6: {  	[hbm4b:s10+s3] =	stream.linear.scatter @p0 [tilespmem:s29], [sflag:$0x2], $0x80, $0x38;
	[tilespmem:$0x12100] =	vst v63  }
0x1f7: {  	s10 =	sadd.s32 @p0 $0x100, s6  }
0x1f8: {  	[hbm4b:s10+s3] =	stream.linear.scatter @p0 [tilespmem:s28], [sflag:$0x2], $0x80, $0x38;
	[tilespmem:$0x12100] =	vst v63  }
0x1f9: {  	s10 =	sadd.s32 @p0 $0x180, s6  }
0x1fa: {  	[hbm4b:s10+s3] =	stream.linear.scatter @p0 [tilespmem:s26], [sflag:$0x2], $0x80, $0x38;
	[tilespmem:$0x12100] =	vst v63  }
0x1fb: {  	s10 =	sadd.s32 @p0 $0x200, s6  }
0x1fc: {  	[hbm4b:s10+s3] =	stream.linear.scatter @p0 [tilespmem:s24], [sflag:$0x2], $0x80, $0x38;
	[tilespmem:$0x12100] =	vst v63  }
0x1fd: {  	s10 =	sadd.s32 @p0 $0x280, s6  }
0x1fe: {  	[hbm4b:s10+s3] =	stream.linear.scatter @p0 [tilespmem:s25], [sflag:$0x2], $0x80, $0x38;
	[tilespmem:$0x12100] =	vst v63  }
0x1ff: {  	s10 =	sadd.s32 @p0 $0x300, s6  }
0x200: {  	[hbm4b:s10+s3] =	stream.linear.scatter @p0 [tilespmem:s9], [sflag:$0x2], $0x80, $0x38;
	[tilespmem:$0x12100] =	vst v63  }
0x201: {  	s6 =	sadd.s32 @p0 $0x380, s6;
	s10 =	sshrl.u32 @p0 s15, $0x3  }
0x202: {  	[hbm4b:s6+s3] =	stream.linear.scatter @p0 [tilespmem:s22], [sflag:$0x2], $0x80, $0x38;
	[tilespmem:$0x12100] =	vst v63  }
0x203: {  	s6 =	sadd.s32 @p0 s1, s10  }
0x204: {  	[hbm4b:s6+s3] =	stream.linear.scatter @p0 [tilespmem:s30], [sflag:$0x2], $0x80, $0x38;
	[tilespmem:$0x12100] =	vst v63  }
0x205: {  	s10 =	sadd.s32 @p0 $0x80, s6  }
0x206: {  	[hbm4b:s10+s3] =	stream.linear.scatter @p0 [tilespmem:s29], [sflag:$0x2], $0x80, $0x38;
	[tilespmem:$0x12100] =	vst v63  }
0x207: {  	s10 =	sadd.s32 @p0 $0x100, s6  }
0x208: {  	[hbm4b:s10+s3] =	stream.linear.scatter @p0 [tilespmem:s28], [sflag:$0x2], $0x80, $0x38;
	[tilespmem:$0x12100] =	vst v63  }
0x209: {  	s10 =	sadd.s32 @p0 $0x180, s6  }
0x20a: {  	[hbm4b:s10+s3] =	stream.linear.scatter @p0 [tilespmem:s26], [sflag:$0x2], $0x80, $0x38;
	[tilespmem:$0x12100] =	vst v63  }
0x20b: {  	s10 =	sadd.s32 @p0 $0x200, s6  }
0x20c: {  	[hbm4b:s10+s3] =	stream.linear.scatter @p0 [tilespmem:s24], [sflag:$0x2], $0x80, $0x38;
	[tilespmem:$0x12100] =	vst v63  }
0x20d: {  	s14 =	sand.u32 $0xFFFFE000, s20;
	s11 =	sand.u32 $0x380, s31;
	s10 =	sadd.s32 @p0 $0x280, s6  }
0x20e: {  	[hbm4b:s10+s3] =	stream.linear.scatter @p0 [tilespmem:s25], [sflag:$0x2], $0x80, $0x38;
	[tilespmem:$0x12100] =	vst v63  }
0x20f: {  	s13 =	sadd.s32 @p0 $0x300, s6;
	s10 =	sor.u32 s11, s14  }
0x210: {  	[hbm4b:s13+s3] =	stream.linear.scatter @p0 [tilespmem:s9], [sflag:$0x2], $0x80, $0x38;
	[tilespmem:$0x12100] =	vst v63  }
0x211: {  	s6 =	sadd.s32 @p0 $0x380, s6;
	s15 =	sshrl.u32 s10, $0x3  }
0x212: {  	[hbm4b:s6+s3] =	stream.linear.scatter @p0 [tilespmem:s22], [sflag:$0x2], $0x80, $0x38;
	[tilespmem:$0x12100] =	vst v63  }
0x213: {  	s6 =	sadd.s32 s1, s15  }
0x214: {  	[hbm4b:s6+s3] =	stream.linear.scatter [tilespmem:s30], [sflag:$0x2], $0x80, $0x38;
	[tilespmem:$0x12100] =	vst v63  }
0x215: {  	s18 =	sadd.s32 $0x80, s6  }
0x216: {  	[hbm4b:s18+s3] =	stream.linear.scatter [tilespmem:s29], [sflag:$0x2], $0x80, $0x38;
	[tilespmem:$0x12100] =	vst v63  }
0x217: {  	s19 =	sadd.s32 $0x100, s6  }
0x218: {  	[hbm4b:s19+s3] =	stream.linear.scatter [tilespmem:s28], [sflag:$0x2], $0x80, $0x38;
	[tilespmem:$0x12100] =	vst v63  }
0x219: {  	s11 =	sadd.s32 $0x180, s6  }
0x21a: {  	[hbm4b:s11+s3] =	stream.linear.scatter [tilespmem:s26], [sflag:$0x2], $0x80, $0x38;
	[tilespmem:$0x12100] =	vst v63  }
0x21b: {  	s14 =	sadd.s32 $0x400, s20;
	s15 =	sadd.s32 $0x80, s31;
	s13 =	sadd.s32 $0x200, s6  }
0x21c: {  	[hbm4b:s13+s3] =	stream.linear.scatter [tilespmem:s24], [sflag:$0x2], $0x80, $0x38;
	[tilespmem:$0x12100] =	vst v63  }
0x21d: {  	s18 =	sadd.s32 $0x280, s6;
	s11 =	sand.u32 $0xFFFFE000, s14;
	s13 =	sand.u32 $0x380, s15  }
0x21e: {  	[hbm4b:s18+s3] =	stream.linear.scatter [tilespmem:s25], [sflag:$0x2], $0x80, $0x38;
	[tilespmem:$0x12100] =	vst v63  }
0x21f: {  	s19 =	sadd.s32 $0x300, s6;
	s11 =	sor.u32 s13, s11  }
0x220: {  	[hbm4b:s19+s3] =	stream.linear.scatter [tilespmem:s9], [sflag:$0x2], $0x80, $0x38;
	[tilespmem:$0x12100] =	vst v63  }
0x221: {  	s6 =	sadd.s32 $0x380, s6;
	s11 =	sshrl.u32 s11, $0x3  }
0x222: {  	[hbm4b:s6+s3] =	stream.linear.scatter [tilespmem:s22], [sflag:$0x2], $0x80, $0x38;
	[tilespmem:$0x12100] =	vst v63  }
0x223: {  	s6 =	sadd.s32 s1, s11  }
0x224: {  	[hbm4b:s6+s3] =	stream.linear.scatter [tilespmem:s30], [sflag:$0x2], $0x80, $0x38;
	[tilespmem:$0x12100] =	vst v63  }
0x225: {  	s10 =	sadd.s32 $0x80, s6  }
0x226: {  	[hbm4b:s10+s3] =	stream.linear.scatter [tilespmem:s29], [sflag:$0x2], $0x80, $0x38;
	[tilespmem:$0x12100] =	vst v63  }
0x227: {  	s13 =	sadd.s32 $0x100, s6  }
0x228: {  	[hbm4b:s13+s3] =	stream.linear.scatter [tilespmem:s28], [sflag:$0x2], $0x80, $0x38;
	[tilespmem:$0x12100] =	vst v63  }
0x229: {  	s14 =	sadd.s32 $0x180, s6  }
0x22a: {  	[hbm4b:s14+s3] =	stream.linear.scatter [tilespmem:s26], [sflag:$0x2], $0x80, $0x38;
	[tilespmem:$0x12100] =	vst v63  }
0x22b: {  	s15 =	sadd.s32 $0x800, s20;
	s18 =	sadd.s32 $0x100, s31;
	s19 =	sadd.s32 $0x200, s6  }
0x22c: {  	[hbm4b:s19+s3] =	stream.linear.scatter [tilespmem:s24], [sflag:$0x2], $0x80, $0x38;
	[tilespmem:$0x12100] =	vst v63  }
0x22d: {  	s11 =	sand.u32 $0x380, s18;
	s10 =	sand.u32 $0xFFFFE000, s15;
	s14 =	sadd.s32 $0x280, s6  }
0x22e: {  	[hbm4b:s14+s3] =	stream.linear.scatter [tilespmem:s25], [sflag:$0x2], $0x80, $0x38;
	[tilespmem:$0x12100] =	vst v63  }
0x22f: {  	s15 =	sadd.s32 $0x300, s6;
	s10 =	sor.u32 s11, s10  }
0x230: {  	[hbm4b:s15+s3] =	stream.linear.scatter [tilespmem:s9], [sflag:$0x2], $0x80, $0x38;
	[tilespmem:$0x12100] =	vst v63  }
0x231: {  	s10 =	sshrl.u32 s10, $0x3;
	s6 =	sadd.s32 $0x380, s6  }
0x232: {  	[hbm4b:s6+s3] =	stream.linear.scatter [tilespmem:s22], [sflag:$0x2], $0x80, $0x38;
	[tilespmem:$0x12100] =	vst v63  }
0x233: {  	s6 =	sadd.s32 s1, s10  }
0x234: {  	[hbm4b:s6+s3] =	stream.linear.scatter [tilespmem:s30], [sflag:$0x2], $0x80, $0x38;
	[tilespmem:$0x12100] =	vst v63  }
0x235: {  	s10 =	sadd.s32 $0x80, s6  }
0x236: {  	[hbm4b:s10+s3] =	stream.linear.scatter [tilespmem:s29], [sflag:$0x2], $0x80, $0x38;
	[tilespmem:$0x12100] =	vst v63  }
0x237: {  	s18 =	sadd.s32 $0x100, s6  }
0x238: {  	[hbm4b:s18+s3] =	stream.linear.scatter [tilespmem:s28], [sflag:$0x2], $0x80, $0x38;
	[tilespmem:$0x12100] =	vst v63  }
0x239: {  	s19 =	sadd.s32 $0x180, s6  }
0x23a: {  	[hbm4b:s19+s3] =	stream.linear.scatter [tilespmem:s26], [sflag:$0x2], $0x80, $0x38;
	[tilespmem:$0x12100] =	vst v63  }
0x23b: {  	s20 =	sadd.s32 $0xC00, s20;
	s31 =	sadd.s32 $0x180, s31;
	s14 =	sadd.s32 $0x200, s6  }
0x23c: {  	[hbm4b:s14+s3] =	stream.linear.scatter [tilespmem:s24], [sflag:$0x2], $0x80, $0x38;
	[tilespmem:$0x12100] =	vst v63  }
0x23d: {  	s11 =	sand.u32 $0x380, s31;
	s15 =	sadd.s32 $0x280, s6;
	s10 =	sand.u32 $0xFFFFE000, s20  }
0x23e: {  	[hbm4b:s15+s3] =	stream.linear.scatter [tilespmem:s25], [sflag:$0x2], $0x80, $0x38;
	[tilespmem:$0x12100] =	vst v63  }
0x23f: {  	s10 =	sor.u32 s11, s10;
	s18 =	sadd.s32 $0x300, s6  }
0x240: {  	[hbm4b:s18+s3] =	stream.linear.scatter [tilespmem:s9], [sflag:$0x2], $0x80, $0x38;
	[tilespmem:$0x12100] =	vst v63  }
0x241: {  	s6 =	sadd.s32 $0x380, s6;
	s10 =	sshrl.u32 s10, $0x3  }
0x242: {  	[hbm4b:s6+s3] =	stream.linear.scatter [tilespmem:s22], [sflag:$0x2], $0x80, $0x38;
	[tilespmem:$0x12100] =	vst v63  }
0x243: {  	s19 =	sadd.s32 s1, s10  }
0x244: {  	[hbm4b:s19+s3] =	stream.linear.scatter [tilespmem:s30], [sflag:$0x2], $0x80, $0x38;
	[tilespmem:$0x12100] =	vst v63  }
0x245: {  	s10 =	sadd.s32 $0x80, s19  }
0x246: {  	[hbm4b:s10+s3] =	stream.linear.scatter [tilespmem:s29], [sflag:$0x2], $0x80, $0x38;
	[tilespmem:$0x12100] =	vst v63  }
0x247: {  	s20 =	sadd.s32 $0x100, s19  }
0x248: {  	[hbm4b:s20+s3] =	stream.linear.scatter [tilespmem:s28], [sflag:$0x2], $0x80, $0x38;
	[tilespmem:$0x12100] =	vst v63  }
0x249: {  	s28 =	sadd.s32 $0x180, s19  }
0x24a: {  	[hbm4b:s28+s3] =	stream.linear.scatter [tilespmem:s26], [sflag:$0x2], $0x80, $0x38;
	[tilespmem:$0x12100] =	vst v63  }
0x24b: {  	s29 =	sadd.s32 $0x200, s19  }
0x24c: {  	[hbm4b:s29+s3] =	stream.linear.scatter [tilespmem:s24], [sflag:$0x2], $0x80, $0x38;
	[tilespmem:$0x12100] =	vst v63  }
0x24d: {  	s30 =	sadd.s32 $0x280, s19  }
0x24e: {  	[hbm4b:s30+s3] =	stream.linear.scatter [tilespmem:s25], [sflag:$0x2], $0x80, $0x38;
	[tilespmem:$0x12100] =	vst v63  }
0x24f: {  	s31 =	sadd.s32 $0x300, s19  }
0x250: {  	[hbm4b:s31+s3] =	stream.linear.scatter [tilespmem:s9], [sflag:$0x2], $0x80, $0x38;
	[tilespmem:$0x12100] =	vst v63  }
0x251: {  	s6 =	sadd.s32 $0x380, s19  }
0x252: {  	[hbm4b:s6+s3] =	stream.linear.scatter [tilespmem:s22], [sflag:$0x2], $0x80, $0x38;
	[tilespmem:$0x12100] =	vst v63  }
.LBB2_9:
0x253: {  	s19 =	sshll.u32 s12, $0x2;
	p0 =	sgt.s32 s4, s5  }
0x254: {  	s13 =	sadd.s32 s4, s19;
	s5 =	smov.u32 @p0 s4  }
0x255: {  	p0 =	sge.s32 s13, s5  }
.Ltmp10:
0x256: {  	_ = 	snop;
	(pc) =	sbr.rel @p0 .LBB2_15-.Ltmp10, $1  }
0x257: {  	_ =	sdelay $0x3  }
0x258: {  	s6 =	sand.u32 $0xE000, s17;
	s10 =	rddreg [dreg:$0x5];
	s11 =	sshll.u32 s12, $0x9  }
0x259: {  	s31 =	sshll.u32 s4, $0x7;
	s12 =	sadd.s32 $0x1, s13;
	p0 =	por $0x0, $0x0  }
0x25a: {  	s6 =	sor.u32 s0, s6;
	s10 =	sadd.s32 s4, s10;
	p1 =	slt.s32 s12, s5  }
.Ltmp11:
0x25b: {  	s13 =	sadd.s32 s31, s11;
	s22 =	sadd.s32 $0x2100, s6;
	(pc) =	sbr.rel @!p1 .LBB2_11-.Ltmp11, $4  }
0x25c: {  	s20 =	sadd.s32 $0x2500, s6;
	s18 =	sadd.s32 $0x2900, s6;
	s17 =	sadd.s32 $0x2D00, s6  }
0x25d: {  	s15 =	sadd.s32 $0x3100, s6;
	s9 =	sadd.s32 $0x3500, s6;
	s10 =	sadd.s32 s19, s10  }
0x25e: {  	s0 =	sadd.s32 $0x3900, s6;
	s6 =	sadd.s32 $0x3D00, s6;
	s10 =	sshll.u32 s10, $0xA  }
0x25f: {  	s19 =	sand.u32 $0x380, s13;
	s24 =	sand.u32 $0xFFFFE000, s10;
	s25 =	sadd.s32 $0x400, s10  }
0x260: {  	s4 =	sor.u32 s19, s24  }
0x261: {  	s4 =	sshrl.u32 s4, $0x3  }
0x262: {  	s4 =	sadd.s32 s1, s4  }
0x263: {  	[hbm4b:s4+s3] =	stream.linear.scatter [tilespmem:s22], [sflag:$0x2], $0x80, $0x38;
	[tilespmem:$0x12100] =	vst v63  }
0x264: {  	s10 =	sadd.s32 $0x80, s4  }
0x265: {  	[hbm4b:s10+s3] =	stream.linear.scatter [tilespmem:s20], [sflag:$0x2], $0x80, $0x38;
	[tilespmem:$0x12100] =	vst v63  }
0x266: {  	s12 =	sadd.s32 $0x1, s12;
	s28 =	sadd.s32 $0x100, s4  }
0x267: {  	[hbm4b:s28+s3] =	stream.linear.scatter [tilespmem:s18], [sflag:$0x2], $0x80, $0x38;
	[tilespmem:$0x12100] =	vst v63  }
0x268: {  	p1 =	slt.s32 s12, s5;
	s29 =	sadd.s32 $0x180, s4  }
0x269: {  	[hbm4b:s29+s3] =	stream.linear.scatter [tilespmem:s17], [sflag:$0x2], $0x80, $0x38;
	[tilespmem:$0x12100] =	vst v63  }
.Ltmp12:
0x26a: {  	s13 =	sadd.s32 $0x80, s13;
	s24 =	sand.u32 $0xFFFFE000, s25;
	(pc) =	sbr.rel @!p1 .LBB2_14-.Ltmp12, $4  }
0x26b: {  	s25 =	sadd.s32 $0x400, s25;
	p0 =	por $0x1, $0x1;
	s30 =	sadd.s32 $0x200, s4  }
0x26c: {  	[hbm4b:s30+s3] =	stream.linear.scatter [tilespmem:s15], [sflag:$0x2], $0x80, $0x38;
	[tilespmem:$0x12100] =	vst v63  }
0x26d: {  	s19 =	sand.u32 $0x380, s13;
	s31 =	sadd.s32 $0x280, s4;
	s26 =	sadd.s32 $0x300, s4  }
0x26e: {  	[hbm4b:s31+s3] =	stream.linear.scatter [tilespmem:s9], [sflag:$0x2], $0x80, $0x38;
	[tilespmem:$0x12100] =	vst v63  }
.LBB2_13:
0x26f: {  	[hbm4b:s26+s3] =	stream.linear.scatter [tilespmem:s0], [sflag:$0x2], $0x80, $0x38;
	[tilespmem:$0x12100] =	vst v63  }
0x270: {  	s10 =	sor.u32 s19, s24;
	s24 =	sand.u32 $0xFFFFE000, s25;
	s4 =	sadd.s32 $0x380, s4  }
0x271: {  	s12 =	sadd.s32 $0x1, s12;
	s10 =	sshrl.u32 s10, $0x3  }
0x272: {  	[hbm4b:s4+s3] =	stream.linear.scatter [tilespmem:s6], [sflag:$0x2], $0x80, $0x38;
	[tilespmem:$0x12100] =	vst v63  }
0x273: {  	p1 =	slt.s32 s12, s5;
	s4 =	sadd.s32 s1, s10  }
0x274: {  	[hbm4b:s4+s3] =	stream.linear.scatter [tilespmem:s22], [sflag:$0x2], $0x80, $0x38;
	[tilespmem:$0x12100] =	vst v63  }
0x275: {  	s10 =	sadd.s32 $0x80, s4  }
0x276: {  	[hbm4b:s10+s3] =	stream.linear.scatter [tilespmem:s20], [sflag:$0x2], $0x80, $0x38;
	[tilespmem:$0x12100] =	vst v63  }
0x277: {  	s10 =	sadd.s32 $0x100, s4  }
0x278: {  	[hbm4b:s10+s3] =	stream.linear.scatter [tilespmem:s18], [sflag:$0x2], $0x80, $0x38;
	[tilespmem:$0x12100] =	vst v63  }
0x279: {  	s10 =	sadd.s32 $0x180, s4  }
0x27a: {  	[hbm4b:s10+s3] =	stream.linear.scatter [tilespmem:s17], [sflag:$0x2], $0x80, $0x38;
	[tilespmem:$0x12100] =	vst v63  }
.Ltmp13:
0x27b: {  	s10 =	sadd.s32 $0x200, s4;
	(pc) =	sbr.rel @p1 .LBB2_13-.Ltmp13, $4  }
0x27c: {  	[hbm4b:s10+s3] =	stream.linear.scatter [tilespmem:s15], [sflag:$0x2], $0x80, $0x38;
	[tilespmem:$0x12100] =	vst v63  }
0x27d: {  	s13 =	sadd.s32 $0x80, s13;
	s10 =	sadd.s32 $0x280, s4  }
0x27e: {  	[hbm4b:s10+s3] =	stream.linear.scatter [tilespmem:s9], [sflag:$0x2], $0x80, $0x38;
	[tilespmem:$0x12100] =	vst v63  }
0x27f: {  	s25 =	sadd.s32 $0x400, s25;
	s19 =	sand.u32 $0x380, s13;
	s26 =	sadd.s32 $0x300, s4  }
.Ltmp14:
0x280: {  	_ = 	snop;
	(pc) =	sbr.rel .LBB2_14-.Ltmp14, $1  }
0x281: {  	_ =	sdelay $0x3  }
.LBB2_5:
.Ltmp15:
0x282: {  	(pc) =	sbr.rel .LBB2_8-.Ltmp15, $2  }
0x283: {  	_ =	sdelay $0x2  }
0x284: {  	_ = 	snop  }
.LBB2_16:
0x285: {  	s7 =	rddreg [dreg:$0xf]  }
0x286: {  	s4 =	rddreg [dreg:$0x11]  }
0x287: {  	s0 =	ssub.s32 s7, s4;
	p0 =	sne.s32 s7, s4;
	s4 =	simm.s32 $0x1  }
0x288: {  	s5 =	sshra.s32 s0, $0x1F;
	s4 =	simm.s32 @!p0 $0x0  }
0x289: {  	s6 =	sand.u32 $0x7, s0;
	s4 =	sor.u32 s4, s5  }
0x28a: {  	p1 =	sne.s32 s6, $0x0;
	p6 =	sne.s32 s4, $0x1  }
0x28b: {  	s31 =	sshrl.u32 s5, $0x1D;
	p0 =	por !p1, !p6  }
0x28c: {  	s5 =	simm.s32 $0x1;
	s4 =	sadd.s32 s31, s0;
	p0 =	por !p0, !p0  }
0x28d: {  	s4 =	sshra.s32 s4, $0x3;
	s5 =	simm.s32 @!p0 $0x0  }
0x28e: {  	s4 =	ssub.s32 s4, s5  }
0x28f: {  	p0 =	slt.s32 s4, $0x1  }
.Ltmp16:
0x290: {  	_ = 	snop;
	(pc) =	sbr.rel @p0 .LBB2_20-.Ltmp16, $2  }
0x291: {  	_ =	sdelay $0x2  }
0x292: {  	s18 =	simm.s32 $0x1100;
	s19 =	simm.s32 $0x1500  }
0x293: {  	p0 =	sne.s32 s4, $0x1  }
.Ltmp17:
0x294: {  	_ = 	snop;
	(pc) =	sbr.rel @!p0 .LBB2_19-.Ltmp17, $3  }
0x295: {  	_ =	sdelay $0x1  }
0x296: {  	_ =	swait.ge [sflag:s23], $0x2000  }
0x297: {  	s5 =	sadd.s32 $0xFFFFFFFF, s4;
	[sflag:s23] =	ssyncset.done $0x0  }
.LBB2_18:
0x298: {  	p0 =	sne.s32 s5, $0x1;
	s5 =	sadd.s32 $0xFFFFFFFF, s5;
	[sflag:s23] =	ssyncadd.s32 $0xFFFFE000  }
.Ltmp18:
0x299: {  	(pc) =	sbr.rel @p0 .LBB2_18-.Ltmp18, $3  }
0x29a: {  	_ =	sdelay $0x1  }
0x29b: {  	_ =	swait.ge [sflag:s23], $0x2000  }
0x29c: {  	[sflag:s23] =	ssyncset.done $0x0  }
.LBB2_19:
0x29d: {  	[sflag:s23] =	ssyncadd.s32 $0xFFFFE000  }
.LBB2_20:
0x29e: {  	s4 =	sshll.u32 s4, $0x3  }
0x29f: {  	s0 =	ssub.s32 s0, s4  }
0x2a0: {  	p0 =	slt.s32 s0, $0x1  }
.Ltmp19:
0x2a1: {  	_ = 	snop;
	(pc) =	sbr.rel @p0 .LBB2_24-.Ltmp19, $2  }
0x2a2: {  	_ =	sdelay $0x2  }
0x2a3: {  	s17 =	simm.s32 $0xD00;
	s6 =	rddreg [dreg:$0x10];
	s4 =	simm.s32 $0x0  }
0x2a4: {  	s4 =	sadd.s32 $0x1, s4  }
0x2a5: {  	p0 =	slt.s32 s4, s0  }
.Ltmp20:
0x2a6: {  	_ = 	snop;
	(pc) =	sbr.rel @!p0 .LBB2_23-.Ltmp20, $3  }
0x2a7: {  	_ =	sdelay $0x1  }
0x2a8: {  	_ =	swait.ge [sflag:s23], $0x400  }
0x2a9: {  	[sflag:s23] =	ssyncset.done $0x0  }
.LBB2_22:
0x2aa: {  	s4 =	sadd.s32 $0x1, s4  }
0x2ab: {  	[sflag:s23] =	ssyncadd.s32 $0xFFFFFC00;
	p0 =	slt.s32 s4, s0  }
.Ltmp21:
0x2ac: {  	(pc) =	sbr.rel @p0 .LBB2_22-.Ltmp21, $3  }
0x2ad: {  	_ =	sdelay $0x1  }
0x2ae: {  	_ =	swait.ge [sflag:s23], $0x400  }
0x2af: {  	[sflag:s23] =	ssyncset.done $0x0  }
.Ltmp22:
0x2b0: {  	_ = 	snop;
	(pc) =	sbr.rel .LBB2_23-.Ltmp22, $1  }
0x2b1: {  	_ =	sdelay $0x3  }
.LBB2_25:
0x2b2: {  	s0 =	rddreg [dreg:$0x3]  }
0x2b3: {  	p0 =	sgt.s32 s0, s16  }
0x2b4: {  	s6 =	rddreg [dreg:$0x4];
	s16 =	smov.u32 @p0 s0  }
0x2b5: {  	s0 =	smin.u32 s6, s16  }
0x2b6: {  	s4 =	sadd.s32 $0x7, s0  }
0x2b7: {  	s5 =	sand.u32 $0x3FF8, s4  }
0x2b8: {  	s4 =	smin.u32 s5, s6  }
0x2b9: {  	p0 =	sge.u32 s16, s4  }
.Ltmp23:
0x2ba: {  	_ = 	snop;
	(pc) =	sbr.rel @p0 .LBB2_28-.Ltmp23, $3  }
0x2bb: {  	_ =	sdelay $0x1  }
0x2bc: {  	s11 =	simm.s32 $0x100;
	s15 =	simm.s32 $0x500  }
0x2bd: {  	s20 =	simm.s32 $0x1900;
	s21 =	simm.s32 $0x1D00;
	s16 =	simm.s32 $0x900  }
0x2be: {  	s6 =	sshll.u32 s0, $0xA;
	s7 =	rddreg [dreg:$0xc]  }
0x2bf: {  	s6 =	sadd.s32 s6, s7;
	s7 =	sadd.s32 $0x1, s0  }
0x2c0: {  	p1 =	slt.u32 s7, s4  }
.Ltmp24:
0x2c1: {  	_ = 	snop;
	(pc) =	sbr.rel @!p1 .LBB2_27-.Ltmp24, $3  }
0x2c2: {  	_ =	sdelay $0x1  }
0x2c3: {  	s8 =	sshll.u32 s0, $0x7;
	p0 =	por $0x0, $0x0  }
0x2c4: {  	s13 =	sand.u32 $0x380, s8;
	s9 =	sand.u32 $0xFFFFE000, s6;
	s12 =	sadd.s32 $0x400, s6  }
0x2c5: {  	s6 =	sor.u32 s13, s9  }
0x2c6: {  	s6 =	sshrl.u32 s6, $0x3  }
0x2c7: {  	s6 =	sadd.s32 s1, s6  }
0x2c8: {  	[hbm4b:s6+s3] =	stream.linear.scatter [tilespmem:s11], [sflag:$0x2], $0x80, $0x38;
	[tilespmem:$0x12100] =	vst v63  }
0x2c9: {  	s26 =	sadd.s32 $0x80, s6  }
0x2ca: {  	[hbm4b:s26+s3] =	stream.linear.scatter [tilespmem:s15], [sflag:$0x2], $0x80, $0x38;
	[tilespmem:$0x12100] =	vst v63  }
0x2cb: {  	s7 =	sadd.s32 $0x1, s7;
	s28 =	sadd.s32 $0x100, s6  }
0x2cc: {  	[hbm4b:s28+s3] =	stream.linear.scatter [tilespmem:s16], [sflag:$0x2], $0x80, $0x38;
	[tilespmem:$0x12100] =	vst v63  }
0x2cd: {  	p1 =	slt.u32 s7, s4;
	s29 =	sadd.s32 $0x180, s6  }
0x2ce: {  	[hbm4b:s29+s3] =	stream.linear.scatter [tilespmem:s17], [sflag:$0x2], $0x80, $0x38;
	[tilespmem:$0x12100] =	vst v63  }
.Ltmp25:
0x2cf: {  	s8 =	sadd.s32 $0x80, s8;
	s9 =	sand.u32 $0xFFFFE000, s12;
	(pc) =	sbr.rel @!p1 .LBB2_44-.Ltmp25, $4  }
0x2d0: {  	s12 =	sadd.s32 $0x400, s12;
	p0 =	por $0x1, $0x1;
	s30 =	sadd.s32 $0x200, s6  }
0x2d1: {  	[hbm4b:s30+s3] =	stream.linear.scatter [tilespmem:s18], [sflag:$0x2], $0x80, $0x38;
	[tilespmem:$0x12100] =	vst v63  }
0x2d2: {  	s13 =	sand.u32 $0x380, s8;
	s31 =	sadd.s32 $0x280, s6;
	s14 =	sadd.s32 $0x300, s6  }
0x2d3: {  	[hbm4b:s31+s3] =	stream.linear.scatter [tilespmem:s19], [sflag:$0x2], $0x80, $0x38;
	[tilespmem:$0x12100] =	vst v63  }
.LBB2_43:
0x2d4: {  	[hbm4b:s14+s3] =	stream.linear.scatter [tilespmem:s20], [sflag:$0x2], $0x80, $0x38;
	[tilespmem:$0x12100] =	vst v63  }
0x2d5: {  	s10 =	sor.u32 s13, s9;
	s9 =	sand.u32 $0xFFFFE000, s12;
	s6 =	sadd.s32 $0x380, s6  }
0x2d6: {  	s7 =	sadd.s32 $0x1, s7;
	s10 =	sshrl.u32 s10, $0x3  }
0x2d7: {  	[hbm4b:s6+s3] =	stream.linear.scatter [tilespmem:s21], [sflag:$0x2], $0x80, $0x38;
	[tilespmem:$0x12100] =	vst v63  }
0x2d8: {  	p1 =	slt.u32 s7, s4;
	s6 =	sadd.s32 s1, s10  }
0x2d9: {  	[hbm4b:s6+s3] =	stream.linear.scatter [tilespmem:s11], [sflag:$0x2], $0x80, $0x38;
	[tilespmem:$0x12100] =	vst v63  }
0x2da: {  	s10 =	sadd.s32 $0x80, s6  }
0x2db: {  	[hbm4b:s10+s3] =	stream.linear.scatter [tilespmem:s15], [sflag:$0x2], $0x80, $0x38;
	[tilespmem:$0x12100] =	vst v63  }
0x2dc: {  	s10 =	sadd.s32 $0x100, s6  }
0x2dd: {  	[hbm4b:s10+s3] =	stream.linear.scatter [tilespmem:s16], [sflag:$0x2], $0x80, $0x38;
	[tilespmem:$0x12100] =	vst v63  }
0x2de: {  	s10 =	sadd.s32 $0x180, s6  }
0x2df: {  	[hbm4b:s10+s3] =	stream.linear.scatter [tilespmem:s17], [sflag:$0x2], $0x80, $0x38;
	[tilespmem:$0x12100] =	vst v63  }
.Ltmp26:
0x2e0: {  	s10 =	sadd.s32 $0x200, s6;
	(pc) =	sbr.rel @p1 .LBB2_43-.Ltmp26, $4  }
0x2e1: {  	[hbm4b:s10+s3] =	stream.linear.scatter [tilespmem:s18], [sflag:$0x2], $0x80, $0x38;
	[tilespmem:$0x12100] =	vst v63  }
0x2e2: {  	s8 =	sadd.s32 $0x80, s8;
	s10 =	sadd.s32 $0x280, s6  }
0x2e3: {  	[hbm4b:s10+s3] =	stream.linear.scatter [tilespmem:s19], [sflag:$0x2], $0x80, $0x38;
	[tilespmem:$0x12100] =	vst v63  }
0x2e4: {  	s12 =	sadd.s32 $0x400, s12;
	s13 =	sand.u32 $0x380, s8;
	s14 =	sadd.s32 $0x300, s6  }
.LBB2_44:
0x2e5: {  	[hbm4b:s14+s3] =	stream.linear.scatter @p0 [tilespmem:s20], [sflag:$0x2], $0x80, $0x38;
	[tilespmem:$0x12100] =	vst v63  }
0x2e6: {  	s7 =	sor.u32 s13, s9  }
0x2e7: {  	s6 =	sadd.s32 @p0 $0x380, s6;
	s7 =	sshrl.u32 s7, $0x3  }
0x2e8: {  	[hbm4b:s6+s3] =	stream.linear.scatter @p0 [tilespmem:s21], [sflag:$0x2], $0x80, $0x38;
	[tilespmem:$0x12100] =	vst v63  }
0x2e9: {  	s25 =	sadd.s32 s1, s7  }
0x2ea: {  	[hbm4b:s25+s3] =	stream.linear.scatter [tilespmem:s11], [sflag:$0x2], $0x80, $0x38;
	[tilespmem:$0x12100] =	vst v63  }
0x2eb: {  	s7 =	sadd.s32 $0x80, s25  }
0x2ec: {  	[hbm4b:s7+s3] =	stream.linear.scatter [tilespmem:s15], [sflag:$0x2], $0x80, $0x38;
	[tilespmem:$0x12100] =	vst v63  }
0x2ed: {  	s26 =	sadd.s32 $0x100, s25  }
0x2ee: {  	[hbm4b:s26+s3] =	stream.linear.scatter [tilespmem:s16], [sflag:$0x2], $0x80, $0x38;
	[tilespmem:$0x12100] =	vst v63  }
0x2ef: {  	s28 =	sadd.s32 $0x180, s25  }
0x2f0: {  	[hbm4b:s28+s3] =	stream.linear.scatter [tilespmem:s17], [sflag:$0x2], $0x80, $0x38;
	[tilespmem:$0x12100] =	vst v63  }
0x2f1: {  	s29 =	sadd.s32 $0x200, s25  }
0x2f2: {  	[hbm4b:s29+s3] =	stream.linear.scatter [tilespmem:s18], [sflag:$0x2], $0x80, $0x38;
	[tilespmem:$0x12100] =	vst v63  }
0x2f3: {  	s30 =	sadd.s32 $0x280, s25  }
0x2f4: {  	[hbm4b:s30+s3] =	stream.linear.scatter [tilespmem:s19], [sflag:$0x2], $0x80, $0x38;
	[tilespmem:$0x12100] =	vst v63  }
0x2f5: {  	s31 =	sadd.s32 $0x300, s25  }
0x2f6: {  	[hbm4b:s31+s3] =	stream.linear.scatter [tilespmem:s20], [sflag:$0x2], $0x80, $0x38;
	[tilespmem:$0x12100] =	vst v63  }
0x2f7: {  	s6 =	sadd.s32 $0x380, s25;
	s7 =	rddreg [dreg:$0xf]  }
0x2f8: {  	[hbm4b:s6+s3] =	stream.linear.scatter [tilespmem:s21], [sflag:$0x2], $0x80, $0x38;
	[tilespmem:$0x12100] =	vst v63  }
.LBB2_28:
0x2f9: {  	s6 =	rddreg [dreg:$0x4]  }
0x2fa: {  	p0 =	sle.u32 s6, s5  }
.Ltmp27:
0x2fb: {  	_ = 	snop;
	(pc) =	sbr.rel @p0 .LBB2_32-.Ltmp27, $1  }
0x2fc: {  	_ =	sdelay $0x3  }
0x2fd: {  	s5 =	rddreg [dreg:$0xd]  }
0x2fe: {  	s5 =	ssub.s32 s5, s4  }
0x2ff: {  	s5 =	sshrl.u32 s5, $0x3  }
0x300: {  	s5 =	smax.u32 s5, $0x1  }
0x301: {  	s6 =	rddreg [dreg:$0x5];
	s30 =	ssub.s32 $0x0, s5  }
0x302: {  	s29 =	sadd.s32 s6, s4;
	s4 =	sadd.s32 $0x1, s30  }
0x303: {  	p0 =	seq.s32 s4, $0x0  }
.Ltmp28:
0x304: {  	_ = 	snop;
	(pc) =	sbr.rel @p0 .LBB2_31-.Ltmp28, $4  }
0x305: {  	s6 =	sshll.u32 s29, $0x7  }
0x306: {  	s31 =	sand.u32 $0x7FFC00, s6  }
0x307: {  	s6 =	sand.u32 $0x1FFFFC00, s31  }
0x308: {  	s5 =	sadd.s32 $0x400, s31;
	s6 =	sadd.s32 s1, s6  }
.LBB2_30:
0x309: {  	[hbm4b:s6+s3] =	stream.linear.scatter [tilespmem:s11], [sflag:$0x2], $0x2000, $0x38;
	[tilespmem:$0x12100] =	vst v63  }
0x30a: {  	s4 =	sadd.s32 $0x1, s4  }
0x30b: {  	p0 =	seq.s32 s4, $0x0  }
.Ltmp29:
0x30c: {  	(pc) =	sbr.rel @!p0 .LBB2_30-.Ltmp29, $3  }
0x30d: {  	_ =	sdelay $0x1  }
0x30e: {  	s6 =	sand.u32 $0x1FFFFC00, s5  }
0x30f: {  	s5 =	sadd.s32 $0x400, s5;
	s6 =	sadd.s32 s1, s6  }
.LBB2_31:
0x310: {  	[hbm4b:s6+s3] =	stream.linear.scatter [tilespmem:s11], [sflag:$0x2], $0x2000, $0x38;
	[tilespmem:$0x12100] =	vst v63  }
.LBB2_32:
0x311: {  	s4 =	rddreg [dreg:$0x4]  }
0x312: {  	s29 =	sadd.s32 s7, s0;
	s2 =	sadd.s32 s4, s2  }
0x313: {  	s0 =	ssub.s32 s2, s29;
	p0 =	sne.s32 s2, s29;
	s2 =	simm.s32 $0x1  }
0x314: {  	s30 =	sshra.s32 s0, $0x1F;
	s2 =	simm.s32 @!p0 $0x0  }
0x315: {  	s5 =	sand.u32 $0x7, s0;
	s2 =	sor.u32 s2, s30  }
0x316: {  	p1 =	sne.s32 s5, $0x0;
	p6 =	sne.s32 s2, $0x1  }
0x317: {  	s31 =	sshrl.u32 s30, $0x1D;
	p0 =	por !p1, !p6  }
0x318: {  	s4 =	simm.s32 $0x1;
	s2 =	sadd.s32 s31, s0;
	p0 =	por !p0, !p0  }
0x319: {  	s2 =	sshra.s32 s2, $0x3;
	s4 =	simm.s32 @!p0 $0x0  }
0x31a: {  	s2 =	ssub.s32 s2, s4  }
0x31b: {  	p0 =	slt.s32 s2, $0x1  }
.Ltmp30:
0x31c: {  	_ = 	snop;
	(pc) =	sbr.rel @p0 .LBB2_36-.Ltmp30, $1  }
0x31d: {  	_ =	sdelay $0x3  }
0x31e: {  	p0 =	sne.s32 s2, $0x1  }
.Ltmp31:
0x31f: {  	_ = 	snop;
	(pc) =	sbr.rel @!p0 .LBB2_35-.Ltmp31, $3  }
0x320: {  	_ =	sdelay $0x1  }
0x321: {  	_ =	swait.ge [sflag:s23], $0x2000  }
0x322: {  	s4 =	sadd.s32 $0xFFFFFFFF, s2;
	[sflag:s23] =	ssyncset.done $0x0  }
.LBB2_34:
0x323: {  	p0 =	sne.s32 s4, $0x1;
	s4 =	sadd.s32 $0xFFFFFFFF, s4;
	[sflag:s23] =	ssyncadd.s32 $0xFFFFE000  }
.Ltmp32:
0x324: {  	(pc) =	sbr.rel @p0 .LBB2_34-.Ltmp32, $3  }
0x325: {  	_ =	sdelay $0x1  }
0x326: {  	_ =	swait.ge [sflag:s23], $0x2000  }
0x327: {  	[sflag:s23] =	ssyncset.done $0x0  }
.LBB2_35:
0x328: {  	[sflag:s23] =	ssyncadd.s32 $0xFFFFE000  }
.LBB2_36:
0x329: {  	s2 =	sshll.u32 s2, $0x3  }
0x32a: {  	s0 =	ssub.s32 s0, s2  }
0x32b: {  	p0 =	slt.s32 s0, $0x1  }
.Ltmp33:
0x32c: {  	_ = 	snop;
	(pc) =	sbr.rel @p0 .LBB2_40-.Ltmp33, $2  }
0x32d: {  	_ =	sdelay $0x2  }
0x32e: {  	s4 =	rddreg [dreg:$0xe];
	s2 =	simm.s32 $0x0  }
0x32f: {  	s2 =	sadd.s32 $0x1, s2  }
0x330: {  	p0 =	slt.s32 s2, s0  }
.Ltmp34:
0x331: {  	_ = 	snop;
	(pc) =	sbr.rel @!p0 .LBB2_39-.Ltmp34, $3  }
0x332: {  	_ =	sdelay $0x1  }
0x333: {  	_ =	swait.ge [sflag:s23], $0x400  }
0x334: {  	[sflag:s23] =	ssyncset.done $0x0  }
.LBB2_38:
0x335: {  	s2 =	sadd.s32 $0x1, s2  }
0x336: {  	[sflag:s23] =	ssyncadd.s32 $0xFFFFFC00;
	p0 =	slt.s32 s2, s0  }
.Ltmp35:
0x337: {  	(pc) =	sbr.rel @p0 .LBB2_38-.Ltmp35, $3  }
0x338: {  	_ =	sdelay $0x1  }
0x339: {  	_ =	swait.ge [sflag:s23], $0x400  }
0x33a: {  	[sflag:s23] =	ssyncset.done $0x0  }
.Ltmp36:
0x33b: {  	_ = 	snop;
	(pc) =	sbr.rel .LBB2_39-.Ltmp36, $1  }
0x33c: {  	_ =	sdelay $0x3  }
.LBB2_27:
.Ltmp37:
0x33d: {  	(pc) =	sbr.rel .LBB2_44-.Ltmp37, $2  }
0x33e: {  	_ =	sdelay $0x2  }
0x33f: {  	_ = 	snop  }
.LBB2_41:
0x340: {  	_ =	sfence.sel $0x180000  }
0x341: {  	[bflag:$0x0] =	sbarrier.arrive $0xFFFF  }
0x342: {  	_ =	strace $0x90000047  }
0x343: {  	s0 =	stileid.u32;
	[bflag:$0x2] =	sbarrier.arrive $0xFFFF  }
0x344: {  	p0 =	sne.s32 s0, $0x0;
	s0 =	rddreg [dreg:$0x2]  }
0x345: {  	s0 =	sadd.s32 @!p0 $0x100000, s0  }
0x346: {  	[sflag:s0] =	ssyncadd.tile.s32 @!p0 $0x1;
	_ =	shalt  }
.Lfunc_end2:
_tile_overlayer_lowered:
.L_overlay_start_2:
0x347: {  	(tag) =	ssettag $0x2  }
0x348: {  	s0 =	rddreg [dreg:$0x0];
	s2 =	stileid.u32  }
0x349: {  	s1 =	rddreg [dreg:$0x1];
	p0 =	sne.s32 s2, $0x0  }
0x34a: {  	s3 =	rddreg [dreg:$0x2];
	[bflag:$0x3] =	sbarrier.arrive $0xFFFF;
	s2 =	simm.s32 @!p0 $0x1C03  }
0x34b: {  	[timem:s3], [sflag:s2] =	dma.local @!p0 [hbm:s0], s1  }
0x34c: {  	s0 =	simm.s32 @!p0 $0x3  }
0x34d: {  	_ =	swait.ge @!p0 [sflag:s0], s1  }
0x34e: {  	s1 =	ssub.s32 @!p0 $0x0, s1;
	[sflag:s0] =	ssyncset.done @!p0 $0x0  }
0x34f: {  	[sflag:s0] =	ssyncadd.s32 @!p0 s1  }
0x350: {  	[bflag:$0x3] =	sbarrier.arrive $0xFFFF  }
0x351: {  	_ =	shalt  }

</sc_bundles>
